<compile_context>
chip_gen: v7x
topology: tpu7x:2x2x1
jax: 0.10.2.dev20260603
libtpu: 0.0.44.dev20260713+nightly
codegen_flags: <defaults>
</compile_context>

<pallas_src>
import functools

import jax
import jax.numpy as jnp
from jax import lax
from jax.experimental import pallas as pl
from jax.experimental.pallas import tpu as pltpu
from jax.experimental.pallas import tpu_sc as plsc

MAX_DEG = 512
EMBED = 64
B = 16
N = 4096
TOTAL_ROWS = B * N
NUM_WORKERS = 32
ROWS_PER_WORKER = TOTAL_ROWS // NUM_WORKERS
CHUNK = 128
NCHUNKS = ROWS_PER_WORKER // CHUNK
GROUPS = CHUNK // 16


def _body(din_hbm, dout_hbm, tin_hbm, tout_hbm, out_hbm,
          tin_v, tout_v, din_v, dout_v, obuf, sems):
    nc = 2
    wid = lax.axis_index("s") * nc + lax.axis_index("c")
    batch = wid // 2
    half = (wid % 2) * (N // 2)

    pltpu.sync_copy(tin_hbm, tin_v)
    pltpu.sync_copy(tout_hbm, tout_v)
    pltpu.sync_copy(din_hbm.at[batch, pl.ds(half, ROWS_PER_WORKER)], din_v)
    pltpu.sync_copy(dout_hbm.at[batch, pl.ds(half, ROWS_PER_WORKER)], dout_v)

    zeros16 = jnp.zeros((16,), jnp.int32)
    max16 = jnp.full((16,), MAX_DEG, jnp.int32)
    step16 = jnp.full((16,), MAX_DEG + 1, jnp.int32)

    def compute_chunk(ci, cbase):
        @plsc.parallel_loop(0, GROUPS, unroll=1)
        def _group(g):
            off = ci * CHUNK + g * 16
            ii = jnp.minimum(jnp.maximum(din_v[pl.ds(off, 16)], zeros16), max16)
            oo = jnp.minimum(jnp.maximum(dout_v[pl.ds(off, 16)], zeros16), max16)
            col = cbase + g * 16
            for e in range(EMBED):
                vi = plsc.load_gather(tin_v, [ii + e * (MAX_DEG + 1)])
                vo = plsc.load_gather(tout_v, [oo + e * (MAX_DEG + 1)])
                obuf[e, pl.ds(col, 16)] = vi + vo

    def out_slice(ci):
        return out_hbm.at[batch, :, pl.ds(half + ci * CHUNK, CHUNK)]

    @pl.loop(0, NCHUNKS)
    def _chunk(ci):
        b = ci % 2
        cbase = b * CHUNK

        @pl.when(ci >= 2)
        def _():
            pltpu.make_async_copy(obuf.at[:, pl.ds(cbase, CHUNK)],
                                  out_slice(ci - 2), sems.at[b]).wait()

        compute_chunk(ci, cbase)
        pltpu.make_async_copy(obuf.at[:, pl.ds(cbase, CHUNK)],
                              out_slice(ci), sems.at[b]).start()

    for b in range(2):
        pltpu.make_async_copy(obuf.at[:, pl.ds(b * CHUNK, CHUNK)],
                              out_slice(NCHUNKS - 2 + b), sems.at[b]).wait()


def kernel(in_degree, out_degree, table_in, table_out):
    mesh = plsc.VectorSubcoreMesh(core_axis_name="c", subcore_axis_name="s")
    run = functools.partial(
        pl.kernel,
        mesh=mesh,
        compiler_params=pltpu.CompilerParams(needs_layout_passes=False),
        out_type=jax.ShapeDtypeStruct((B, EMBED, N), jnp.float32),
        scratch_types=[
            pltpu.VMEM((EMBED * (MAX_DEG + 1),), jnp.float32),
            pltpu.VMEM((EMBED * (MAX_DEG + 1),), jnp.float32),
            pltpu.VMEM((ROWS_PER_WORKER,), jnp.int32),
            pltpu.VMEM((ROWS_PER_WORKER,), jnp.int32),
            pltpu.VMEM((EMBED, 2 * CHUNK), jnp.float32),
            pltpu.SemaphoreType.DMA((2,)),
        ],
    )(_body)
    out = run(in_degree.astype(jnp.int32), out_degree.astype(jnp.int32),
              table_in.T.reshape(-1), table_out.T.reshape(-1))
    return out.transpose(0, 2, 1)

# --- scband reference (transcript-rebuilt; emitter-appended) ---
"""Pipeline reference for scband-degree-encoder-batch-29643864277538 (READ-ONLY COPY).

The authoritative reference and input builder live on the scoring server;
editing this copy changes nothing except your own understanding.
"""

import jax, jax.numpy as jnp
import numpy as np

MAX_DEGREE = 512
EMBED_DIM = 64
B = 16
N = 4096

def setup_inputs(seed: int = 0) -> dict:
    key = jax.random.key(seed)
    k1, k2, k3, k4 = jax.random.split(key, 4)
    in_degree = jax.random.randint(k1, (B, N), 0, MAX_DEGREE)
    out_degree = jax.random.randint(k2, (B, N), 0, MAX_DEGREE)
    table_in = jax.random.normal(k3, (MAX_DEGREE + 1, EMBED_DIM), dtype=jnp.float32)
    table_out = jax.random.normal(k4, (MAX_DEGREE + 1, EMBED_DIM), dtype=jnp.float32)
    # nn.Embedding(padding_idx=0): row 0 is zeros
    table_in = table_in.at[0].set(0.0)
    table_out = table_out.at[0].set(0.0)
    return {"in_degree": in_degree, "out_degree": out_degree,
            "table_in": table_in, "table_out": table_out}

def reference(in_degree, out_degree, table_in, table_out):
    # DegreeEncoder(direction='both') over pad_sequence'd per-graph degrees:
    # stacked degrees shape (2, B, N); embedding of in-degrees via encoder1
    # plus embedding of out-degrees via encoder2, after clamping to max_degree.
    d_in = jnp.clip(in_degree, 0, MAX_DEGREE)
    d_out = jnp.clip(out_degree, 0, MAX_DEGREE)
    emb = jnp.take(table_in, d_in, axis=0) + jnp.take(table_out, d_out, axis=0)
    return emb

if __name__ == "__main__":
    import jax
    _d = setup_inputs()
    print(jax.jit(kernel)(*tuple(_d.values())))

</pallas_src>

<mosaic_0001>
#map = affine_map<(d0, d1) -> (0, 0)>
#map1 = affine_map<(d0, d1) -> (0)>
#map2 = affine_map<(d0, d1) -> (0, 0, 0)>
module attributes {stable_mosaic.version = 14 : i64} {
  func.func @_body(%arg0: i32, %arg1: i32, %arg2: memref<16x4096xi32, #tpu.memory_space<hbm>>, %arg3: memref<16x4096xi32, #tpu.memory_space<hbm>>, %arg4: memref<32832xf32, #tpu.memory_space<hbm>>, %arg5: memref<32832xf32, #tpu.memory_space<hbm>>, %arg6: memref<16x64x4096xf32, #tpu.memory_space<hbm>>, %arg7: memref<32832xf32, #tpu.memory_space<vmem>>, %arg8: memref<32832xf32, #tpu.memory_space<vmem>>, %arg9: memref<2048xi32, #tpu.memory_space<vmem>>, %arg10: memref<2048xi32, #tpu.memory_space<vmem>>, %arg11: memref<64x256xf32, #tpu.memory_space<vmem>>, %arg12: memref<2x!tpu.dma_semaphore, #tpu.memory_space<semaphore_mem>>) attributes {dimension_semantics = [#tpu.dimension_semantics<core_parallel>, #tpu.dimension_semantics<subcore_parallel>], iteration_bounds = array<i64: 2, 16>, scalar_prefetch = 0 : i64, scratch_operands = 6 : i64, tpu.core_type = #tpu.core_type<sc_vector_subcore>, window_params = [{transform_indices = #map}, {transform_indices = #map}, {transform_indices = #map1}, {transform_indices = #map1}, {transform_indices = #map2}]} {
    %mul3A = arith.constant 2 : i32
    %mul3A_0 = arith.muli %arg1, %mul3A : i32
    %add3A = arith.addi %mul3A_0, %arg0 : i32
    %jit3A = arith.constant 2 : i32
    %div3A = arith.divsi %add3A, %jit3A : i32
    %sign3A = arith.constant 0 : i32
    %sign3A_1 = arith.cmpi sgt, %add3A, %sign3A : i32
    %sign3A_2 = arith.extui %sign3A_1 : i1 to i32
    %sign3A_3 = arith.constant 0 : i32
    %sign3A_4 = arith.cmpi slt, %add3A, %sign3A_3 : i32
    %sign3A_5 = arith.extui %sign3A_4 : i1 to i32
    %sign3A_6 = arith.subi %sign3A_2, %sign3A_5 : i32
    %sign3A_7 = arith.constant 0 : i32
    %sign3A_8 = arith.cmpi sgt, %jit3A, %sign3A_7 : i32
    %sign3A_9 = arith.extui %sign3A_8 : i1 to i32
    %sign3A_10 = arith.constant 0 : i32
    %sign3A_11 = arith.cmpi slt, %jit3A, %sign3A_10 : i32
    %sign3A_12 = arith.extui %sign3A_11 : i1 to i32
    %sign3A_13 = arith.subi %sign3A_9, %sign3A_12 : i32
    %ne3A = arith.cmpi ne, %sign3A_6, %sign3A_13 : i32
    %rem3A = arith.remsi %add3A, %jit3A : i32
    %ne3A_14 = arith.constant 0 : i32
    %ne3A_15 = arith.cmpi ne, %rem3A, %ne3A_14 : i32
    %and3A = arith.andi %ne3A, %ne3A_15 : i1
    %sub3A = arith.constant 1 : i32
    %sub3A_16 = arith.subi %div3A, %sub3A : i32
    %select_n3A = arith.select %and3A, %sub3A_16, %div3A : i32
    %jit3A_17 = arith.constant 2 : i32
    %eq3A = arith.constant 0 : i32
    %eq3A_18 = arith.cmpi eq, %jit3A_17, %eq3A : i32
    %jit3A_19 = arith.constant 1 : i32
    %select_n3A_20 = arith.select %eq3A_18, %jit3A_19, %jit3A_17 : i32
    %rem3A_21 = arith.remsi %add3A, %select_n3A_20 : i32
    %ne3A_22 = arith.constant 0 : i32
    %ne3A_23 = arith.cmpi ne, %rem3A_21, %ne3A_22 : i32
    %lt3A = arith.constant 0 : i32
    %lt3A_24 = arith.cmpi slt, %rem3A_21, %lt3A : i32
    %lt3A_25 = arith.constant 0 : i32
    %lt3A_26 = arith.cmpi slt, %select_n3A_20, %lt3A_25 : i32
    %ne3A_27 = arith.xori %lt3A_24, %lt3A_26 : i1
    %and3A_28 = arith.andi %ne3A_27, %ne3A_23 : i1
    %add3A_29 = arith.addi %rem3A_21, %select_n3A_20 : i32
    %select_n3A_30 = arith.select %and3A_28, %add3A_29, %rem3A_21 : i32
    %mul3A_31 = arith.constant 2048 : i32
    %mul3A_32 = arith.muli %select_n3A_30, %mul3A_31 : i32
    "tpu.region"() ({
      %run_scoped3A = tpu.sem_alloc : memref<!tpu.dma_semaphore, #tpu.memory_space<semaphore_mem>>
      tpu.enqueue_dma source(%arg4 : memref<32832xf32, #tpu.memory_space<hbm>>) target(%arg7 : memref<32832xf32, #tpu.memory_space<vmem>>) target_semaphore(%run_scoped3A : memref<!tpu.dma_semaphore, #tpu.memory_space<semaphore_mem>>)
      tpu.wait_dma2 semaphore(%run_scoped3A : memref<!tpu.dma_semaphore, #tpu.memory_space<semaphore_mem>>) src(%arg4 : memref<32832xf32, #tpu.memory_space<hbm>>) dst(%arg7 : memref<32832xf32, #tpu.memory_space<vmem>>)
      tpu.yield
    }) : () -> ()
    "tpu.region"() ({
      %run_scoped3A = tpu.sem_alloc : memref<!tpu.dma_semaphore, #tpu.memory_space<semaphore_mem>>
      tpu.enqueue_dma source(%arg5 : memref<32832xf32, #tpu.memory_space<hbm>>) target(%arg8 : memref<32832xf32, #tpu.memory_space<vmem>>) target_semaphore(%run_scoped3A : memref<!tpu.dma_semaphore, #tpu.memory_space<semaphore_mem>>)
      tpu.wait_dma2 semaphore(%run_scoped3A : memref<!tpu.dma_semaphore, #tpu.memory_space<semaphore_mem>>) src(%arg5 : memref<32832xf32, #tpu.memory_space<hbm>>) dst(%arg8 : memref<32832xf32, #tpu.memory_space<vmem>>)
      tpu.yield
    }) : () -> ()
    "tpu.region"() ({
      %run_scoped3A = tpu.sem_alloc : memref<!tpu.dma_semaphore, #tpu.memory_space<semaphore_mem>>
      %dma_start3A = tpu.memref_slice %arg2[%select_n3A, %mul3A_32] : memref<16x4096xi32, #tpu.memory_space<hbm>> -> memref<1x2048xi32, #tpu.memory_space<hbm>>
      %dma_start3A_75 = tpu.memref_squeeze %dma_start3A : memref<1x2048xi32, #tpu.memory_space<hbm>> -> memref<2048xi32, #tpu.memory_space<hbm>>
      %dma_start3A_76 = tpu.memref_slice %arg2[%select_n3A, %mul3A_32] : memref<16x4096xi32, #tpu.memory_space<hbm>> -> memref<1x2048xi32, #tpu.memory_space<hbm>>
      %dma_start3A_77 = tpu.memref_squeeze %dma_start3A_76 : memref<1x2048xi32, #tpu.memory_space<hbm>> -> memref<2048xi32, #tpu.memory_space<hbm>>
      tpu.enqueue_dma source(%dma_start3A_77 : memref<2048xi32, #tpu.memory_space<hbm>>) target(%arg9 : memref<2048xi32, #tpu.memory_space<vmem>>) target_semaphore(%run_scoped3A : memref<!tpu.dma_semaphore, #tpu.memory_space<semaphore_mem>>)
      %dma_wait3A_78 = tpu.memref_slice %arg2[%select_n3A, %mul3A_32] : memref<16x4096xi32, #tpu.memory_space<hbm>> -> memref<1x2048xi32, #tpu.memory_space<hbm>>
      %dma_wait3A_79 = tpu.memref_squeeze %dma_wait3A_78 : memref<1x2048xi32, #tpu.memory_space<hbm>> -> memref<2048xi32, #tpu.memory_space<hbm>>
      %dma_wait3A_80 = tpu.memref_slice %arg2[%select_n3A, %mul3A_32] : memref<16x4096xi32, #tpu.memory_space<hbm>> -> memref<1x2048xi32, #tpu.memory_space<hbm>>
      %dma_wait3A_81 = tpu.memref_squeeze %dma_wait3A_80 : memref<1x2048xi32, #tpu.memory_space<hbm>> -> memref<2048xi32, #tpu.memory_space<hbm>>
      tpu.wait_dma2 semaphore(%run_scoped3A : memref<!tpu.dma_semaphore, #tpu.memory_space<semaphore_mem>>) src(%dma_wait3A_81 : memref<2048xi32, #tpu.memory_space<hbm>>) dst(%arg9 : memref<2048xi32, #tpu.memory_space<vmem>>)
      tpu.yield
    }) : () -> ()
    "tpu.region"() ({
      %run_scoped3A = tpu.sem_alloc : memref<!tpu.dma_semaphore, #tpu.memory_space<semaphore_mem>>
      %dma_start3A = tpu.memref_slice %arg3[%select_n3A, %mul3A_32] : memref<16x4096xi32, #tpu.memory_space<hbm>> -> memref<1x2048xi32, #tpu.memory_space<hbm>>
      %dma_start3A_75 = tpu.memref_squeeze %dma_start3A : memref<1x2048xi32, #tpu.memory_space<hbm>> -> memref<2048xi32, #tpu.memory_space<hbm>>
      %dma_start3A_76 = tpu.memref_slice %arg3[%select_n3A, %mul3A_32] : memref<16x4096xi32, #tpu.memory_space<hbm>> -> memref<1x2048xi32, #tpu.memory_space<hbm>>
      %dma_start3A_77 = tpu.memref_squeeze %dma_start3A_76 : memref<1x2048xi32, #tpu.memory_space<hbm>> -> memref<2048xi32, #tpu.memory_space<hbm>>
      tpu.enqueue_dma source(%dma_start3A_77 : memref<2048xi32, #tpu.memory_space<hbm>>) target(%arg10 : memref<2048xi32, #tpu.memory_space<vmem>>) target_semaphore(%run_scoped3A : memref<!tpu.dma_semaphore, #tpu.memory_space<semaphore_mem>>)
      %dma_wait3A_78 = tpu.memref_slice %arg3[%select_n3A, %mul3A_32] : memref<16x4096xi32, #tpu.memory_space<hbm>> -> memref<1x2048xi32, #tpu.memory_space<hbm>>
      %dma_wait3A_79 = tpu.memref_squeeze %dma_wait3A_78 : memref<1x2048xi32, #tpu.memory_space<hbm>> -> memref<2048xi32, #tpu.memory_space<hbm>>
      %dma_wait3A_80 = tpu.memref_slice %arg3[%select_n3A, %mul3A_32] : memref<16x4096xi32, #tpu.memory_space<hbm>> -> memref<1x2048xi32, #tpu.memory_space<hbm>>
      %dma_wait3A_81 = tpu.memref_squeeze %dma_wait3A_80 : memref<1x2048xi32, #tpu.memory_space<hbm>> -> memref<2048xi32, #tpu.memory_space<hbm>>
      tpu.wait_dma2 semaphore(%run_scoped3A : memref<!tpu.dma_semaphore, #tpu.memory_space<semaphore_mem>>) src(%dma_wait3A_81 : memref<2048xi32, #tpu.memory_space<hbm>>) dst(%arg10 : memref<2048xi32, #tpu.memory_space<vmem>>)
      tpu.yield
    }) : () -> ()
    %broadcast_in_dim3A = arith.constant 0 : i32
    %broadcast_in_dim3A_33 = vector.broadcast %broadcast_in_dim3A : i32 to vector<16xi32>
    %broadcast_in_dim3A_34 = arith.constant 512 : i32
    %broadcast_in_dim3A_35 = vector.broadcast %broadcast_in_dim3A_34 : i32 to vector<16xi32>
    %broadcast_in_dim3A_36 = arith.constant 513 : i32
    %broadcast_in_dim3A_37 = vector.broadcast %broadcast_in_dim3A_36 : i32 to vector<16xi32>
    %scan3A = arith.constant 0 : i32
    %scan3A_38 = arith.constant 16 : i32
    %scan3A_39 = arith.addi %scan3A, %scan3A_38 : i32
    %scan3A_40 = arith.constant 1 : i32
    scf.for %scan3A_75 = %scan3A to %scan3A_39 step %scan3A_40  : i32 {
      %mul3A_76 = arith.constant 1 : i32
      %mul3A_77 = arith.muli %scan3A_75, %mul3A_76 : i32
      %add3A_78 = arith.constant 0 : i32
      %add3A_79 = arith.addi %add3A_78, %mul3A_77 : i32
      %jit3A_80 = arith.constant 2 : i32
      %eq3A_81 = arith.constant 0 : i32
      %eq3A_82 = arith.cmpi eq, %jit3A_80, %eq3A_81 : i32
      %jit3A_83 = arith.constant 1 : i32
      %select_n3A_84 = arith.select %eq3A_82, %jit3A_83, %jit3A_80 : i32
      %rem3A_85 = arith.remsi %add3A_79, %select_n3A_84 : i32
      %ne3A_86 = arith.constant 0 : i32
      %ne3A_87 = arith.cmpi ne, %rem3A_85, %ne3A_86 : i32
      %lt3A_88 = arith.constant 0 : i32
      %lt3A_89 = arith.cmpi slt, %rem3A_85, %lt3A_88 : i32
      %lt3A_90 = arith.constant 0 : i32
      %lt3A_91 = arith.cmpi slt, %select_n3A_84, %lt3A_90 : i32
      %ne3A_92 = arith.xori %lt3A_89, %lt3A_91 : i1
      %and3A_93 = arith.andi %ne3A_92, %ne3A_87 : i1
      %add3A_94 = arith.addi %rem3A_85, %select_n3A_84 : i32
      %select_n3A_95 = arith.select %and3A_93, %add3A_94, %rem3A_85 : i32
      %mul3A_96 = arith.constant 128 : i32
      %mul3A_97 = arith.muli %select_n3A_95, %mul3A_96 : i32
      %ge3A = arith.constant 2 : i32
      %ge3A_98 = arith.cmpi sge, %add3A_79, %ge3A : i32
      %convert_element_type3A = arith.extui %ge3A_98 : i1 to i32
      %cond3A = arith.constant 0 : i32
      %cond3A_99 = arith.cmpi ne, %convert_element_type3A, %cond3A : i32
      scf.if %cond3A_99 {
        %sub3A_116 = arith.constant 2 : i32
        %sub3A_117 = arith.subi %add3A_79, %sub3A_116 : i32
        %mul3A_118 = arith.constant 128 : i32
        %mul3A_119 = arith.muli %sub3A_117, %mul3A_118 : i32
        %add3A_120 = arith.addi %mul3A_32, %mul3A_119 : i32
        %dma_wait3A_121 = arith.constant 0 : i32
        %dma_wait3A_122 = tpu.memref_slice %arg11[%dma_wait3A_121, %mul3A_97] : memref<64x256xf32, #tpu.memory_space<vmem>> -> memref<64x128xf32, #tpu.memory_space<vmem>>
        %dma_wait3A_123 = arith.constant 0 : i32
        %dma_wait3A_124 = tpu.memref_slice %arg6[%select_n3A, %dma_wait3A_123, %add3A_120] : memref<16x64x4096xf32, #tpu.memory_space<hbm>> -> memref<1x64x128xf32, #tpu.memory_space<hbm>>
        %dma_wait3A_125 = tpu.memref_squeeze %dma_wait3A_124 : memref<1x64x128xf32, #tpu.memory_space<hbm>> -> memref<64x128xf32, #tpu.memory_space<hbm>>
        %dma_wait3A_126 = tpu.memref_slice %arg12[%select_n3A_95] : memref<2x!tpu.dma_semaphore, #tpu.memory_space<semaphore_mem>> -> memref<1x!tpu.dma_semaphore, #tpu.memory_space<semaphore_mem>>
        %dma_wait3A_127 = tpu.memref_squeeze %dma_wait3A_126 : memref<1x!tpu.dma_semaphore, #tpu.memory_space<semaphore_mem>> -> memref<!tpu.dma_semaphore, #tpu.memory_space<semaphore_mem>>
        %dma_wait3A_128 = arith.constant 0 : i32
        %dma_wait3A_129 = tpu.memref_slice %arg6[%select_n3A, %dma_wait3A_128, %add3A_120] : memref<16x64x4096xf32, #tpu.memory_space<hbm>> -> memref<1x64x128xf32, #tpu.memory_space<hbm>>
        %dma_wait3A_130 = tpu.memref_squeeze %dma_wait3A_129 : memref<1x64x128xf32, #tpu.memory_space<hbm>> -> memref<64x128xf32, #tpu.memory_space<hbm>>
        %dma_wait3A_131 = arith.constant 0 : i32
        %dma_wait3A_132 = tpu.memref_slice %arg11[%dma_wait3A_131, %mul3A_97] : memref<64x256xf32, #tpu.memory_space<vmem>> -> memref<64x128xf32, #tpu.memory_space<vmem>>
        tpu.wait_dma2 semaphore(%dma_wait3A_127 : memref<!tpu.dma_semaphore, #tpu.memory_space<semaphore_mem>>) src(%dma_wait3A_132 : memref<64x128xf32, #tpu.memory_space<vmem>>) dst(%dma_wait3A_130 : memref<64x128xf32, #tpu.memory_space<hbm>>)
      } else {
      }
      %parallel_loop3A = arith.constant 0 : i32
      %parallel_loop3A_100 = arith.constant 8 : i32
      %parallel_loop3A_101 = arith.constant 1 : i32
      scf.for %parallel_loop3A_116 = %parallel_loop3A to %parallel_loop3A_100 step %parallel_loop3A_101  : i32 {
        %parallel_loop3A_117 = arith.constant 128 : i32
        %parallel_loop3A_118 = arith.muli %add3A_79, %parallel_loop3A_117 : i32
        %parallel_loop3A_119 = arith.constant 16 : i32
        %parallel_loop3A_120 = arith.muli %parallel_loop3A_116, %parallel_loop3A_119 : i32
        %parallel_loop3A_121 = arith.addi %parallel_loop3A_118, %parallel_loop3A_120 : i32
        %parallel_loop3A_122 = arith.index_cast %parallel_loop3A_121 : i32 to index
        %parallel_loop3A_123 = tpu.vector_load %arg9[%parallel_loop3A_122] {strides = array<i32>} : memref<2048xi32, #tpu.memory_space<vmem>>, vector<16xi32>,
        %parallel_loop3A_124 = arith.maxsi %parallel_loop3A_123, %broadcast_in_dim3A_33 : vector<16xi32>
        %parallel_loop3A_125 = arith.minsi %parallel_loop3A_124, %broadcast_in_dim3A_35 : vector<16xi32>
        %parallel_loop3A_126 = arith.index_cast %parallel_loop3A_121 : i32 to index
        %parallel_loop3A_127 = tpu.vector_load %arg10[%parallel_loop3A_126] {strides = array<i32>} : memref<2048xi32, #tpu.memory_space<vmem>>, vector<16xi32>,
        %parallel_loop3A_128 = arith.maxsi %parallel_loop3A_127, %broadcast_in_dim3A_33 : vector<16xi32>
        %parallel_loop3A_129 = arith.minsi %parallel_loop3A_128, %broadcast_in_dim3A_35 : vector<16xi32>
        %parallel_loop3A_130 = arith.constant 16 : i32
        %parallel_loop3A_131 = arith.muli %parallel_loop3A_116, %parallel_loop3A_130 : i32
        %parallel_loop3A_132 = arith.addi %mul3A_97, %parallel_loop3A_131 : i32
        %parallel_loop3A_133 = arith.constant 0 : i32
        %parallel_loop3A_134 = vector.broadcast %parallel_loop3A_133 : i32 to vector<16xi32>
        %parallel_loop3A_135 = arith.addi %parallel_loop3A_125, %parallel_loop3A_134 : vector<16xi32>
        %parallel_loop3A_136 = tpu.vector_load_idx %arg7[%parallel_loop3A_135] : memref<32832xf32, #tpu.memory_space<vmem>>[vector<16xi32>], vector<16xf32>,
        %parallel_loop3A_137 = arith.constant 0 : i32
        %parallel_loop3A_138 = vector.broadcast %parallel_loop3A_137 : i32 to vector<16xi32>
        %parallel_loop3A_139 = arith.addi %parallel_loop3A_129, %parallel_loop3A_138 : vector<16xi32>
        %parallel_loop3A_140 = tpu.vector_load_idx %arg8[%parallel_loop3A_139] : memref<32832xf32, #tpu.memory_space<vmem>>[vector<16xi32>], vector<16xf32>,
        %parallel_loop3A_141 = arith.addf %parallel_loop3A_136, %parallel_loop3A_140 : vector<16xf32>
        %parallel_loop3A_142 = arith.constant 0 : i32
        %parallel_loop3A_143 = arith.index_cast %parallel_loop3A_142 : i32 to index
        %parallel_loop3A_144 = arith.index_cast %parallel_loop3A_132 : i32 to index
        %parallel_loop3A_145 = tpu.vector_load %arg11[%parallel_loop3A_143, %parallel_loop3A_144] {strides = array<i32>} : memref<64x256xf32, #tpu.memory_space<vmem>>, vector<16xf32>,
        tpu.vector_store %arg11[%parallel_loop3A_143, %parallel_loop3A_144], %parallel_loop3A_141 {strides = array<i32>} : memref<64x256xf32, #tpu.memory_space<vmem>>, vector<16xf32>,
        %parallel_loop3A_146 = arith.constant 513 : i32
        %parallel_loop3A_147 = vector.broadcast %parallel_loop3A_146 : i32 to vector<16xi32>
        %parallel_loop3A_148 = arith.addi %parallel_loop3A_125, %parallel_loop3A_147 : vector<16xi32>
        %parallel_loop3A_149 = tpu.vector_load_idx %arg7[%parallel_loop3A_148] : memref<32832xf32, #tpu.memory_space<vmem>>[vector<16xi32>], vector<16xf32>,
        %parallel_loop3A_150 = arith.constant 513 : i32
        %parallel_loop3A_151 = vector.broadcast %parallel_loop3A_150 : i32 to vector<16xi32>
        %parallel_loop3A_152 = arith.addi %parallel_loop3A_129, %parallel_loop3A_151 : vector<16xi32>
        %parallel_loop3A_153 = tpu.vector_load_idx %arg8[%parallel_loop3A_152] : memref<32832xf32, #tpu.memory_space<vmem>>[vector<16xi32>], vector<16xf32>,
        %parallel_loop3A_154 = arith.addf %parallel_loop3A_149, %parallel_loop3A_153 : vector<16xf32>
        %parallel_loop3A_155 = arith.constant 1 : i32
        %parallel_loop3A_156 = arith.index_cast %parallel_loop3A_155 : i32 to index
        %parallel_loop3A_157 = arith.index_cast %parallel_loop3A_132 : i32 to index
        %parallel_loop3A_158 = tpu.vector_load %arg11[%parallel_loop3A_156, %parallel_loop3A_157] {strides = array<i32>} : memref<64x256xf32, #tpu.memory_space<vmem>>, vector<16xf32>,
        tpu.vector_store %arg11[%parallel_loop3A_156, %parallel_loop3A_157], %parallel_loop3A_154 {strides = array<i32>} : memref<64x256xf32, #tpu.memory_space<vmem>>, vector<16xf32>,
        %parallel_loop3A_159 = arith.constant 1026 : i32
        %parallel_loop3A_160 = vector.broadcast %parallel_loop3A_159 : i32 to vector<16xi32>
        %parallel_loop3A_161 = arith.addi %parallel_loop3A_125, %parallel_loop3A_160 : vector<16xi32>
        %parallel_loop3A_162 = tpu.vector_load_idx %arg7[%parallel_loop3A_161] : memref<32832xf32, #tpu.memory_space<vmem>>[vector<16xi32>], vector<16xf32>,
        %parallel_loop3A_163 = arith.constant 1026 : i32
        %parallel_loop3A_164 = vector.broadcast %parallel_loop3A_163 : i32 to vector<16xi32>
        %parallel_loop3A_165 = arith.addi %parallel_loop3A_129, %parallel_loop3A_164 : vector<16xi32>
        %parallel_loop3A_166 = tpu.vector_load_idx %arg8[%parallel_loop3A_165] : memref<32832xf32, #tpu.memory_space<vmem>>[vector<16xi32>], vector<16xf32>,
        %parallel_loop3A_167 = arith.addf %parallel_loop3A_162, %parallel_loop3A_166 : vector<16xf32>
        %parallel_loop3A_168 = arith.constant 2 : i32
        %parallel_loop3A_169 = arith.index_cast %parallel_loop3A_168 : i32 to index
        %parallel_loop3A_170 = arith.index_cast %parallel_loop3A_132 : i32 to index
        %parallel_loop3A_171 = tpu.vector_load %arg11[%parallel_loop3A_169, %parallel_loop3A_170] {strides = array<i32>} : memref<64x256xf32, #tpu.memory_space<vmem>>, vector<16xf32>,
        tpu.vector_store %arg11[%parallel_loop3A_169, %parallel_loop3A_170], %parallel_loop3A_167 {strides = array<i32>} : memref<64x256xf32, #tpu.memory_space<vmem>>, vector<16xf32>,
        %parallel_loop3A_172 = arith.constant 1539 : i32
        %parallel_loop3A_173 = vector.broadcast %parallel_loop3A_172 : i32 to vector<16xi32>
        %parallel_loop3A_174 = arith.addi %parallel_loop3A_125, %parallel_loop3A_173 : vector<16xi32>
        %parallel_loop3A_175 = tpu.vector_load_idx %arg7[%parallel_loop3A_174] : memref<32832xf32, #tpu.memory_space<vmem>>[vector<16xi32>], vector<16xf32>,
        %parallel_loop3A_176 = arith.constant 1539 : i32
        %parallel_loop3A_177 = vector.broadcast %parallel_loop3A_176 : i32 to vector<16xi32>
        %parallel_loop3A_178 = arith.addi %parallel_loop3A_129, %parallel_loop3A_177 : vector<16xi32>
        %parallel_loop3A_179 = tpu.vector_load_idx %arg8[%parallel_loop3A_178] : memref<32832xf32, #tpu.memory_space<vmem>>[vector<16xi32>], vector<16xf32>,
        %parallel_loop3A_180 = arith.addf %parallel_loop3A_175, %parallel_loop3A_179 : vector<16xf32>
        %parallel_loop3A_181 = arith.constant 3 : i32
        %parallel_loop3A_182 = arith.index_cast %parallel_loop3A_181 : i32 to index
        %parallel_loop3A_183 = arith.index_cast %parallel_loop3A_132 : i32 to index
        %parallel_loop3A_184 = tpu.vector_load %arg11[%parallel_loop3A_182, %parallel_loop3A_183] {strides = array<i32>} : memref<64x256xf32, #tpu.memory_space<vmem>>, vector<16xf32>,
        tpu.vector_store %arg11[%parallel_loop3A_182, %parallel_loop3A_183], %parallel_loop3A_180 {strides = array<i32>} : memref<64x256xf32, #tpu.memory_space<vmem>>, vector<16xf32>,
        %parallel_loop3A_185 = arith.constant 2052 : i32
        %parallel_loop3A_186 = vector.broadcast %parallel_loop3A_185 : i32 to vector<16xi32>
        %parallel_loop3A_187 = arith.addi %parallel_loop3A_125, %parallel_loop3A_186 : vector<16xi32>
        %parallel_loop3A_188 = tpu.vector_load_idx %arg7[%parallel_loop3A_187] : memref<32832xf32, #tpu.memory_space<vmem>>[vector<16xi32>], vector<16xf32>,
        %parallel_loop3A_189 = arith.constant 2052 : i32
        %parallel_loop3A_190 = vector.broadcast %parallel_loop3A_189 : i32 to vector<16xi32>
        %parallel_loop3A_191 = arith.addi %parallel_loop3A_129, %parallel_loop3A_190 : vector<16xi32>
        %parallel_loop3A_192 = tpu.vector_load_idx %arg8[%parallel_loop3A_191] : memref<32832xf32, #tpu.memory_space<vmem>>[vector<16xi32>], vector<16xf32>,
        %parallel_loop3A_193 = arith.addf %parallel_loop3A_188, %parallel_loop3A_192 : vector<16xf32>
        %parallel_loop3A_194 = arith.constant 4 : i32
        %parallel_loop3A_195 = arith.index_cast %parallel_loop3A_194 : i32 to index
        %parallel_loop3A_196 = arith.index_cast %parallel_loop3A_132 : i32 to index
        %parallel_loop3A_197 = tpu.vector_load %arg11[%parallel_loop3A_195, %parallel_loop3A_196] {strides = array<i32>} : memref<64x256xf32, #tpu.memory_space<vmem>>, vector<16xf32>,
        tpu.vector_store %arg11[%parallel_loop3A_195, %parallel_loop3A_196], %parallel_loop3A_193 {strides = array<i32>} : memref<64x256xf32, #tpu.memory_space<vmem>>, vector<16xf32>,
        %parallel_loop3A_198 = arith.constant 2565 : i32
        %parallel_loop3A_199 = vector.broadcast %parallel_loop3A_198 : i32 to vector<16xi32>
        %parallel_loop3A_200 = arith.addi %parallel_loop3A_125, %parallel_loop3A_199 : vector<16xi32>
        %parallel_loop3A_201 = tpu.vector_load_idx %arg7[%parallel_loop3A_200] : memref<32832xf32, #tpu.memory_space<vmem>>[vector<16xi32>], vector<16xf32>,
        %parallel_loop3A_202 = arith.constant 2565 : i32
        %parallel_loop3A_203 = vector.broadcast %parallel_loop3A_202 : i32 to vector<16xi32>
        %parallel_loop3A_204 = arith.addi %parallel_loop3A_129, %parallel_loop3A_203 : vector<16xi32>
        %parallel_loop3A_205 = tpu.vector_load_idx %arg8[%parallel_loop3A_204] : memref<32832xf32, #tpu.memory_space<vmem>>[vector<16xi32>], vector<16xf32>,
        %parallel_loop3A_206 = arith.addf %parallel_loop3A_201, %parallel_loop3A_205 : vector<16xf32>
        %parallel_loop3A_207 = arith.constant 5 : i32
        %parallel_loop3A_208 = arith.index_cast %parallel_loop3A_207 : i32 to index
        %parallel_loop3A_209 = arith.index_cast %parallel_loop3A_132 : i32 to index
        %parallel_loop3A_210 = tpu.vector_load %arg11[%parallel_loop3A_208, %parallel_loop3A_209] {strides = array<i32>} : memref<64x256xf32, #tpu.memory_space<vmem>>, vector<16xf32>,
        tpu.vector_store %arg11[%parallel_loop3A_208, %parallel_loop3A_209], %parallel_loop3A_206 {strides = array<i32>} : memref<64x256xf32, #tpu.memory_space<vmem>>, vector<16xf32>,
        %parallel_loop3A_211 = arith.constant 3078 : i32
        %parallel_loop3A_212 = vector.broadcast %parallel_loop3A_211 : i32 to vector<16xi32>
        %parallel_loop3A_213 = arith.addi %parallel_loop3A_125, %parallel_loop3A_212 : vector<16xi32>
        %parallel_loop3A_214 = tpu.vector_load_idx %arg7[%parallel_loop3A_213] : memref<32832xf32, #tpu.memory_space<vmem>>[vector<16xi32>], vector<16xf32>,
        %parallel_loop3A_215 = arith.constant 3078 : i32
        %parallel_loop3A_216 = vector.broadcast %parallel_loop3A_215 : i32 to vector<16xi32>
        %parallel_loop3A_217 = arith.addi %parallel_loop3A_129, %parallel_loop3A_216 : vector<16xi32>
        %parallel_loop3A_218 = tpu.vector_load_idx %arg8[%parallel_loop3A_217] : memref<32832xf32, #tpu.memory_space<vmem>>[vector<16xi32>], vector<16xf32>,
        %parallel_loop3A_219 = arith.addf %parallel_loop3A_214, %parallel_loop3A_218 : vector<16xf32>
        %parallel_loop3A_220 = arith.constant 6 : i32
        %parallel_loop3A_221 = arith.index_cast %parallel_loop3A_220 : i32 to index
        %parallel_loop3A_222 = arith.index_cast %parallel_loop3A_132 : i32 to index
        %parallel_loop3A_223 = tpu.vector_load %arg11[%parallel_loop3A_221, %parallel_loop3A_222] {strides = array<i32>} : memref<64x256xf32, #tpu.memory_space<vmem>>, vector<16xf32>,
        tpu.vector_store %arg11[%parallel_loop3A_221, %parallel_loop3A_222], %parallel_loop3A_219 {strides = array<i32>} : memref<64x256xf32, #tpu.memory_space<vmem>>, vector<16xf32>,
        %parallel_loop3A_224 = arith.constant 3591 : i32
        %parallel_loop3A_225 = vector.broadcast %parallel_loop3A_224 : i32 to vector<16xi32>
        %parallel_loop3A_226 = arith.addi %parallel_loop3A_125, %parallel_loop3A_225 : vector<16xi32>
        %parallel_loop3A_227 = tpu.vector_load_idx %arg7[%parallel_loop3A_226] : memref<32832xf32, #tpu.memory_space<vmem>>[vector<16xi32>], vector<16xf32>,
        %parallel_loop3A_228 = arith.constant 3591 : i32
        %parallel_loop3A_229 = vector.broadcast %parallel_loop3A_228 : i32 to vector<16xi32>
        %parallel_loop3A_230 = arith.addi %parallel_loop3A_129, %parallel_loop3A_229 : vector<16xi32>
        %parallel_loop3A_231 = tpu.vector_load_idx %arg8[%parallel_loop3A_230] : memref<32832xf32, #tpu.memory_space<vmem>>[vector<16xi32>], vector<16xf32>,
        %parallel_loop3A_232 = arith.addf %parallel_loop3A_227, %parallel_loop3A_231 : vector<16xf32>
        %parallel_loop3A_233 = arith.constant 7 : i32
        %parallel_loop3A_234 = arith.index_cast %parallel_loop3A_233 : i32 to index
        %parallel_loop3A_235 = arith.index_cast %parallel_loop3A_132 : i32 to index
        %parallel_loop3A_236 = tpu.vector_load %arg11[%parallel_loop3A_234, %parallel_loop3A_235] {strides = array<i32>} : memref<64x256xf32, #tpu.memory_space<vmem>>, vector<16xf32>,
        tpu.vector_store %arg11[%parallel_loop3A_234, %parallel_loop3A_235], %parallel_loop3A_232 {strides = array<i32>} : memref<64x256xf32, #tpu.memory_space<vmem>>, vector<16xf32>,
        %parallel_loop3A_237 = arith.constant 4104 : i32
        %parallel_loop3A_238 = vector.broadcast %parallel_loop3A_237 : i32 to vector<16xi32>
        %parallel_loop3A_239 = arith.addi %parallel_loop3A_125, %parallel_loop3A_238 : vector<16xi32>
        %parallel_loop3A_240 = tpu.vector_load_idx %arg7[%parallel_loop3A_239] : memref<32832xf32, #tpu.memory_space<vmem>>[vector<16xi32>], vector<16xf32>,
        %parallel_loop3A_241 = arith.constant 4104 : i32
        %parallel_loop3A_242 = vector.broadcast %parallel_loop3A_241 : i32 to vector<16xi32>
        %parallel_loop3A_243 = arith.addi %parallel_loop3A_129, %parallel_loop3A_242 : vector<16xi32>
        %parallel_loop3A_244 = tpu.vector_load_idx %arg8[%parallel_loop3A_243] : memref<32832xf32, #tpu.memory_space<vmem>>[vector<16xi32>], vector<16xf32>,
        %parallel_loop3A_245 = arith.addf %parallel_loop3A_240, %parallel_loop3A_244 : vector<16xf32>
        %parallel_loop3A_246 = arith.constant 8 : i32
        %parallel_loop3A_247 = arith.index_cast %parallel_loop3A_246 : i32 to index
        %parallel_loop3A_248 = arith.index_cast %parallel_loop3A_132 : i32 to index
        %parallel_loop3A_249 = tpu.vector_load %arg11[%parallel_loop3A_247, %parallel_loop3A_248] {strides = array<i32>} : memref<64x256xf32, #tpu.memory_space<vmem>>, vector<16xf32>,
        tpu.vector_store %arg11[%parallel_loop3A_247, %parallel_loop3A_248], %parallel_loop3A_245 {strides = array<i32>} : memref<64x256xf32, #tpu.memory_space<vmem>>, vector<16xf32>,
        %parallel_loop3A_250 = arith.constant 4617 : i32
        %parallel_loop3A_251 = vector.broadcast %parallel_loop3A_250 : i32 to vector<16xi32>
        %parallel_loop3A_252 = arith.addi %parallel_loop3A_125, %parallel_loop3A_251 : vector<16xi32>
        %parallel_loop3A_253 = tpu.vector_load_idx %arg7[%parallel_loop3A_252] : memref<32832xf32, #tpu.memory_space<vmem>>[vector<16xi32>], vector<16xf32>,
        %parallel_loop3A_254 = arith.constant 4617 : i32
        %parallel_loop3A_255 = vector.broadcast %parallel_loop3A_254 : i32 to vector<16xi32>
        %parallel_loop3A_256 = arith.addi %parallel_loop3A_129, %parallel_loop3A_255 : vector<16xi32>
        %parallel_loop3A_257 = tpu.vector_load_idx %arg8[%parallel_loop3A_256] : memref<32832xf32, #tpu.memory_space<vmem>>[vector<16xi32>], vector<16xf32>,
        %parallel_loop3A_258 = arith.addf %parallel_loop3A_253, %parallel_loop3A_257 : vector<16xf32>
        %parallel_loop3A_259 = arith.constant 9 : i32
        %parallel_loop3A_260 = arith.index_cast %parallel_loop3A_259 : i32 to index
        %parallel_loop3A_261 = arith.index_cast %parallel_loop3A_132 : i32 to index
        %parallel_loop3A_262 = tpu.vector_load %arg11[%parallel_loop3A_260, %parallel_loop3A_261] {strides = array<i32>} : memref<64x256xf32, #tpu.memory_space<vmem>>, vector<16xf32>,
        tpu.vector_store %arg11[%parallel_loop3A_260, %parallel_loop3A_261], %parallel_loop3A_258 {strides = array<i32>} : memref<64x256xf32, #tpu.memory_space<vmem>>, vector<16xf32>,
        %parallel_loop3A_263 = arith.constant 5130 : i32
        %parallel_loop3A_264 = vector.broadcast %parallel_loop3A_263 : i32 to vector<16xi32>
        %parallel_loop3A_265 = arith.addi %parallel_loop3A_125, %parallel_loop3A_264 : vector<16xi32>
        %parallel_loop3A_266 = tpu.vector_load_idx %arg7[%parallel_loop3A_265] : memref<32832xf32, #tpu.memory_space<vmem>>[vector<16xi32>], vector<16xf32>,
        %parallel_loop3A_267 = arith.constant 5130 : i32
        %parallel_loop3A_268 = vector.broadcast %parallel_loop3A_267 : i32 to vector<16xi32>
        %parallel_loop3A_269 = arith.addi %parallel_loop3A_129, %parallel_loop3A_268 : vector<16xi32>
        %parallel_loop3A_270 = tpu.vector_load_idx %arg8[%parallel_loop3A_269] : memref<32832xf32, #tpu.memory_space<vmem>>[vector<16xi32>], vector<16xf32>,
        %parallel_loop3A_271 = arith.addf %parallel_loop3A_266, %parallel_loop3A_270 : vector<16xf32>
        %parallel_loop3A_272 = arith.constant 10 : i32
        %parallel_loop3A_273 = arith.index_cast %parallel_loop3A_272 : i32 to index
        %parallel_loop3A_274 = arith.index_cast %parallel_loop3A_132 : i32 to index
        %parallel_loop3A_275 = tpu.vector_load %arg11[%parallel_loop3A_273, %parallel_loop3A_274] {strides = array<i32>} : memref<64x256xf32, #tpu.memory_space<vmem>>, vector<16xf32>,
        tpu.vector_store %arg11[%parallel_loop3A_273, %parallel_loop3A_274], %parallel_loop3A_271 {strides = array<i32>} : memref<64x256xf32, #tpu.memory_space<vmem>>, vector<16xf32>,
        %parallel_loop3A_276 = arith.constant 5643 : i32
        %parallel_loop3A_277 = vector.broadcast %parallel_loop3A_276 : i32 to vector<16xi32>
        %parallel_loop3A_278 = arith.addi %parallel_loop3A_125, %parallel_loop3A_277 : vector<16xi32>
        %parallel_loop3A_279 = tpu.vector_load_idx %arg7[%parallel_loop3A_278] : memref<32832xf32, #tpu.memory_space<vmem>>[vector<16xi32>], vector<16xf32>,
        %parallel_loop3A_280 = arith.constant 5643 : i32
        %parallel_loop3A_281 = vector.broadcast %parallel_loop3A_280 : i32 to vector<16xi32>
        %parallel_loop3A_282 = arith.addi %parallel_loop3A_129, %parallel_loop3A_281 : vector<16xi32>
        %parallel_loop3A_283 = tpu.vector_load_idx %arg8[%parallel_loop3A_282] : memref<32832xf32, #tpu.memory_space<vmem>>[vector<16xi32>], vector<16xf32>,
        %parallel_loop3A_284 = arith.addf %parallel_loop3A_279, %parallel_loop3A_283 : vector<16xf32>
        %parallel_loop3A_285 = arith.constant 11 : i32
        %parallel_loop3A_286 = arith.index_cast %parallel_loop3A_285 : i32 to index
        %parallel_loop3A_287 = arith.index_cast %parallel_loop3A_132 : i32 to index
        %parallel_loop3A_288 = tpu.vector_load %arg11[%parallel_loop3A_286, %parallel_loop3A_287] {strides = array<i32>} : memref<64x256xf32, #tpu.memory_space<vmem>>, vector<16xf32>,
        tpu.vector_store %arg11[%parallel_loop3A_286, %parallel_loop3A_287], %parallel_loop3A_284 {strides = array<i32>} : memref<64x256xf32, #tpu.memory_space<vmem>>, vector<16xf32>,
        %parallel_loop3A_289 = arith.constant 6156 : i32
        %parallel_loop3A_290 = vector.broadcast %parallel_loop3A_289 : i32 to vector<16xi32>
        %parallel_loop3A_291 = arith.addi %parallel_loop3A_125, %parallel_loop3A_290 : vector<16xi32>
        %parallel_loop3A_292 = tpu.vector_load_idx %arg7[%parallel_loop3A_291] : memref<32832xf32, #tpu.memory_space<vmem>>[vector<16xi32>], vector<16xf32>,
        %parallel_loop3A_293 = arith.constant 6156 : i32
        %parallel_loop3A_294 = vector.broadcast %parallel_loop3A_293 : i32 to vector<16xi32>
        %parallel_loop3A_295 = arith.addi %parallel_loop3A_129, %parallel_loop3A_294 : vector<16xi32>
        %parallel_loop3A_296 = tpu.vector_load_idx %arg8[%parallel_loop3A_295] : memref<32832xf32, #tpu.memory_space<vmem>>[vector<16xi32>], vector<16xf32>,
        %parallel_loop3A_297 = arith.addf %parallel_loop3A_292, %parallel_loop3A_296 : vector<16xf32>
        %parallel_loop3A_298 = arith.constant 12 : i32
        %parallel_loop3A_299 = arith.index_cast %parallel_loop3A_298 : i32 to index
        %parallel_loop3A_300 = arith.index_cast %parallel_loop3A_132 : i32 to index
        %parallel_loop3A_301 = tpu.vector_load %arg11[%parallel_loop3A_299, %parallel_loop3A_300] {strides = array<i32>} : memref<64x256xf32, #tpu.memory_space<vmem>>, vector<16xf32>,
        tpu.vector_store %arg11[%parallel_loop3A_299, %parallel_loop3A_300], %parallel_loop3A_297 {strides = array<i32>} : memref<64x256xf32, #tpu.memory_space<vmem>>, vector<16xf32>,
        %parallel_loop3A_302 = arith.constant 6669 : i32
        %parallel_loop3A_303 = vector.broadcast %parallel_loop3A_302 : i32 to vector<16xi32>
        %parallel_loop3A_304 = arith.addi %parallel_loop3A_125, %parallel_loop3A_303 : vector<16xi32>
        %parallel_loop3A_305 = tpu.vector_load_idx %arg7[%parallel_loop3A_304] : memref<32832xf32, #tpu.memory_space<vmem>>[vector<16xi32>], vector<16xf32>,
        %parallel_loop3A_306 = arith.constant 6669 : i32
        %parallel_loop3A_307 = vector.broadcast %parallel_loop3A_306 : i32 to vector<16xi32>
        %parallel_loop3A_308 = arith.addi %parallel_loop3A_129, %parallel_loop3A_307 : vector<16xi32>
        %parallel_loop3A_309 = tpu.vector_load_idx %arg8[%parallel_loop3A_308] : memref<32832xf32, #tpu.memory_space<vmem>>[vector<16xi32>], vector<16xf32>,
        %parallel_loop3A_310 = arith.addf %parallel_loop3A_305, %parallel_loop3A_309 : vector<16xf32>
        %parallel_loop3A_311 = arith.constant 13 : i32
        %parallel_loop3A_312 = arith.index_cast %parallel_loop3A_311 : i32 to index
        %parallel_loop3A_313 = arith.index_cast %parallel_loop3A_132 : i32 to index
        %parallel_loop3A_314 = tpu.vector_load %arg11[%parallel_loop3A_312, %parallel_loop3A_313] {strides = array<i32>} : memref<64x256xf32, #tpu.memory_space<vmem>>, vector<16xf32>,
        tpu.vector_store %arg11[%parallel_loop3A_312, %parallel_loop3A_313], %parallel_loop3A_310 {strides = array<i32>} : memref<64x256xf32, #tpu.memory_space<vmem>>, vector<16xf32>,
        %parallel_loop3A_315 = arith.constant 7182 : i32
        %parallel_loop3A_316 = vector.broadcast %parallel_loop3A_315 : i32 to vector<16xi32>
        %parallel_loop3A_317 = arith.addi %parallel_loop3A_125, %parallel_loop3A_316 : vector<16xi32>
        %parallel_loop3A_318 = tpu.vector_load_idx %arg7[%parallel_loop3A_317] : memref<32832xf32, #tpu.memory_space<vmem>>[vector<16xi32>], vector<16xf32>,
        %parallel_loop3A_319 = arith.constant 7182 : i32
        %parallel_loop3A_320 = vector.broadcast %parallel_loop3A_319 : i32 to vector<16xi32>
        %parallel_loop3A_321 = arith.addi %parallel_loop3A_129, %parallel_loop3A_320 : vector<16xi32>
        %parallel_loop3A_322 = tpu.vector_load_idx %arg8[%parallel_loop3A_321] : memref<32832xf32, #tpu.memory_space<vmem>>[vector<16xi32>], vector<16xf32>,
        %parallel_loop3A_323 = arith.addf %parallel_loop3A_318, %parallel_loop3A_322 : vector<16xf32>
        %parallel_loop3A_324 = arith.constant 14 : i32
        %parallel_loop3A_325 = arith.index_cast %parallel_loop3A_324 : i32 to index
        %parallel_loop3A_326 = arith.index_cast %parallel_loop3A_132 : i32 to index
        %parallel_loop3A_327 = tpu.vector_load %arg11[%parallel_loop3A_325, %parallel_loop3A_326] {strides = array<i32>} : memref<64x256xf32, #tpu.memory_space<vmem>>, vector<16xf32>,
        tpu.vector_store %arg11[%parallel_loop3A_325, %parallel_loop3A_326], %parallel_loop3A_323 {strides = array<i32>} : memref<64x256xf32, #tpu.memory_space<vmem>>, vector<16xf32>,
        %parallel_loop3A_328 = arith.constant 7695 : i32
        %parallel_loop3A_329 = vector.broadcast %parallel_loop3A_328 : i32 to vector<16xi32>
        %parallel_loop3A_330 = arith.addi %parallel_loop3A_125, %parallel_loop3A_329 : vector<16xi32>
        %parallel_loop3A_331 = tpu.vector_load_idx %arg7[%parallel_loop3A_330] : memref<32832xf32, #tpu.memory_space<vmem>>[vector<16xi32>], vector<16xf32>,
        %parallel_loop3A_332 = arith.constant 7695 : i32
        %parallel_loop3A_333 = vector.broadcast %parallel_loop3A_332 : i32 to vector<16xi32>
        %parallel_loop3A_334 = arith.addi %parallel_loop3A_129, %parallel_loop3A_333 : vector<16xi32>
        %parallel_loop3A_335 = tpu.vector_load_idx %arg8[%parallel_loop3A_334] : memref<32832xf32, #tpu.memory_space<vmem>>[vector<16xi32>], vector<16xf32>,
        %parallel_loop3A_336 = arith.addf %parallel_loop3A_331, %parallel_loop3A_335 : vector<16xf32>
        %parallel_loop3A_337 = arith.constant 15 : i32
        %parallel_loop3A_338 = arith.index_cast %parallel_loop3A_337 : i32 to index
        %parallel_loop3A_339 = arith.index_cast %parallel_loop3A_132 : i32 to index
        %parallel_loop3A_340 = tpu.vector_load %arg11[%parallel_loop3A_338, %parallel_loop3A_339] {strides = array<i32>} : memref<64x256xf32, #tpu.memory_space<vmem>>, vector<16xf32>,
        tpu.vector_store %arg11[%parallel_loop3A_338, %parallel_loop3A_339], %parallel_loop3A_336 {strides = array<i32>} : memref<64x256xf32, #tpu.memory_space<vmem>>, vector<16xf32>,
        %parallel_loop3A_341 = arith.constant 8208 : i32
        %parallel_loop3A_342 = vector.broadcast %parallel_loop3A_341 : i32 to vector<16xi32>
        %parallel_loop3A_343 = arith.addi %parallel_loop3A_125, %parallel_loop3A_342 : vector<16xi32>
        %parallel_loop3A_344 = tpu.vector_load_idx %arg7[%parallel_loop3A_343] : memref<32832xf32, #tpu.memory_space<vmem>>[vector<16xi32>], vector<16xf32>,
        %parallel_loop3A_345 = arith.constant 8208 : i32
        %parallel_loop3A_346 = vector.broadcast %parallel_loop3A_345 : i32 to vector<16xi32>
        %parallel_loop3A_347 = arith.addi %parallel_loop3A_129, %parallel_loop3A_346 : vector<16xi32>
        %parallel_loop3A_348 = tpu.vector_load_idx %arg8[%parallel_loop3A_347] : memref<32832xf32, #tpu.memory_space<vmem>>[vector<16xi32>], vector<16xf32>,
        %parallel_loop3A_349 = arith.addf %parallel_loop3A_344, %parallel_loop3A_348 : vector<16xf32>
        %parallel_loop3A_350 = arith.constant 16 : i32
        %parallel_loop3A_351 = arith.index_cast %parallel_loop3A_350 : i32 to index
        %parallel_loop3A_352 = arith.index_cast %parallel_loop3A_132 : i32 to index
        %parallel_loop3A_353 = tpu.vector_load %arg11[%parallel_loop3A_351, %parallel_loop3A_352] {strides = array<i32>} : memref<64x256xf32, #tpu.memory_space<vmem>>, vector<16xf32>,
        tpu.vector_store %arg11[%parallel_loop3A_351, %parallel_loop3A_352], %parallel_loop3A_349 {strides = array<i32>} : memref<64x256xf32, #tpu.memory_space<vmem>>, vector<16xf32>,
        %parallel_loop3A_354 = arith.constant 8721 : i32
        %parallel_loop3A_355 = vector.broadcast %parallel_loop3A_354 : i32 to vector<16xi32>
        %parallel_loop3A_356 = arith.addi %parallel_loop3A_125, %parallel_loop3A_355 : vector<16xi32>
        %parallel_loop3A_357 = tpu.vector_load_idx %arg7[%parallel_loop3A_356] : memref<32832xf32, #tpu.memory_space<vmem>>[vector<16xi32>], vector<16xf32>,
        %parallel_loop3A_358 = arith.constant 8721 : i32
        %parallel_loop3A_359 = vector.broadcast %parallel_loop3A_358 : i32 to vector<16xi32>
        %parallel_loop3A_360 = arith.addi %parallel_loop3A_129, %parallel_loop3A_359 : vector<16xi32>
        %parallel_loop3A_361 = tpu.vector_load_idx %arg8[%parallel_loop3A_360] : memref<32832xf32, #tpu.memory_space<vmem>>[vector<16xi32>], vector<16xf32>,
        %parallel_loop3A_362 = arith.addf %parallel_loop3A_357, %parallel_loop3A_361 : vector<16xf32>
        %parallel_loop3A_363 = arith.constant 17 : i32
        %parallel_loop3A_364 = arith.index_cast %parallel_loop3A_363 : i32 to index
        %parallel_loop3A_365 = arith.index_cast %parallel_loop3A_132 : i32 to index
        %parallel_loop3A_366 = tpu.vector_load %arg11[%parallel_loop3A_364, %parallel_loop3A_365] {strides = array<i32>} : memref<64x256xf32, #tpu.memory_space<vmem>>, vector<16xf32>,
        tpu.vector_store %arg11[%parallel_loop3A_364, %parallel_loop3A_365], %parallel_loop3A_362 {strides = array<i32>} : memref<64x256xf32, #tpu.memory_space<vmem>>, vector<16xf32>,
        %parallel_loop3A_367 = arith.constant 9234 : i32
        %parallel_loop3A_368 = vector.broadcast %parallel_loop3A_367 : i32 to vector<16xi32>
        %parallel_loop3A_369 = arith.addi %parallel_loop3A_125, %parallel_loop3A_368 : vector<16xi32>
        %parallel_loop3A_370 = tpu.vector_load_idx %arg7[%parallel_loop3A_369] : memref<32832xf32, #tpu.memory_space<vmem>>[vector<16xi32>], vector<16xf32>,
        %parallel_loop3A_371 = arith.constant 9234 : i32
        %parallel_loop3A_372 = vector.broadcast %parallel_loop3A_371 : i32 to vector<16xi32>
        %parallel_loop3A_373 = arith.addi %parallel_loop3A_129, %parallel_loop3A_372 : vector<16xi32>
        %parallel_loop3A_374 = tpu.vector_load_idx %arg8[%parallel_loop3A_373] : memref<32832xf32, #tpu.memory_space<vmem>>[vector<16xi32>], vector<16xf32>,
        %parallel_loop3A_375 = arith.addf %parallel_loop3A_370, %parallel_loop3A_374 : vector<16xf32>
        %parallel_loop3A_376 = arith.constant 18 : i32
        %parallel_loop3A_377 = arith.index_cast %parallel_loop3A_376 : i32 to index
        %parallel_loop3A_378 = arith.index_cast %parallel_loop3A_132 : i32 to index
        %parallel_loop3A_379 = tpu.vector_load %arg11[%parallel_loop3A_377, %parallel_loop3A_378] {strides = array<i32>} : memref<64x256xf32, #tpu.memory_space<vmem>>, vector<16xf32>,
        tpu.vector_store %arg11[%parallel_loop3A_377, %parallel_loop3A_378], %parallel_loop3A_375 {strides = array<i32>} : memref<64x256xf32, #tpu.memory_space<vmem>>, vector<16xf32>,
        %parallel_loop3A_380 = arith.constant 9747 : i32
        %parallel_loop3A_381 = vector.broadcast %parallel_loop3A_380 : i32 to vector<16xi32>
        %parallel_loop3A_382 = arith.addi %parallel_loop3A_125, %parallel_loop3A_381 : vector<16xi32>
        %parallel_loop3A_383 = tpu.vector_load_idx %arg7[%parallel_loop3A_382] : memref<32832xf32, #tpu.memory_space<vmem>>[vector<16xi32>], vector<16xf32>,
        %parallel_loop3A_384 = arith.constant 9747 : i32
        %parallel_loop3A_385 = vector.broadcast %parallel_loop3A_384 : i32 to vector<16xi32>
        %parallel_loop3A_386 = arith.addi %parallel_loop3A_129, %parallel_loop3A_385 : vector<16xi32>
        %parallel_loop3A_387 = tpu.vector_load_idx %arg8[%parallel_loop3A_386] : memref<32832xf32, #tpu.memory_space<vmem>>[vector<16xi32>], vector<16xf32>,
        %parallel_loop3A_388 = arith.addf %parallel_loop3A_383, %parallel_loop3A_387 : vector<16xf32>
        %parallel_loop3A_389 = arith.constant 19 : i32
        %parallel_loop3A_390 = arith.index_cast %parallel_loop3A_389 : i32 to index
        %parallel_loop3A_391 = arith.index_cast %parallel_loop3A_132 : i32 to index
        %parallel_loop3A_392 = tpu.vector_load %arg11[%parallel_loop3A_390, %parallel_loop3A_391] {strides = array<i32>} : memref<64x256xf32, #tpu.memory_space<vmem>>, vector<16xf32>,
        tpu.vector_store %arg11[%parallel_loop3A_390, %parallel_loop3A_391], %parallel_loop3A_388 {strides = array<i32>} : memref<64x256xf32, #tpu.memory_space<vmem>>, vector<16xf32>,
        %parallel_loop3A_393 = arith.constant 10260 : i32
        %parallel_loop3A_394 = vector.broadcast %parallel_loop3A_393 : i32 to vector<16xi32>
        %parallel_loop3A_395 = arith.addi %parallel_loop3A_125, %parallel_loop3A_394 : vector<16xi32>
        %parallel_loop3A_396 = tpu.vector_load_idx %arg7[%parallel_loop3A_395] : memref<32832xf32, #tpu.memory_space<vmem>>[vector<16xi32>], vector<16xf32>,
        %parallel_loop3A_397 = arith.constant 10260 : i32
        %parallel_loop3A_398 = vector.broadcast %parallel_loop3A_397 : i32 to vector<16xi32>
        %parallel_loop3A_399 = arith.addi %parallel_loop3A_129, %parallel_loop3A_398 : vector<16xi32>
        %parallel_loop3A_400 = tpu.vector_load_idx %arg8[%parallel_loop3A_399] : memref<32832xf32, #tpu.memory_space<vmem>>[vector<16xi32>], vector<16xf32>,
        %parallel_loop3A_401 = arith.addf %parallel_loop3A_396, %parallel_loop3A_400 : vector<16xf32>
        %parallel_loop3A_402 = arith.constant 20 : i32
        %parallel_loop3A_403 = arith.index_cast %parallel_loop3A_402 : i32 to index
        %parallel_loop3A_404 = arith.index_cast %parallel_loop3A_132 : i32 to index
        %parallel_loop3A_405 = tpu.vector_load %arg11[%parallel_loop3A_403, %parallel_loop3A_404] {strides = array<i32>} : memref<64x256xf32, #tpu.memory_space<vmem>>, vector<16xf32>,
        tpu.vector_store %arg11[%parallel_loop3A_403, %parallel_loop3A_404], %parallel_loop3A_401 {strides = array<i32>} : memref<64x256xf32, #tpu.memory_space<vmem>>, vector<16xf32>,
        %parallel_loop3A_406 = arith.constant 10773 : i32
        %parallel_loop3A_407 = vector.broadcast %parallel_loop3A_406 : i32 to vector<16xi32>
        %parallel_loop3A_408 = arith.addi %parallel_loop3A_125, %parallel_loop3A_407 : vector<16xi32>
        %parallel_loop3A_409 = tpu.vector_load_idx %arg7[%parallel_loop3A_408] : memref<32832xf32, #tpu.memory_space<vmem>>[vector<16xi32>], vector<16xf32>,
        %parallel_loop3A_410 = arith.constant 10773 : i32
        %parallel_loop3A_411 = vector.broadcast %parallel_loop3A_410 : i32 to vector<16xi32>
        %parallel_loop3A_412 = arith.addi %parallel_loop3A_129, %parallel_loop3A_411 : vector<16xi32>
        %parallel_loop3A_413 = tpu.vector_load_idx %arg8[%parallel_loop3A_412] : memref<32832xf32, #tpu.memory_space<vmem>>[vector<16xi32>], vector<16xf32>,
        %parallel_loop3A_414 = arith.addf %parallel_loop3A_409, %parallel_loop3A_413 : vector<16xf32>
        %parallel_loop3A_415 = arith.constant 21 : i32
        %parallel_loop3A_416 = arith.index_cast %parallel_loop3A_415 : i32 to index
        %parallel_loop3A_417 = arith.index_cast %parallel_loop3A_132 : i32 to index
        %parallel_loop3A_418 = tpu.vector_load %arg11[%parallel_loop3A_416, %parallel_loop3A_417] {strides = array<i32>} : memref<64x256xf32, #tpu.memory_space<vmem>>, vector<16xf32>,
        tpu.vector_store %arg11[%parallel_loop3A_416, %parallel_loop3A_417], %parallel_loop3A_414 {strides = array<i32>} : memref<64x256xf32, #tpu.memory_space<vmem>>, vector<16xf32>,
        %parallel_loop3A_419 = arith.constant 11286 : i32
        %parallel_loop3A_420 = vector.broadcast %parallel_loop3A_419 : i32 to vector<16xi32>
        %parallel_loop3A_421 = arith.addi %parallel_loop3A_125, %parallel_loop3A_420 : vector<16xi32>
        %parallel_loop3A_422 = tpu.vector_load_idx %arg7[%parallel_loop3A_421] : memref<32832xf32, #tpu.memory_space<vmem>>[vector<16xi32>], vector<16xf32>,
        %parallel_loop3A_423 = arith.constant 11286 : i32
        %parallel_loop3A_424 = vector.broadcast %parallel_loop3A_423 : i32 to vector<16xi32>
        %parallel_loop3A_425 = arith.addi %parallel_loop3A_129, %parallel_loop3A_424 : vector<16xi32>
        %parallel_loop3A_426 = tpu.vector_load_idx %arg8[%parallel_loop3A_425] : memref<32832xf32, #tpu.memory_space<vmem>>[vector<16xi32>], vector<16xf32>,
        %parallel_loop3A_427 = arith.addf %parallel_loop3A_422, %parallel_loop3A_426 : vector<16xf32>
        %parallel_loop3A_428 = arith.constant 22 : i32
        %parallel_loop3A_429 = arith.index_cast %parallel_loop3A_428 : i32 to index
        %parallel_loop3A_430 = arith.index_cast %parallel_loop3A_132 : i32 to index
        %parallel_loop3A_431 = tpu.vector_load %arg11[%parallel_loop3A_429, %parallel_loop3A_430] {strides = array<i32>} : memref<64x256xf32, #tpu.memory_space<vmem>>, vector<16xf32>,
        tpu.vector_store %arg11[%parallel_loop3A_429, %parallel_loop3A_430], %parallel_loop3A_427 {strides = array<i32>} : memref<64x256xf32, #tpu.memory_space<vmem>>, vector<16xf32>,
        %parallel_loop3A_432 = arith.constant 11799 : i32
        %parallel_loop3A_433 = vector.broadcast %parallel_loop3A_432 : i32 to vector<16xi32>
        %parallel_loop3A_434 = arith.addi %parallel_loop3A_125, %parallel_loop3A_433 : vector<16xi32>
        %parallel_loop3A_435 = tpu.vector_load_idx %arg7[%parallel_loop3A_434] : memref<32832xf32, #tpu.memory_space<vmem>>[vector<16xi32>], vector<16xf32>,
        %parallel_loop3A_436 = arith.constant 11799 : i32
        %parallel_loop3A_437 = vector.broadcast %parallel_loop3A_436 : i32 to vector<16xi32>
        %parallel_loop3A_438 = arith.addi %parallel_loop3A_129, %parallel_loop3A_437 : vector<16xi32>
        %parallel_loop3A_439 = tpu.vector_load_idx %arg8[%parallel_loop3A_438] : memref<32832xf32, #tpu.memory_space<vmem>>[vector<16xi32>], vector<16xf32>,
        %parallel_loop3A_440 = arith.addf %parallel_loop3A_435, %parallel_loop3A_439 : vector<16xf32>
        %parallel_loop3A_441 = arith.constant 23 : i32
        %parallel_loop3A_442 = arith.index_cast %parallel_loop3A_441 : i32 to index
        %parallel_loop3A_443 = arith.index_cast %parallel_loop3A_132 : i32 to index
        %parallel_loop3A_444 = tpu.vector_load %arg11[%parallel_loop3A_442, %parallel_loop3A_443] {strides = array<i32>} : memref<64x256xf32, #tpu.memory_space<vmem>>, vector<16xf32>,
        tpu.vector_store %arg11[%parallel_loop3A_442, %parallel_loop3A_443], %parallel_loop3A_440 {strides = array<i32>} : memref<64x256xf32, #tpu.memory_space<vmem>>, vector<16xf32>,
        %parallel_loop3A_445 = arith.constant 12312 : i32
        %parallel_loop3A_446 = vector.broadcast %parallel_loop3A_445 : i32 to vector<16xi32>
        %parallel_loop3A_447 = arith.addi %parallel_loop3A_125, %parallel_loop3A_446 : vector<16xi32>
        %parallel_loop3A_448 = tpu.vector_load_idx %arg7[%parallel_loop3A_447] : memref<32832xf32, #tpu.memory_space<vmem>>[vector<16xi32>], vector<16xf32>,
        %parallel_loop3A_449 = arith.constant 12312 : i32
        %parallel_loop3A_450 = vector.broadcast %parallel_loop3A_449 : i32 to vector<16xi32>
        %parallel_loop3A_451 = arith.addi %parallel_loop3A_129, %parallel_loop3A_450 : vector<16xi32>
        %parallel_loop3A_452 = tpu.vector_load_idx %arg8[%parallel_loop3A_451] : memref<32832xf32, #tpu.memory_space<vmem>>[vector<16xi32>], vector<16xf32>,
        %parallel_loop3A_453 = arith.addf %parallel_loop3A_448, %parallel_loop3A_452 : vector<16xf32>
        %parallel_loop3A_454 = arith.constant 24 : i32
        %parallel_loop3A_455 = arith.index_cast %parallel_loop3A_454 : i32 to index
        %parallel_loop3A_456 = arith.index_cast %parallel_loop3A_132 : i32 to index
        %parallel_loop3A_457 = tpu.vector_load %arg11[%parallel_loop3A_455, %parallel_loop3A_456] {strides = array<i32>} : memref<64x256xf32, #tpu.memory_space<vmem>>, vector<16xf32>,
        tpu.vector_store %arg11[%parallel_loop3A_455, %parallel_loop3A_456], %parallel_loop3A_453 {strides = array<i32>} : memref<64x256xf32, #tpu.memory_space<vmem>>, vector<16xf32>,
        %parallel_loop3A_458 = arith.constant 12825 : i32
        %parallel_loop3A_459 = vector.broadcast %parallel_loop3A_458 : i32 to vector<16xi32>
        %parallel_loop3A_460 = arith.addi %parallel_loop3A_125, %parallel_loop3A_459 : vector<16xi32>
        %parallel_loop3A_461 = tpu.vector_load_idx %arg7[%parallel_loop3A_460] : memref<32832xf32, #tpu.memory_space<vmem>>[vector<16xi32>], vector<16xf32>,
        %parallel_loop3A_462 = arith.constant 12825 : i32
        %parallel_loop3A_463 = vector.broadcast %parallel_loop3A_462 : i32 to vector<16xi32>
        %parallel_loop3A_464 = arith.addi %parallel_loop3A_129, %parallel_loop3A_463 : vector<16xi32>
        %parallel_loop3A_465 = tpu.vector_load_idx %arg8[%parallel_loop3A_464] : memref<32832xf32, #tpu.memory_space<vmem>>[vector<16xi32>], vector<16xf32>,
        %parallel_loop3A_466 = arith.addf %parallel_loop3A_461, %parallel_loop3A_465 : vector<16xf32>
        %parallel_loop3A_467 = arith.constant 25 : i32
        %parallel_loop3A_468 = arith.index_cast %parallel_loop3A_467 : i32 to index
        %parallel_loop3A_469 = arith.index_cast %parallel_loop3A_132 : i32 to index
        %parallel_loop3A_470 = tpu.vector_load %arg11[%parallel_loop3A_468, %parallel_loop3A_469] {strides = array<i32>} : memref<64x256xf32, #tpu.memory_space<vmem>>, vector<16xf32>,
        tpu.vector_store %arg11[%parallel_loop3A_468, %parallel_loop3A_469], %parallel_loop3A_466 {strides = array<i32>} : memref<64x256xf32, #tpu.memory_space<vmem>>, vector<16xf32>,
        %parallel_loop3A_471 = arith.constant 13338 : i32
        %parallel_loop3A_472 = vector.broadcast %parallel_loop3A_471 : i32 to vector<16xi32>
        %parallel_loop3A_473 = arith.addi %parallel_loop3A_125, %parallel_loop3A_472 : vector<16xi32>
        %parallel_loop3A_474 = tpu.vector_load_idx %arg7[%parallel_loop3A_473] : memref<32832xf32, #tpu.memory_space<vmem>>[vector<16xi32>], vector<16xf32>,
        %parallel_loop3A_475 = arith.constant 13338 : i32
        %parallel_loop3A_476 = vector.broadcast %parallel_loop3A_475 : i32 to vector<16xi32>
        %parallel_loop3A_477 = arith.addi %parallel_loop3A_129, %parallel_loop3A_476 : vector<16xi32>
        %parallel_loop3A_478 = tpu.vector_load_idx %arg8[%parallel_loop3A_477] : memref<32832xf32, #tpu.memory_space<vmem>>[vector<16xi32>], vector<16xf32>,
        %parallel_loop3A_479 = arith.addf %parallel_loop3A_474, %parallel_loop3A_478 : vector<16xf32>
        %parallel_loop3A_480 = arith.constant 26 : i32
        %parallel_loop3A_481 = arith.index_cast %parallel_loop3A_480 : i32 to index
        %parallel_loop3A_482 = arith.index_cast %parallel_loop3A_132 : i32 to index
        %parallel_loop3A_483 = tpu.vector_load %arg11[%parallel_loop3A_481, %parallel_loop3A_482] {strides = array<i32>} : memref<64x256xf32, #tpu.memory_space<vmem>>, vector<16xf32>,
        tpu.vector_store %arg11[%parallel_loop3A_481, %parallel_loop3A_482], %parallel_loop3A_479 {strides = array<i32>} : memref<64x256xf32, #tpu.memory_space<vmem>>, vector<16xf32>,
        %parallel_loop3A_484 = arith.constant 13851 : i32
        %parallel_loop3A_485 = vector.broadcast %parallel_loop3A_484 : i32 to vector<16xi32>
        %parallel_loop3A_486 = arith.addi %parallel_loop3A_125, %parallel_loop3A_485 : vector<16xi32>
        %parallel_loop3A_487 = tpu.vector_load_idx %arg7[%parallel_loop3A_486] : memref<32832xf32, #tpu.memory_space<vmem>>[vector<16xi32>], vector<16xf32>,
        %parallel_loop3A_488 = arith.constant 13851 : i32
        %parallel_loop3A_489 = vector.broadcast %parallel_loop3A_488 : i32 to vector<16xi32>
        %parallel_loop3A_490 = arith.addi %parallel_loop3A_129, %parallel_loop3A_489 : vector<16xi32>
        %parallel_loop3A_491 = tpu.vector_load_idx %arg8[%parallel_loop3A_490] : memref<32832xf32, #tpu.memory_space<vmem>>[vector<16xi32>], vector<16xf32>,
        %parallel_loop3A_492 = arith.addf %parallel_loop3A_487, %parallel_loop3A_491 : vector<16xf32>
        %parallel_loop3A_493 = arith.constant 27 : i32
        %parallel_loop3A_494 = arith.index_cast %parallel_loop3A_493 : i32 to index
        %parallel_loop3A_495 = arith.index_cast %parallel_loop3A_132 : i32 to index
        %parallel_loop3A_496 = tpu.vector_load %arg11[%parallel_loop3A_494, %parallel_loop3A_495] {strides = array<i32>} : memref<64x256xf32, #tpu.memory_space<vmem>>, vector<16xf32>,
        tpu.vector_store %arg11[%parallel_loop3A_494, %parallel_loop3A_495], %parallel_loop3A_492 {strides = array<i32>} : memref<64x256xf32, #tpu.memory_space<vmem>>, vector<16xf32>,
        %parallel_loop3A_497 = arith.constant 14364 : i32
        %parallel_loop3A_498 = vector.broadcast %parallel_loop3A_497 : i32 to vector<16xi32>
        %parallel_loop3A_499 = arith.addi %parallel_loop3A_125, %parallel_loop3A_498 : vector<16xi32>
        %parallel_loop3A_500 = tpu.vector_load_idx %arg7[%parallel_loop3A_499] : memref<32832xf32, #tpu.memory_space<vmem>>[vector<16xi32>], vector<16xf32>,
        %parallel_loop3A_501 = arith.constant 14364 : i32
        %parallel_loop3A_502 = vector.broadcast %parallel_loop3A_501 : i32 to vector<16xi32>
        %parallel_loop3A_503 = arith.addi %parallel_loop3A_129, %parallel_loop3A_502 : vector<16xi32>
        %parallel_loop3A_504 = tpu.vector_load_idx %arg8[%parallel_loop3A_503] : memref<32832xf32, #tpu.memory_space<vmem>>[vector<16xi32>], vector<16xf32>,
        %parallel_loop3A_505 = arith.addf %parallel_loop3A_500, %parallel_loop3A_504 : vector<16xf32>
        %parallel_loop3A_506 = arith.constant 28 : i32
        %parallel_loop3A_507 = arith.index_cast %parallel_loop3A_506 : i32 to index
        %parallel_loop3A_508 = arith.index_cast %parallel_loop3A_132 : i32 to index
        %parallel_loop3A_509 = tpu.vector_load %arg11[%parallel_loop3A_507, %parallel_loop3A_508] {strides = array<i32>} : memref<64x256xf32, #tpu.memory_space<vmem>>, vector<16xf32>,
        tpu.vector_store %arg11[%parallel_loop3A_507, %parallel_loop3A_508], %parallel_loop3A_505 {strides = array<i32>} : memref<64x256xf32, #tpu.memory_space<vmem>>, vector<16xf32>,
        %parallel_loop3A_510 = arith.constant 14877 : i32
        %parallel_loop3A_511 = vector.broadcast %parallel_loop3A_510 : i32 to vector<16xi32>
        %parallel_loop3A_512 = arith.addi %parallel_loop3A_125, %parallel_loop3A_511 : vector<16xi32>
        %parallel_loop3A_513 = tpu.vector_load_idx %arg7[%parallel_loop3A_512] : memref<32832xf32, #tpu.memory_space<vmem>>[vector<16xi32>], vector<16xf32>,
        %parallel_loop3A_514 = arith.constant 14877 : i32
        %parallel_loop3A_515 = vector.broadcast %parallel_loop3A_514 : i32 to vector<16xi32>
        %parallel_loop3A_516 = arith.addi %parallel_loop3A_129, %parallel_loop3A_515 : vector<16xi32>
        %parallel_loop3A_517 = tpu.vector_load_idx %arg8[%parallel_loop3A_516] : memref<32832xf32, #tpu.memory_space<vmem>>[vector<16xi32>], vector<16xf32>,
        %parallel_loop3A_518 = arith.addf %parallel_loop3A_513, %parallel_loop3A_517 : vector<16xf32>
        %parallel_loop3A_519 = arith.constant 29 : i32
        %parallel_loop3A_520 = arith.index_cast %parallel_loop3A_519 : i32 to index
        %parallel_loop3A_521 = arith.index_cast %parallel_loop3A_132 : i32 to index
        %parallel_loop3A_522 = tpu.vector_load %arg11[%parallel_loop3A_520, %parallel_loop3A_521] {strides = array<i32>} : memref<64x256xf32, #tpu.memory_space<vmem>>, vector<16xf32>,
        tpu.vector_store %arg11[%parallel_loop3A_520, %parallel_loop3A_521], %parallel_loop3A_518 {strides = array<i32>} : memref<64x256xf32, #tpu.memory_space<vmem>>, vector<16xf32>,
        %parallel_loop3A_523 = arith.constant 15390 : i32
        %parallel_loop3A_524 = vector.broadcast %parallel_loop3A_523 : i32 to vector<16xi32>
        %parallel_loop3A_525 = arith.addi %parallel_loop3A_125, %parallel_loop3A_524 : vector<16xi32>
        %parallel_loop3A_526 = tpu.vector_load_idx %arg7[%parallel_loop3A_525] : memref<32832xf32, #tpu.memory_space<vmem>>[vector<16xi32>], vector<16xf32>,
        %parallel_loop3A_527 = arith.constant 15390 : i32
        %parallel_loop3A_528 = vector.broadcast %parallel_loop3A_527 : i32 to vector<16xi32>
        %parallel_loop3A_529 = arith.addi %parallel_loop3A_129, %parallel_loop3A_528 : vector<16xi32>
        %parallel_loop3A_530 = tpu.vector_load_idx %arg8[%parallel_loop3A_529] : memref<32832xf32, #tpu.memory_space<vmem>>[vector<16xi32>], vector<16xf32>,
        %parallel_loop3A_531 = arith.addf %parallel_loop3A_526, %parallel_loop3A_530 : vector<16xf32>
        %parallel_loop3A_532 = arith.constant 30 : i32
        %parallel_loop3A_533 = arith.index_cast %parallel_loop3A_532 : i32 to index
        %parallel_loop3A_534 = arith.index_cast %parallel_loop3A_132 : i32 to index
        %parallel_loop3A_535 = tpu.vector_load %arg11[%parallel_loop3A_533, %parallel_loop3A_534] {strides = array<i32>} : memref<64x256xf32, #tpu.memory_space<vmem>>, vector<16xf32>,
        tpu.vector_store %arg11[%parallel_loop3A_533, %parallel_loop3A_534], %parallel_loop3A_531 {strides = array<i32>} : memref<64x256xf32, #tpu.memory_space<vmem>>, vector<16xf32>,
        %parallel_loop3A_536 = arith.constant 15903 : i32
        %parallel_loop3A_537 = vector.broadcast %parallel_loop3A_536 : i32 to vector<16xi32>
        %parallel_loop3A_538 = arith.addi %parallel_loop3A_125, %parallel_loop3A_537 : vector<16xi32>
        %parallel_loop3A_539 = tpu.vector_load_idx %arg7[%parallel_loop3A_538] : memref<32832xf32, #tpu.memory_space<vmem>>[vector<16xi32>], vector<16xf32>,
        %parallel_loop3A_540 = arith.constant 15903 : i32
        %parallel_loop3A_541 = vector.broadcast %parallel_loop3A_540 : i32 to vector<16xi32>
        %parallel_loop3A_542 = arith.addi %parallel_loop3A_129, %parallel_loop3A_541 : vector<16xi32>
        %parallel_loop3A_543 = tpu.vector_load_idx %arg8[%parallel_loop3A_542] : memref<32832xf32, #tpu.memory_space<vmem>>[vector<16xi32>], vector<16xf32>,
        %parallel_loop3A_544 = arith.addf %parallel_loop3A_539, %parallel_loop3A_543 : vector<16xf32>
        %parallel_loop3A_545 = arith.constant 31 : i32
        %parallel_loop3A_546 = arith.index_cast %parallel_loop3A_545 : i32 to index
        %parallel_loop3A_547 = arith.index_cast %parallel_loop3A_132 : i32 to index
        %parallel_loop3A_548 = tpu.vector_load %arg11[%parallel_loop3A_546, %parallel_loop3A_547] {strides = array<i32>} : memref<64x256xf32, #tpu.memory_space<vmem>>, vector<16xf32>,
        tpu.vector_store %arg11[%parallel_loop3A_546, %parallel_loop3A_547], %parallel_loop3A_544 {strides = array<i32>} : memref<64x256xf32, #tpu.memory_space<vmem>>, vector<16xf32>,
        %parallel_loop3A_549 = arith.constant 16416 : i32
        %parallel_loop3A_550 = vector.broadcast %parallel_loop3A_549 : i32 to vector<16xi32>
        %parallel_loop3A_551 = arith.addi %parallel_loop3A_125, %parallel_loop3A_550 : vector<16xi32>
        %parallel_loop3A_552 = tpu.vector_load_idx %arg7[%parallel_loop3A_551] : memref<32832xf32, #tpu.memory_space<vmem>>[vector<16xi32>], vector<16xf32>,
        %parallel_loop3A_553 = arith.constant 16416 : i32
        %parallel_loop3A_554 = vector.broadcast %parallel_loop3A_553 : i32 to vector<16xi32>
        %parallel_loop3A_555 = arith.addi %parallel_loop3A_129, %parallel_loop3A_554 : vector<16xi32>
        %parallel_loop3A_556 = tpu.vector_load_idx %arg8[%parallel_loop3A_555] : memref<32832xf32, #tpu.memory_space<vmem>>[vector<16xi32>], vector<16xf32>,
        %parallel_loop3A_557 = arith.addf %parallel_loop3A_552, %parallel_loop3A_556 : vector<16xf32>
        %parallel_loop3A_558 = arith.constant 32 : i32
        %parallel_loop3A_559 = arith.index_cast %parallel_loop3A_558 : i32 to index
        %parallel_loop3A_560 = arith.index_cast %parallel_loop3A_132 : i32 to index
        %parallel_loop3A_561 = tpu.vector_load %arg11[%parallel_loop3A_559, %parallel_loop3A_560] {strides = array<i32>} : memref<64x256xf32, #tpu.memory_space<vmem>>, vector<16xf32>,
        tpu.vector_store %arg11[%parallel_loop3A_559, %parallel_loop3A_560], %parallel_loop3A_557 {strides = array<i32>} : memref<64x256xf32, #tpu.memory_space<vmem>>, vector<16xf32>,
        %parallel_loop3A_562 = arith.constant 16929 : i32
        %parallel_loop3A_563 = vector.broadcast %parallel_loop3A_562 : i32 to vector<16xi32>
        %parallel_loop3A_564 = arith.addi %parallel_loop3A_125, %parallel_loop3A_563 : vector<16xi32>
        %parallel_loop3A_565 = tpu.vector_load_idx %arg7[%parallel_loop3A_564] : memref<32832xf32, #tpu.memory_space<vmem>>[vector<16xi32>], vector<16xf32>,
        %parallel_loop3A_566 = arith.constant 16929 : i32
        %parallel_loop3A_567 = vector.broadcast %parallel_loop3A_566 : i32 to vector<16xi32>
        %parallel_loop3A_568 = arith.addi %parallel_loop3A_129, %parallel_loop3A_567 : vector<16xi32>
        %parallel_loop3A_569 = tpu.vector_load_idx %arg8[%parallel_loop3A_568] : memref<32832xf32, #tpu.memory_space<vmem>>[vector<16xi32>], vector<16xf32>,
        %parallel_loop3A_570 = arith.addf %parallel_loop3A_565, %parallel_loop3A_569 : vector<16xf32>
        %parallel_loop3A_571 = arith.constant 33 : i32
        %parallel_loop3A_572 = arith.index_cast %parallel_loop3A_571 : i32 to index
        %parallel_loop3A_573 = arith.index_cast %parallel_loop3A_132 : i32 to index
        %parallel_loop3A_574 = tpu.vector_load %arg11[%parallel_loop3A_572, %parallel_loop3A_573] {strides = array<i32>} : memref<64x256xf32, #tpu.memory_space<vmem>>, vector<16xf32>,
        tpu.vector_store %arg11[%parallel_loop3A_572, %parallel_loop3A_573], %parallel_loop3A_570 {strides = array<i32>} : memref<64x256xf32, #tpu.memory_space<vmem>>, vector<16xf32>,
        %parallel_loop3A_575 = arith.constant 17442 : i32
        %parallel_loop3A_576 = vector.broadcast %parallel_loop3A_575 : i32 to vector<16xi32>
        %parallel_loop3A_577 = arith.addi %parallel_loop3A_125, %parallel_loop3A_576 : vector<16xi32>
        %parallel_loop3A_578 = tpu.vector_load_idx %arg7[%parallel_loop3A_577] : memref<32832xf32, #tpu.memory_space<vmem>>[vector<16xi32>], vector<16xf32>,
        %parallel_loop3A_579 = arith.constant 17442 : i32
        %parallel_loop3A_580 = vector.broadcast %parallel_loop3A_579 : i32 to vector<16xi32>
        %parallel_loop3A_581 = arith.addi %parallel_loop3A_129, %parallel_loop3A_580 : vector<16xi32>
        %parallel_loop3A_582 = tpu.vector_load_idx %arg8[%parallel_loop3A_581] : memref<32832xf32, #tpu.memory_space<vmem>>[vector<16xi32>], vector<16xf32>,
        %parallel_loop3A_583 = arith.addf %parallel_loop3A_578, %parallel_loop3A_582 : vector<16xf32>
        %parallel_loop3A_584 = arith.constant 34 : i32
        %parallel_loop3A_585 = arith.index_cast %parallel_loop3A_584 : i32 to index
        %parallel_loop3A_586 = arith.index_cast %parallel_loop3A_132 : i32 to index
        %parallel_loop3A_587 = tpu.vector_load %arg11[%parallel_loop3A_585, %parallel_loop3A_586] {strides = array<i32>} : memref<64x256xf32, #tpu.memory_space<vmem>>, vector<16xf32>,
        tpu.vector_store %arg11[%parallel_loop3A_585, %parallel_loop3A_586], %parallel_loop3A_583 {strides = array<i32>} : memref<64x256xf32, #tpu.memory_space<vmem>>, vector<16xf32>,
        %parallel_loop3A_588 = arith.constant 17955 : i32
        %parallel_loop3A_589 = vector.broadcast %parallel_loop3A_588 : i32 to vector<16xi32>
        %parallel_loop3A_590 = arith.addi %parallel_loop3A_125, %parallel_loop3A_589 : vector<16xi32>
        %parallel_loop3A_591 = tpu.vector_load_idx %arg7[%parallel_loop3A_590] : memref<32832xf32, #tpu.memory_space<vmem>>[vector<16xi32>], vector<16xf32>,
        %parallel_loop3A_592 = arith.constant 17955 : i32
        %parallel_loop3A_593 = vector.broadcast %parallel_loop3A_592 : i32 to vector<16xi32>
        %parallel_loop3A_594 = arith.addi %parallel_loop3A_129, %parallel_loop3A_593 : vector<16xi32>
        %parallel_loop3A_595 = tpu.vector_load_idx %arg8[%parallel_loop3A_594] : memref<32832xf32, #tpu.memory_space<vmem>>[vector<16xi32>], vector<16xf32>,
        %parallel_loop3A_596 = arith.addf %parallel_loop3A_591, %parallel_loop3A_595 : vector<16xf32>
        %parallel_loop3A_597 = arith.constant 35 : i32
        %parallel_loop3A_598 = arith.index_cast %parallel_loop3A_597 : i32 to index
        %parallel_loop3A_599 = arith.index_cast %parallel_loop3A_132 : i32 to index
        %parallel_loop3A_600 = tpu.vector_load %arg11[%parallel_loop3A_598, %parallel_loop3A_599] {strides = array<i32>} : memref<64x256xf32, #tpu.memory_space<vmem>>, vector<16xf32>,
        tpu.vector_store %arg11[%parallel_loop3A_598, %parallel_loop3A_599], %parallel_loop3A_596 {strides = array<i32>} : memref<64x256xf32, #tpu.memory_space<vmem>>, vector<16xf32>,
        %parallel_loop3A_601 = arith.constant 18468 : i32
        %parallel_loop3A_602 = vector.broadcast %parallel_loop3A_601 : i32 to vector<16xi32>
        %parallel_loop3A_603 = arith.addi %parallel_loop3A_125, %parallel_loop3A_602 : vector<16xi32>
        %parallel_loop3A_604 = tpu.vector_load_idx %arg7[%parallel_loop3A_603] : memref<32832xf32, #tpu.memory_space<vmem>>[vector<16xi32>], vector<16xf32>,
        %parallel_loop3A_605 = arith.constant 18468 : i32
        %parallel_loop3A_606 = vector.broadcast %parallel_loop3A_605 : i32 to vector<16xi32>
        %parallel_loop3A_607 = arith.addi %parallel_loop3A_129, %parallel_loop3A_606 : vector<16xi32>
        %parallel_loop3A_608 = tpu.vector_load_idx %arg8[%parallel_loop3A_607] : memref<32832xf32, #tpu.memory_space<vmem>>[vector<16xi32>], vector<16xf32>,
        %parallel_loop3A_609 = arith.addf %parallel_loop3A_604, %parallel_loop3A_608 : vector<16xf32>
        %parallel_loop3A_610 = arith.constant 36 : i32
        %parallel_loop3A_611 = arith.index_cast %parallel_loop3A_610 : i32 to index
        %parallel_loop3A_612 = arith.index_cast %parallel_loop3A_132 : i32 to index
        %parallel_loop3A_613 = tpu.vector_load %arg11[%parallel_loop3A_611, %parallel_loop3A_612] {strides = array<i32>} : memref<64x256xf32, #tpu.memory_space<vmem>>, vector<16xf32>,
        tpu.vector_store %arg11[%parallel_loop3A_611, %parallel_loop3A_612], %parallel_loop3A_609 {strides = array<i32>} : memref<64x256xf32, #tpu.memory_space<vmem>>, vector<16xf32>,
        %parallel_loop3A_614 = arith.constant 18981 : i32
        %parallel_loop3A_615 = vector.broadcast %parallel_loop3A_614 : i32 to vector<16xi32>
        %parallel_loop3A_616 = arith.addi %parallel_loop3A_125, %parallel_loop3A_615 : vector<16xi32>
        %parallel_loop3A_617 = tpu.vector_load_idx %arg7[%parallel_loop3A_616] : memref<32832xf32, #tpu.memory_space<vmem>>[vector<16xi32>], vector<16xf32>,
        %parallel_loop3A_618 = arith.constant 18981 : i32
        %parallel_loop3A_619 = vector.broadcast %parallel_loop3A_618 : i32 to vector<16xi32>
        %parallel_loop3A_620 = arith.addi %parallel_loop3A_129, %parallel_loop3A_619 : vector<16xi32>
        %parallel_loop3A_621 = tpu.vector_load_idx %arg8[%parallel_loop3A_620] : memref<32832xf32, #tpu.memory_space<vmem>>[vector<16xi32>], vector<16xf32>,
        %parallel_loop3A_622 = arith.addf %parallel_loop3A_617, %parallel_loop3A_621 : vector<16xf32>
        %parallel_loop3A_623 = arith.constant 37 : i32
        %parallel_loop3A_624 = arith.index_cast %parallel_loop3A_623 : i32 to index
        %parallel_loop3A_625 = arith.index_cast %parallel_loop3A_132 : i32 to index
        %parallel_loop3A_626 = tpu.vector_load %arg11[%parallel_loop3A_624, %parallel_loop3A_625] {strides = array<i32>} : memref<64x256xf32, #tpu.memory_space<vmem>>, vector<16xf32>,
        tpu.vector_store %arg11[%parallel_loop3A_624, %parallel_loop3A_625], %parallel_loop3A_622 {strides = array<i32>} : memref<64x256xf32, #tpu.memory_space<vmem>>, vector<16xf32>,
        %parallel_loop3A_627 = arith.constant 19494 : i32
        %parallel_loop3A_628 = vector.broadcast %parallel_loop3A_627 : i32 to vector<16xi32>
        %parallel_loop3A_629 = arith.addi %parallel_loop3A_125, %parallel_loop3A_628 : vector<16xi32>
        %parallel_loop3A_630 = tpu.vector_load_idx %arg7[%parallel_loop3A_629] : memref<32832xf32, #tpu.memory_space<vmem>>[vector<16xi32>], vector<16xf32>,
        %parallel_loop3A_631 = arith.constant 19494 : i32
        %parallel_loop3A_632 = vector.broadcast %parallel_loop3A_631 : i32 to vector<16xi32>
        %parallel_loop3A_633 = arith.addi %parallel_loop3A_129, %parallel_loop3A_632 : vector<16xi32>
        %parallel_loop3A_634 = tpu.vector_load_idx %arg8[%parallel_loop3A_633] : memref<32832xf32, #tpu.memory_space<vmem>>[vector<16xi32>], vector<16xf32>,
        %parallel_loop3A_635 = arith.addf %parallel_loop3A_630, %parallel_loop3A_634 : vector<16xf32>
        %parallel_loop3A_636 = arith.constant 38 : i32
        %parallel_loop3A_637 = arith.index_cast %parallel_loop3A_636 : i32 to index
        %parallel_loop3A_638 = arith.index_cast %parallel_loop3A_132 : i32 to index
        %parallel_loop3A_639 = tpu.vector_load %arg11[%parallel_loop3A_637, %parallel_loop3A_638] {strides = array<i32>} : memref<64x256xf32, #tpu.memory_space<vmem>>, vector<16xf32>,
        tpu.vector_store %arg11[%parallel_loop3A_637, %parallel_loop3A_638], %parallel_loop3A_635 {strides = array<i32>} : memref<64x256xf32, #tpu.memory_space<vmem>>, vector<16xf32>,
        %parallel_loop3A_640 = arith.constant 20007 : i32
        %parallel_loop3A_641 = vector.broadcast %parallel_loop3A_640 : i32 to vector<16xi32>
        %parallel_loop3A_642 = arith.addi %parallel_loop3A_125, %parallel_loop3A_641 : vector<16xi32>
        %parallel_loop3A_643 = tpu.vector_load_idx %arg7[%parallel_loop3A_642] : memref<32832xf32, #tpu.memory_space<vmem>>[vector<16xi32>], vector<16xf32>,
        %parallel_loop3A_644 = arith.constant 20007 : i32
        %parallel_loop3A_645 = vector.broadcast %parallel_loop3A_644 : i32 to vector<16xi32>
        %parallel_loop3A_646 = arith.addi %parallel_loop3A_129, %parallel_loop3A_645 : vector<16xi32>
        %parallel_loop3A_647 = tpu.vector_load_idx %arg8[%parallel_loop3A_646] : memref<32832xf32, #tpu.memory_space<vmem>>[vector<16xi32>], vector<16xf32>,
        %parallel_loop3A_648 = arith.addf %parallel_loop3A_643, %parallel_loop3A_647 : vector<16xf32>
        %parallel_loop3A_649 = arith.constant 39 : i32
        %parallel_loop3A_650 = arith.index_cast %parallel_loop3A_649 : i32 to index
        %parallel_loop3A_651 = arith.index_cast %parallel_loop3A_132 : i32 to index
        %parallel_loop3A_652 = tpu.vector_load %arg11[%parallel_loop3A_650, %parallel_loop3A_651] {strides = array<i32>} : memref<64x256xf32, #tpu.memory_space<vmem>>, vector<16xf32>,
        tpu.vector_store %arg11[%parallel_loop3A_650, %parallel_loop3A_651], %parallel_loop3A_648 {strides = array<i32>} : memref<64x256xf32, #tpu.memory_space<vmem>>, vector<16xf32>,
        %parallel_loop3A_653 = arith.constant 20520 : i32
        %parallel_loop3A_654 = vector.broadcast %parallel_loop3A_653 : i32 to vector<16xi32>
        %parallel_loop3A_655 = arith.addi %parallel_loop3A_125, %parallel_loop3A_654 : vector<16xi32>
        %parallel_loop3A_656 = tpu.vector_load_idx %arg7[%parallel_loop3A_655] : memref<32832xf32, #tpu.memory_space<vmem>>[vector<16xi32>], vector<16xf32>,
        %parallel_loop3A_657 = arith.constant 20520 : i32
        %parallel_loop3A_658 = vector.broadcast %parallel_loop3A_657 : i32 to vector<16xi32>
        %parallel_loop3A_659 = arith.addi %parallel_loop3A_129, %parallel_loop3A_658 : vector<16xi32>
        %parallel_loop3A_660 = tpu.vector_load_idx %arg8[%parallel_loop3A_659] : memref<32832xf32, #tpu.memory_space<vmem>>[vector<16xi32>], vector<16xf32>,
        %parallel_loop3A_661 = arith.addf %parallel_loop3A_656, %parallel_loop3A_660 : vector<16xf32>
        %parallel_loop3A_662 = arith.constant 40 : i32
        %parallel_loop3A_663 = arith.index_cast %parallel_loop3A_662 : i32 to index
        %parallel_loop3A_664 = arith.index_cast %parallel_loop3A_132 : i32 to index
        %parallel_loop3A_665 = tpu.vector_load %arg11[%parallel_loop3A_663, %parallel_loop3A_664] {strides = array<i32>} : memref<64x256xf32, #tpu.memory_space<vmem>>, vector<16xf32>,
        tpu.vector_store %arg11[%parallel_loop3A_663, %parallel_loop3A_664], %parallel_loop3A_661 {strides = array<i32>} : memref<64x256xf32, #tpu.memory_space<vmem>>, vector<16xf32>,
        %parallel_loop3A_666 = arith.constant 21033 : i32
        %parallel_loop3A_667 = vector.broadcast %parallel_loop3A_666 : i32 to vector<16xi32>
        %parallel_loop3A_668 = arith.addi %parallel_loop3A_125, %parallel_loop3A_667 : vector<16xi32>
        %parallel_loop3A_669 = tpu.vector_load_idx %arg7[%parallel_loop3A_668] : memref<32832xf32, #tpu.memory_space<vmem>>[vector<16xi32>], vector<16xf32>,
        %parallel_loop3A_670 = arith.constant 21033 : i32
        %parallel_loop3A_671 = vector.broadcast %parallel_loop3A_670 : i32 to vector<16xi32>
        %parallel_loop3A_672 = arith.addi %parallel_loop3A_129, %parallel_loop3A_671 : vector<16xi32>
        %parallel_loop3A_673 = tpu.vector_load_idx %arg8[%parallel_loop3A_672] : memref<32832xf32, #tpu.memory_space<vmem>>[vector<16xi32>], vector<16xf32>,
        %parallel_loop3A_674 = arith.addf %parallel_loop3A_669, %parallel_loop3A_673 : vector<16xf32>
        %parallel_loop3A_675 = arith.constant 41 : i32
        %parallel_loop3A_676 = arith.index_cast %parallel_loop3A_675 : i32 to index
        %parallel_loop3A_677 = arith.index_cast %parallel_loop3A_132 : i32 to index
        %parallel_loop3A_678 = tpu.vector_load %arg11[%parallel_loop3A_676, %parallel_loop3A_677] {strides = array<i32>} : memref<64x256xf32, #tpu.memory_space<vmem>>, vector<16xf32>,
        tpu.vector_store %arg11[%parallel_loop3A_676, %parallel_loop3A_677], %parallel_loop3A_674 {strides = array<i32>} : memref<64x256xf32, #tpu.memory_space<vmem>>, vector<16xf32>,
        %parallel_loop3A_679 = arith.constant 21546 : i32
        %parallel_loop3A_680 = vector.broadcast %parallel_loop3A_679 : i32 to vector<16xi32>
        %parallel_loop3A_681 = arith.addi %parallel_loop3A_125, %parallel_loop3A_680 : vector<16xi32>
        %parallel_loop3A_682 = tpu.vector_load_idx %arg7[%parallel_loop3A_681] : memref<32832xf32, #tpu.memory_space<vmem>>[vector<16xi32>], vector<16xf32>,
        %parallel_loop3A_683 = arith.constant 21546 : i32
        %parallel_loop3A_684 = vector.broadcast %parallel_loop3A_683 : i32 to vector<16xi32>
        %parallel_loop3A_685 = arith.addi %parallel_loop3A_129, %parallel_loop3A_684 : vector<16xi32>
        %parallel_loop3A_686 = tpu.vector_load_idx %arg8[%parallel_loop3A_685] : memref<32832xf32, #tpu.memory_space<vmem>>[vector<16xi32>], vector<16xf32>,
        %parallel_loop3A_687 = arith.addf %parallel_loop3A_682, %parallel_loop3A_686 : vector<16xf32>
        %parallel_loop3A_688 = arith.constant 42 : i32
        %parallel_loop3A_689 = arith.index_cast %parallel_loop3A_688 : i32 to index
        %parallel_loop3A_690 = arith.index_cast %parallel_loop3A_132 : i32 to index
        %parallel_loop3A_691 = tpu.vector_load %arg11[%parallel_loop3A_689, %parallel_loop3A_690] {strides = array<i32>} : memref<64x256xf32, #tpu.memory_space<vmem>>, vector<16xf32>,
        tpu.vector_store %arg11[%parallel_loop3A_689, %parallel_loop3A_690], %parallel_loop3A_687 {strides = array<i32>} : memref<64x256xf32, #tpu.memory_space<vmem>>, vector<16xf32>,
        %parallel_loop3A_692 = arith.constant 22059 : i32
        %parallel_loop3A_693 = vector.broadcast %parallel_loop3A_692 : i32 to vector<16xi32>
        %parallel_loop3A_694 = arith.addi %parallel_loop3A_125, %parallel_loop3A_693 : vector<16xi32>
        %parallel_loop3A_695 = tpu.vector_load_idx %arg7[%parallel_loop3A_694] : memref<32832xf32, #tpu.memory_space<vmem>>[vector<16xi32>], vector<16xf32>,
        %parallel_loop3A_696 = arith.constant 22059 : i32
        %parallel_loop3A_697 = vector.broadcast %parallel_loop3A_696 : i32 to vector<16xi32>
        %parallel_loop3A_698 = arith.addi %parallel_loop3A_129, %parallel_loop3A_697 : vector<16xi32>
        %parallel_loop3A_699 = tpu.vector_load_idx %arg8[%parallel_loop3A_698] : memref<32832xf32, #tpu.memory_space<vmem>>[vector<16xi32>], vector<16xf32>,
        %parallel_loop3A_700 = arith.addf %parallel_loop3A_695, %parallel_loop3A_699 : vector<16xf32>
        %parallel_loop3A_701 = arith.constant 43 : i32
        %parallel_loop3A_702 = arith.index_cast %parallel_loop3A_701 : i32 to index
        %parallel_loop3A_703 = arith.index_cast %parallel_loop3A_132 : i32 to index
        %parallel_loop3A_704 = tpu.vector_load %arg11[%parallel_loop3A_702, %parallel_loop3A_703] {strides = array<i32>} : memref<64x256xf32, #tpu.memory_space<vmem>>, vector<16xf32>,
        tpu.vector_store %arg11[%parallel_loop3A_702, %parallel_loop3A_703], %parallel_loop3A_700 {strides = array<i32>} : memref<64x256xf32, #tpu.memory_space<vmem>>, vector<16xf32>,
        %parallel_loop3A_705 = arith.constant 22572 : i32
        %parallel_loop3A_706 = vector.broadcast %parallel_loop3A_705 : i32 to vector<16xi32>
        %parallel_loop3A_707 = arith.addi %parallel_loop3A_125, %parallel_loop3A_706 : vector<16xi32>
        %parallel_loop3A_708 = tpu.vector_load_idx %arg7[%parallel_loop3A_707] : memref<32832xf32, #tpu.memory_space<vmem>>[vector<16xi32>], vector<16xf32>,
        %parallel_loop3A_709 = arith.constant 22572 : i32
        %parallel_loop3A_710 = vector.broadcast %parallel_loop3A_709 : i32 to vector<16xi32>
        %parallel_loop3A_711 = arith.addi %parallel_loop3A_129, %parallel_loop3A_710 : vector<16xi32>
        %parallel_loop3A_712 = tpu.vector_load_idx %arg8[%parallel_loop3A_711] : memref<32832xf32, #tpu.memory_space<vmem>>[vector<16xi32>], vector<16xf32>,
        %parallel_loop3A_713 = arith.addf %parallel_loop3A_708, %parallel_loop3A_712 : vector<16xf32>
        %parallel_loop3A_714 = arith.constant 44 : i32
        %parallel_loop3A_715 = arith.index_cast %parallel_loop3A_714 : i32 to index
        %parallel_loop3A_716 = arith.index_cast %parallel_loop3A_132 : i32 to index
        %parallel_loop3A_717 = tpu.vector_load %arg11[%parallel_loop3A_715, %parallel_loop3A_716] {strides = array<i32>} : memref<64x256xf32, #tpu.memory_space<vmem>>, vector<16xf32>,
        tpu.vector_store %arg11[%parallel_loop3A_715, %parallel_loop3A_716], %parallel_loop3A_713 {strides = array<i32>} : memref<64x256xf32, #tpu.memory_space<vmem>>, vector<16xf32>,
        %parallel_loop3A_718 = arith.constant 23085 : i32
        %parallel_loop3A_719 = vector.broadcast %parallel_loop3A_718 : i32 to vector<16xi32>
        %parallel_loop3A_720 = arith.addi %parallel_loop3A_125, %parallel_loop3A_719 : vector<16xi32>
        %parallel_loop3A_721 = tpu.vector_load_idx %arg7[%parallel_loop3A_720] : memref<32832xf32, #tpu.memory_space<vmem>>[vector<16xi32>], vector<16xf32>,
        %parallel_loop3A_722 = arith.constant 23085 : i32
        %parallel_loop3A_723 = vector.broadcast %parallel_loop3A_722 : i32 to vector<16xi32>
        %parallel_loop3A_724 = arith.addi %parallel_loop3A_129, %parallel_loop3A_723 : vector<16xi32>
        %parallel_loop3A_725 = tpu.vector_load_idx %arg8[%parallel_loop3A_724] : memref<32832xf32, #tpu.memory_space<vmem>>[vector<16xi32>], vector<16xf32>,
        %parallel_loop3A_726 = arith.addf %parallel_loop3A_721, %parallel_loop3A_725 : vector<16xf32>
        %parallel_loop3A_727 = arith.constant 45 : i32
        %parallel_loop3A_728 = arith.index_cast %parallel_loop3A_727 : i32 to index
        %parallel_loop3A_729 = arith.index_cast %parallel_loop3A_132 : i32 to index
        %parallel_loop3A_730 = tpu.vector_load %arg11[%parallel_loop3A_728, %parallel_loop3A_729] {strides = array<i32>} : memref<64x256xf32, #tpu.memory_space<vmem>>, vector<16xf32>,
        tpu.vector_store %arg11[%parallel_loop3A_728, %parallel_loop3A_729], %parallel_loop3A_726 {strides = array<i32>} : memref<64x256xf32, #tpu.memory_space<vmem>>, vector<16xf32>,
        %parallel_loop3A_731 = arith.constant 23598 : i32
        %parallel_loop3A_732 = vector.broadcast %parallel_loop3A_731 : i32 to vector<16xi32>
        %parallel_loop3A_733 = arith.addi %parallel_loop3A_125, %parallel_loop3A_732 : vector<16xi32>
        %parallel_loop3A_734 = tpu.vector_load_idx %arg7[%parallel_loop3A_733] : memref<32832xf32, #tpu.memory_space<vmem>>[vector<16xi32>], vector<16xf32>,
        %parallel_loop3A_735 = arith.constant 23598 : i32
        %parallel_loop3A_736 = vector.broadcast %parallel_loop3A_735 : i32 to vector<16xi32>
        %parallel_loop3A_737 = arith.addi %parallel_loop3A_129, %parallel_loop3A_736 : vector<16xi32>
        %parallel_loop3A_738 = tpu.vector_load_idx %arg8[%parallel_loop3A_737] : memref<32832xf32, #tpu.memory_space<vmem>>[vector<16xi32>], vector<16xf32>,
        %parallel_loop3A_739 = arith.addf %parallel_loop3A_734, %parallel_loop3A_738 : vector<16xf32>
        %parallel_loop3A_740 = arith.constant 46 : i32
        %parallel_loop3A_741 = arith.index_cast %parallel_loop3A_740 : i32 to index
        %parallel_loop3A_742 = arith.index_cast %parallel_loop3A_132 : i32 to index
        %parallel_loop3A_743 = tpu.vector_load %arg11[%parallel_loop3A_741, %parallel_loop3A_742] {strides = array<i32>} : memref<64x256xf32, #tpu.memory_space<vmem>>, vector<16xf32>,
        tpu.vector_store %arg11[%parallel_loop3A_741, %parallel_loop3A_742], %parallel_loop3A_739 {strides = array<i32>} : memref<64x256xf32, #tpu.memory_space<vmem>>, vector<16xf32>,
        %parallel_loop3A_744 = arith.constant 24111 : i32
        %parallel_loop3A_745 = vector.broadcast %parallel_loop3A_744 : i32 to vector<16xi32>
        %parallel_loop3A_746 = arith.addi %parallel_loop3A_125, %parallel_loop3A_745 : vector<16xi32>
        %parallel_loop3A_747 = tpu.vector_load_idx %arg7[%parallel_loop3A_746] : memref<32832xf32, #tpu.memory_space<vmem>>[vector<16xi32>], vector<16xf32>,
        %parallel_loop3A_748 = arith.constant 24111 : i32
        %parallel_loop3A_749 = vector.broadcast %parallel_loop3A_748 : i32 to vector<16xi32>
        %parallel_loop3A_750 = arith.addi %parallel_loop3A_129, %parallel_loop3A_749 : vector<16xi32>
        %parallel_loop3A_751 = tpu.vector_load_idx %arg8[%parallel_loop3A_750] : memref<32832xf32, #tpu.memory_space<vmem>>[vector<16xi32>], vector<16xf32>,
        %parallel_loop3A_752 = arith.addf %parallel_loop3A_747, %parallel_loop3A_751 : vector<16xf32>
        %parallel_loop3A_753 = arith.constant 47 : i32
        %parallel_loop3A_754 = arith.index_cast %parallel_loop3A_753 : i32 to index
        %parallel_loop3A_755 = arith.index_cast %parallel_loop3A_132 : i32 to index
        %parallel_loop3A_756 = tpu.vector_load %arg11[%parallel_loop3A_754, %parallel_loop3A_755] {strides = array<i32>} : memref<64x256xf32, #tpu.memory_space<vmem>>, vector<16xf32>,
        tpu.vector_store %arg11[%parallel_loop3A_754, %parallel_loop3A_755], %parallel_loop3A_752 {strides = array<i32>} : memref<64x256xf32, #tpu.memory_space<vmem>>, vector<16xf32>,
        %parallel_loop3A_757 = arith.constant 24624 : i32
        %parallel_loop3A_758 = vector.broadcast %parallel_loop3A_757 : i32 to vector<16xi32>
        %parallel_loop3A_759 = arith.addi %parallel_loop3A_125, %parallel_loop3A_758 : vector<16xi32>
        %parallel_loop3A_760 = tpu.vector_load_idx %arg7[%parallel_loop3A_759] : memref<32832xf32, #tpu.memory_space<vmem>>[vector<16xi32>], vector<16xf32>,
        %parallel_loop3A_761 = arith.constant 24624 : i32
        %parallel_loop3A_762 = vector.broadcast %parallel_loop3A_761 : i32 to vector<16xi32>
        %parallel_loop3A_763 = arith.addi %parallel_loop3A_129, %parallel_loop3A_762 : vector<16xi32>
        %parallel_loop3A_764 = tpu.vector_load_idx %arg8[%parallel_loop3A_763] : memref<32832xf32, #tpu.memory_space<vmem>>[vector<16xi32>], vector<16xf32>,
        %parallel_loop3A_765 = arith.addf %parallel_loop3A_760, %parallel_loop3A_764 : vector<16xf32>
        %parallel_loop3A_766 = arith.constant 48 : i32
        %parallel_loop3A_767 = arith.index_cast %parallel_loop3A_766 : i32 to index
        %parallel_loop3A_768 = arith.index_cast %parallel_loop3A_132 : i32 to index
        %parallel_loop3A_769 = tpu.vector_load %arg11[%parallel_loop3A_767, %parallel_loop3A_768] {strides = array<i32>} : memref<64x256xf32, #tpu.memory_space<vmem>>, vector<16xf32>,
        tpu.vector_store %arg11[%parallel_loop3A_767, %parallel_loop3A_768], %parallel_loop3A_765 {strides = array<i32>} : memref<64x256xf32, #tpu.memory_space<vmem>>, vector<16xf32>,
        %parallel_loop3A_770 = arith.constant 25137 : i32
        %parallel_loop3A_771 = vector.broadcast %parallel_loop3A_770 : i32 to vector<16xi32>
        %parallel_loop3A_772 = arith.addi %parallel_loop3A_125, %parallel_loop3A_771 : vector<16xi32>
        %parallel_loop3A_773 = tpu.vector_load_idx %arg7[%parallel_loop3A_772] : memref<32832xf32, #tpu.memory_space<vmem>>[vector<16xi32>], vector<16xf32>,
        %parallel_loop3A_774 = arith.constant 25137 : i32
        %parallel_loop3A_775 = vector.broadcast %parallel_loop3A_774 : i32 to vector<16xi32>
        %parallel_loop3A_776 = arith.addi %parallel_loop3A_129, %parallel_loop3A_775 : vector<16xi32>
        %parallel_loop3A_777 = tpu.vector_load_idx %arg8[%parallel_loop3A_776] : memref<32832xf32, #tpu.memory_space<vmem>>[vector<16xi32>], vector<16xf32>,
        %parallel_loop3A_778 = arith.addf %parallel_loop3A_773, %parallel_loop3A_777 : vector<16xf32>
        %parallel_loop3A_779 = arith.constant 49 : i32
        %parallel_loop3A_780 = arith.index_cast %parallel_loop3A_779 : i32 to index
        %parallel_loop3A_781 = arith.index_cast %parallel_loop3A_132 : i32 to index
        %parallel_loop3A_782 = tpu.vector_load %arg11[%parallel_loop3A_780, %parallel_loop3A_781] {strides = array<i32>} : memref<64x256xf32, #tpu.memory_space<vmem>>, vector<16xf32>,
        tpu.vector_store %arg11[%parallel_loop3A_780, %parallel_loop3A_781], %parallel_loop3A_778 {strides = array<i32>} : memref<64x256xf32, #tpu.memory_space<vmem>>, vector<16xf32>,
        %parallel_loop3A_783 = arith.constant 25650 : i32
        %parallel_loop3A_784 = vector.broadcast %parallel_loop3A_783 : i32 to vector<16xi32>
        %parallel_loop3A_785 = arith.addi %parallel_loop3A_125, %parallel_loop3A_784 : vector<16xi32>
        %parallel_loop3A_786 = tpu.vector_load_idx %arg7[%parallel_loop3A_785] : memref<32832xf32, #tpu.memory_space<vmem>>[vector<16xi32>], vector<16xf32>,
        %parallel_loop3A_787 = arith.constant 25650 : i32
        %parallel_loop3A_788 = vector.broadcast %parallel_loop3A_787 : i32 to vector<16xi32>
        %parallel_loop3A_789 = arith.addi %parallel_loop3A_129, %parallel_loop3A_788 : vector<16xi32>
        %parallel_loop3A_790 = tpu.vector_load_idx %arg8[%parallel_loop3A_789] : memref<32832xf32, #tpu.memory_space<vmem>>[vector<16xi32>], vector<16xf32>,
        %parallel_loop3A_791 = arith.addf %parallel_loop3A_786, %parallel_loop3A_790 : vector<16xf32>
        %parallel_loop3A_792 = arith.constant 50 : i32
        %parallel_loop3A_793 = arith.index_cast %parallel_loop3A_792 : i32 to index
        %parallel_loop3A_794 = arith.index_cast %parallel_loop3A_132 : i32 to index
        %parallel_loop3A_795 = tpu.vector_load %arg11[%parallel_loop3A_793, %parallel_loop3A_794] {strides = array<i32>} : memref<64x256xf32, #tpu.memory_space<vmem>>, vector<16xf32>,
        tpu.vector_store %arg11[%parallel_loop3A_793, %parallel_loop3A_794], %parallel_loop3A_791 {strides = array<i32>} : memref<64x256xf32, #tpu.memory_space<vmem>>, vector<16xf32>,
        %parallel_loop3A_796 = arith.constant 26163 : i32
        %parallel_loop3A_797 = vector.broadcast %parallel_loop3A_796 : i32 to vector<16xi32>
        %parallel_loop3A_798 = arith.addi %parallel_loop3A_125, %parallel_loop3A_797 : vector<16xi32>
        %parallel_loop3A_799 = tpu.vector_load_idx %arg7[%parallel_loop3A_798] : memref<32832xf32, #tpu.memory_space<vmem>>[vector<16xi32>], vector<16xf32>,
        %parallel_loop3A_800 = arith.constant 26163 : i32
        %parallel_loop3A_801 = vector.broadcast %parallel_loop3A_800 : i32 to vector<16xi32>
        %parallel_loop3A_802 = arith.addi %parallel_loop3A_129, %parallel_loop3A_801 : vector<16xi32>
        %parallel_loop3A_803 = tpu.vector_load_idx %arg8[%parallel_loop3A_802] : memref<32832xf32, #tpu.memory_space<vmem>>[vector<16xi32>], vector<16xf32>,
        %parallel_loop3A_804 = arith.addf %parallel_loop3A_799, %parallel_loop3A_803 : vector<16xf32>
        %parallel_loop3A_805 = arith.constant 51 : i32
        %parallel_loop3A_806 = arith.index_cast %parallel_loop3A_805 : i32 to index
        %parallel_loop3A_807 = arith.index_cast %parallel_loop3A_132 : i32 to index
        %parallel_loop3A_808 = tpu.vector_load %arg11[%parallel_loop3A_806, %parallel_loop3A_807] {strides = array<i32>} : memref<64x256xf32, #tpu.memory_space<vmem>>, vector<16xf32>,
        tpu.vector_store %arg11[%parallel_loop3A_806, %parallel_loop3A_807], %parallel_loop3A_804 {strides = array<i32>} : memref<64x256xf32, #tpu.memory_space<vmem>>, vector<16xf32>,
        %parallel_loop3A_809 = arith.constant 26676 : i32
        %parallel_loop3A_810 = vector.broadcast %parallel_loop3A_809 : i32 to vector<16xi32>
        %parallel_loop3A_811 = arith.addi %parallel_loop3A_125, %parallel_loop3A_810 : vector<16xi32>
        %parallel_loop3A_812 = tpu.vector_load_idx %arg7[%parallel_loop3A_811] : memref<32832xf32, #tpu.memory_space<vmem>>[vector<16xi32>], vector<16xf32>,
        %parallel_loop3A_813 = arith.constant 26676 : i32
        %parallel_loop3A_814 = vector.broadcast %parallel_loop3A_813 : i32 to vector<16xi32>
        %parallel_loop3A_815 = arith.addi %parallel_loop3A_129, %parallel_loop3A_814 : vector<16xi32>
        %parallel_loop3A_816 = tpu.vector_load_idx %arg8[%parallel_loop3A_815] : memref<32832xf32, #tpu.memory_space<vmem>>[vector<16xi32>], vector<16xf32>,
        %parallel_loop3A_817 = arith.addf %parallel_loop3A_812, %parallel_loop3A_816 : vector<16xf32>
        %parallel_loop3A_818 = arith.constant 52 : i32
        %parallel_loop3A_819 = arith.index_cast %parallel_loop3A_818 : i32 to index
        %parallel_loop3A_820 = arith.index_cast %parallel_loop3A_132 : i32 to index
        %parallel_loop3A_821 = tpu.vector_load %arg11[%parallel_loop3A_819, %parallel_loop3A_820] {strides = array<i32>} : memref<64x256xf32, #tpu.memory_space<vmem>>, vector<16xf32>,
        tpu.vector_store %arg11[%parallel_loop3A_819, %parallel_loop3A_820], %parallel_loop3A_817 {strides = array<i32>} : memref<64x256xf32, #tpu.memory_space<vmem>>, vector<16xf32>,
        %parallel_loop3A_822 = arith.constant 27189 : i32
        %parallel_loop3A_823 = vector.broadcast %parallel_loop3A_822 : i32 to vector<16xi32>
        %parallel_loop3A_824 = arith.addi %parallel_loop3A_125, %parallel_loop3A_823 : vector<16xi32>
        %parallel_loop3A_825 = tpu.vector_load_idx %arg7[%parallel_loop3A_824] : memref<32832xf32, #tpu.memory_space<vmem>>[vector<16xi32>], vector<16xf32>,
        %parallel_loop3A_826 = arith.constant 27189 : i32
        %parallel_loop3A_827 = vector.broadcast %parallel_loop3A_826 : i32 to vector<16xi32>
        %parallel_loop3A_828 = arith.addi %parallel_loop3A_129, %parallel_loop3A_827 : vector<16xi32>
        %parallel_loop3A_829 = tpu.vector_load_idx %arg8[%parallel_loop3A_828] : memref<32832xf32, #tpu.memory_space<vmem>>[vector<16xi32>], vector<16xf32>,
        %parallel_loop3A_830 = arith.addf %parallel_loop3A_825, %parallel_loop3A_829 : vector<16xf32>
        %parallel_loop3A_831 = arith.constant 53 : i32
        %parallel_loop3A_832 = arith.index_cast %parallel_loop3A_831 : i32 to index
        %parallel_loop3A_833 = arith.index_cast %parallel_loop3A_132 : i32 to index
        %parallel_loop3A_834 = tpu.vector_load %arg11[%parallel_loop3A_832, %parallel_loop3A_833] {strides = array<i32>} : memref<64x256xf32, #tpu.memory_space<vmem>>, vector<16xf32>,
        tpu.vector_store %arg11[%parallel_loop3A_832, %parallel_loop3A_833], %parallel_loop3A_830 {strides = array<i32>} : memref<64x256xf32, #tpu.memory_space<vmem>>, vector<16xf32>,
        %parallel_loop3A_835 = arith.constant 27702 : i32
        %parallel_loop3A_836 = vector.broadcast %parallel_loop3A_835 : i32 to vector<16xi32>
        %parallel_loop3A_837 = arith.addi %parallel_loop3A_125, %parallel_loop3A_836 : vector<16xi32>
        %parallel_loop3A_838 = tpu.vector_load_idx %arg7[%parallel_loop3A_837] : memref<32832xf32, #tpu.memory_space<vmem>>[vector<16xi32>], vector<16xf32>,
        %parallel_loop3A_839 = arith.constant 27702 : i32
        %parallel_loop3A_840 = vector.broadcast %parallel_loop3A_839 : i32 to vector<16xi32>
        %parallel_loop3A_841 = arith.addi %parallel_loop3A_129, %parallel_loop3A_840 : vector<16xi32>
        %parallel_loop3A_842 = tpu.vector_load_idx %arg8[%parallel_loop3A_841] : memref<32832xf32, #tpu.memory_space<vmem>>[vector<16xi32>], vector<16xf32>,
        %parallel_loop3A_843 = arith.addf %parallel_loop3A_838, %parallel_loop3A_842 : vector<16xf32>
        %parallel_loop3A_844 = arith.constant 54 : i32
        %parallel_loop3A_845 = arith.index_cast %parallel_loop3A_844 : i32 to index
        %parallel_loop3A_846 = arith.index_cast %parallel_loop3A_132 : i32 to index
        %parallel_loop3A_847 = tpu.vector_load %arg11[%parallel_loop3A_845, %parallel_loop3A_846] {strides = array<i32>} : memref<64x256xf32, #tpu.memory_space<vmem>>, vector<16xf32>,
        tpu.vector_store %arg11[%parallel_loop3A_845, %parallel_loop3A_846], %parallel_loop3A_843 {strides = array<i32>} : memref<64x256xf32, #tpu.memory_space<vmem>>, vector<16xf32>,
        %parallel_loop3A_848 = arith.constant 28215 : i32
        %parallel_loop3A_849 = vector.broadcast %parallel_loop3A_848 : i32 to vector<16xi32>
        %parallel_loop3A_850 = arith.addi %parallel_loop3A_125, %parallel_loop3A_849 : vector<16xi32>
        %parallel_loop3A_851 = tpu.vector_load_idx %arg7[%parallel_loop3A_850] : memref<32832xf32, #tpu.memory_space<vmem>>[vector<16xi32>], vector<16xf32>,
        %parallel_loop3A_852 = arith.constant 28215 : i32
        %parallel_loop3A_853 = vector.broadcast %parallel_loop3A_852 : i32 to vector<16xi32>
        %parallel_loop3A_854 = arith.addi %parallel_loop3A_129, %parallel_loop3A_853 : vector<16xi32>
        %parallel_loop3A_855 = tpu.vector_load_idx %arg8[%parallel_loop3A_854] : memref<32832xf32, #tpu.memory_space<vmem>>[vector<16xi32>], vector<16xf32>,
        %parallel_loop3A_856 = arith.addf %parallel_loop3A_851, %parallel_loop3A_855 : vector<16xf32>
        %parallel_loop3A_857 = arith.constant 55 : i32
        %parallel_loop3A_858 = arith.index_cast %parallel_loop3A_857 : i32 to index
        %parallel_loop3A_859 = arith.index_cast %parallel_loop3A_132 : i32 to index
        %parallel_loop3A_860 = tpu.vector_load %arg11[%parallel_loop3A_858, %parallel_loop3A_859] {strides = array<i32>} : memref<64x256xf32, #tpu.memory_space<vmem>>, vector<16xf32>,
        tpu.vector_store %arg11[%parallel_loop3A_858, %parallel_loop3A_859], %parallel_loop3A_856 {strides = array<i32>} : memref<64x256xf32, #tpu.memory_space<vmem>>, vector<16xf32>,
        %parallel_loop3A_861 = arith.constant 28728 : i32
        %parallel_loop3A_862 = vector.broadcast %parallel_loop3A_861 : i32 to vector<16xi32>
        %parallel_loop3A_863 = arith.addi %parallel_loop3A_125, %parallel_loop3A_862 : vector<16xi32>
        %parallel_loop3A_864 = tpu.vector_load_idx %arg7[%parallel_loop3A_863] : memref<32832xf32, #tpu.memory_space<vmem>>[vector<16xi32>], vector<16xf32>,
        %parallel_loop3A_865 = arith.constant 28728 : i32
        %parallel_loop3A_866 = vector.broadcast %parallel_loop3A_865 : i32 to vector<16xi32>
        %parallel_loop3A_867 = arith.addi %parallel_loop3A_129, %parallel_loop3A_866 : vector<16xi32>
        %parallel_loop3A_868 = tpu.vector_load_idx %arg8[%parallel_loop3A_867] : memref<32832xf32, #tpu.memory_space<vmem>>[vector<16xi32>], vector<16xf32>,
        %parallel_loop3A_869 = arith.addf %parallel_loop3A_864, %parallel_loop3A_868 : vector<16xf32>
        %parallel_loop3A_870 = arith.constant 56 : i32
        %parallel_loop3A_871 = arith.index_cast %parallel_loop3A_870 : i32 to index
        %parallel_loop3A_872 = arith.index_cast %parallel_loop3A_132 : i32 to index
        %parallel_loop3A_873 = tpu.vector_load %arg11[%parallel_loop3A_871, %parallel_loop3A_872] {strides = array<i32>} : memref<64x256xf32, #tpu.memory_space<vmem>>, vector<16xf32>,
        tpu.vector_store %arg11[%parallel_loop3A_871, %parallel_loop3A_872], %parallel_loop3A_869 {strides = array<i32>} : memref<64x256xf32, #tpu.memory_space<vmem>>, vector<16xf32>,
        %parallel_loop3A_874 = arith.constant 29241 : i32
        %parallel_loop3A_875 = vector.broadcast %parallel_loop3A_874 : i32 to vector<16xi32>
        %parallel_loop3A_876 = arith.addi %parallel_loop3A_125, %parallel_loop3A_875 : vector<16xi32>
        %parallel_loop3A_877 = tpu.vector_load_idx %arg7[%parallel_loop3A_876] : memref<32832xf32, #tpu.memory_space<vmem>>[vector<16xi32>], vector<16xf32>,
        %parallel_loop3A_878 = arith.constant 29241 : i32
        %parallel_loop3A_879 = vector.broadcast %parallel_loop3A_878 : i32 to vector<16xi32>
        %parallel_loop3A_880 = arith.addi %parallel_loop3A_129, %parallel_loop3A_879 : vector<16xi32>
        %parallel_loop3A_881 = tpu.vector_load_idx %arg8[%parallel_loop3A_880] : memref<32832xf32, #tpu.memory_space<vmem>>[vector<16xi32>], vector<16xf32>,
        %parallel_loop3A_882 = arith.addf %parallel_loop3A_877, %parallel_loop3A_881 : vector<16xf32>
        %parallel_loop3A_883 = arith.constant 57 : i32
        %parallel_loop3A_884 = arith.index_cast %parallel_loop3A_883 : i32 to index
        %parallel_loop3A_885 = arith.index_cast %parallel_loop3A_132 : i32 to index
        %parallel_loop3A_886 = tpu.vector_load %arg11[%parallel_loop3A_884, %parallel_loop3A_885] {strides = array<i32>} : memref<64x256xf32, #tpu.memory_space<vmem>>, vector<16xf32>,
        tpu.vector_store %arg11[%parallel_loop3A_884, %parallel_loop3A_885], %parallel_loop3A_882 {strides = array<i32>} : memref<64x256xf32, #tpu.memory_space<vmem>>, vector<16xf32>,
        %parallel_loop3A_887 = arith.constant 29754 : i32
        %parallel_loop3A_888 = vector.broadcast %parallel_loop3A_887 : i32 to vector<16xi32>
        %parallel_loop3A_889 = arith.addi %parallel_loop3A_125, %parallel_loop3A_888 : vector<16xi32>
        %parallel_loop3A_890 = tpu.vector_load_idx %arg7[%parallel_loop3A_889] : memref<32832xf32, #tpu.memory_space<vmem>>[vector<16xi32>], vector<16xf32>,
        %parallel_loop3A_891 = arith.constant 29754 : i32
        %parallel_loop3A_892 = vector.broadcast %parallel_loop3A_891 : i32 to vector<16xi32>
        %parallel_loop3A_893 = arith.addi %parallel_loop3A_129, %parallel_loop3A_892 : vector<16xi32>
        %parallel_loop3A_894 = tpu.vector_load_idx %arg8[%parallel_loop3A_893] : memref<32832xf32, #tpu.memory_space<vmem>>[vector<16xi32>], vector<16xf32>,
        %parallel_loop3A_895 = arith.addf %parallel_loop3A_890, %parallel_loop3A_894 : vector<16xf32>
        %parallel_loop3A_896 = arith.constant 58 : i32
        %parallel_loop3A_897 = arith.index_cast %parallel_loop3A_896 : i32 to index
        %parallel_loop3A_898 = arith.index_cast %parallel_loop3A_132 : i32 to index
        %parallel_loop3A_899 = tpu.vector_load %arg11[%parallel_loop3A_897, %parallel_loop3A_898] {strides = array<i32>} : memref<64x256xf32, #tpu.memory_space<vmem>>, vector<16xf32>,
        tpu.vector_store %arg11[%parallel_loop3A_897, %parallel_loop3A_898], %parallel_loop3A_895 {strides = array<i32>} : memref<64x256xf32, #tpu.memory_space<vmem>>, vector<16xf32>,
        %parallel_loop3A_900 = arith.constant 30267 : i32
        %parallel_loop3A_901 = vector.broadcast %parallel_loop3A_900 : i32 to vector<16xi32>
        %parallel_loop3A_902 = arith.addi %parallel_loop3A_125, %parallel_loop3A_901 : vector<16xi32>
        %parallel_loop3A_903 = tpu.vector_load_idx %arg7[%parallel_loop3A_902] : memref<32832xf32, #tpu.memory_space<vmem>>[vector<16xi32>], vector<16xf32>,
        %parallel_loop3A_904 = arith.constant 30267 : i32
        %parallel_loop3A_905 = vector.broadcast %parallel_loop3A_904 : i32 to vector<16xi32>
        %parallel_loop3A_906 = arith.addi %parallel_loop3A_129, %parallel_loop3A_905 : vector<16xi32>
        %parallel_loop3A_907 = tpu.vector_load_idx %arg8[%parallel_loop3A_906] : memref<32832xf32, #tpu.memory_space<vmem>>[vector<16xi32>], vector<16xf32>,
        %parallel_loop3A_908 = arith.addf %parallel_loop3A_903, %parallel_loop3A_907 : vector<16xf32>
        %parallel_loop3A_909 = arith.constant 59 : i32
        %parallel_loop3A_910 = arith.index_cast %parallel_loop3A_909 : i32 to index
        %parallel_loop3A_911 = arith.index_cast %parallel_loop3A_132 : i32 to index
        %parallel_loop3A_912 = tpu.vector_load %arg11[%parallel_loop3A_910, %parallel_loop3A_911] {strides = array<i32>} : memref<64x256xf32, #tpu.memory_space<vmem>>, vector<16xf32>,
        tpu.vector_store %arg11[%parallel_loop3A_910, %parallel_loop3A_911], %parallel_loop3A_908 {strides = array<i32>} : memref<64x256xf32, #tpu.memory_space<vmem>>, vector<16xf32>,
        %parallel_loop3A_913 = arith.constant 30780 : i32
        %parallel_loop3A_914 = vector.broadcast %parallel_loop3A_913 : i32 to vector<16xi32>
        %parallel_loop3A_915 = arith.addi %parallel_loop3A_125, %parallel_loop3A_914 : vector<16xi32>
        %parallel_loop3A_916 = tpu.vector_load_idx %arg7[%parallel_loop3A_915] : memref<32832xf32, #tpu.memory_space<vmem>>[vector<16xi32>], vector<16xf32>,
        %parallel_loop3A_917 = arith.constant 30780 : i32
        %parallel_loop3A_918 = vector.broadcast %parallel_loop3A_917 : i32 to vector<16xi32>
        %parallel_loop3A_919 = arith.addi %parallel_loop3A_129, %parallel_loop3A_918 : vector<16xi32>
        %parallel_loop3A_920 = tpu.vector_load_idx %arg8[%parallel_loop3A_919] : memref<32832xf32, #tpu.memory_space<vmem>>[vector<16xi32>], vector<16xf32>,
        %parallel_loop3A_921 = arith.addf %parallel_loop3A_916, %parallel_loop3A_920 : vector<16xf32>
        %parallel_loop3A_922 = arith.constant 60 : i32
        %parallel_loop3A_923 = arith.index_cast %parallel_loop3A_922 : i32 to index
        %parallel_loop3A_924 = arith.index_cast %parallel_loop3A_132 : i32 to index
        %parallel_loop3A_925 = tpu.vector_load %arg11[%parallel_loop3A_923, %parallel_loop3A_924] {strides = array<i32>} : memref<64x256xf32, #tpu.memory_space<vmem>>, vector<16xf32>,
        tpu.vector_store %arg11[%parallel_loop3A_923, %parallel_loop3A_924], %parallel_loop3A_921 {strides = array<i32>} : memref<64x256xf32, #tpu.memory_space<vmem>>, vector<16xf32>,
        %parallel_loop3A_926 = arith.constant 31293 : i32
        %parallel_loop3A_927 = vector.broadcast %parallel_loop3A_926 : i32 to vector<16xi32>
        %parallel_loop3A_928 = arith.addi %parallel_loop3A_125, %parallel_loop3A_927 : vector<16xi32>
        %parallel_loop3A_929 = tpu.vector_load_idx %arg7[%parallel_loop3A_928] : memref<32832xf32, #tpu.memory_space<vmem>>[vector<16xi32>], vector<16xf32>,
        %parallel_loop3A_930 = arith.constant 31293 : i32
        %parallel_loop3A_931 = vector.broadcast %parallel_loop3A_930 : i32 to vector<16xi32>
        %parallel_loop3A_932 = arith.addi %parallel_loop3A_129, %parallel_loop3A_931 : vector<16xi32>
        %parallel_loop3A_933 = tpu.vector_load_idx %arg8[%parallel_loop3A_932] : memref<32832xf32, #tpu.memory_space<vmem>>[vector<16xi32>], vector<16xf32>,
        %parallel_loop3A_934 = arith.addf %parallel_loop3A_929, %parallel_loop3A_933 : vector<16xf32>
        %parallel_loop3A_935 = arith.constant 61 : i32
        %parallel_loop3A_936 = arith.index_cast %parallel_loop3A_935 : i32 to index
        %parallel_loop3A_937 = arith.index_cast %parallel_loop3A_132 : i32 to index
        %parallel_loop3A_938 = tpu.vector_load %arg11[%parallel_loop3A_936, %parallel_loop3A_937] {strides = array<i32>} : memref<64x256xf32, #tpu.memory_space<vmem>>, vector<16xf32>,
        tpu.vector_store %arg11[%parallel_loop3A_936, %parallel_loop3A_937], %parallel_loop3A_934 {strides = array<i32>} : memref<64x256xf32, #tpu.memory_space<vmem>>, vector<16xf32>,
        %parallel_loop3A_939 = arith.constant 31806 : i32
        %parallel_loop3A_940 = vector.broadcast %parallel_loop3A_939 : i32 to vector<16xi32>
        %parallel_loop3A_941 = arith.addi %parallel_loop3A_125, %parallel_loop3A_940 : vector<16xi32>
        %parallel_loop3A_942 = tpu.vector_load_idx %arg7[%parallel_loop3A_941] : memref<32832xf32, #tpu.memory_space<vmem>>[vector<16xi32>], vector<16xf32>,
        %parallel_loop3A_943 = arith.constant 31806 : i32
        %parallel_loop3A_944 = vector.broadcast %parallel_loop3A_943 : i32 to vector<16xi32>
        %parallel_loop3A_945 = arith.addi %parallel_loop3A_129, %parallel_loop3A_944 : vector<16xi32>
        %parallel_loop3A_946 = tpu.vector_load_idx %arg8[%parallel_loop3A_945] : memref<32832xf32, #tpu.memory_space<vmem>>[vector<16xi32>], vector<16xf32>,
        %parallel_loop3A_947 = arith.addf %parallel_loop3A_942, %parallel_loop3A_946 : vector<16xf32>
        %parallel_loop3A_948 = arith.constant 62 : i32
        %parallel_loop3A_949 = arith.index_cast %parallel_loop3A_948 : i32 to index
        %parallel_loop3A_950 = arith.index_cast %parallel_loop3A_132 : i32 to index
        %parallel_loop3A_951 = tpu.vector_load %arg11[%parallel_loop3A_949, %parallel_loop3A_950] {strides = array<i32>} : memref<64x256xf32, #tpu.memory_space<vmem>>, vector<16xf32>,
        tpu.vector_store %arg11[%parallel_loop3A_949, %parallel_loop3A_950], %parallel_loop3A_947 {strides = array<i32>} : memref<64x256xf32, #tpu.memory_space<vmem>>, vector<16xf32>,
        %parallel_loop3A_952 = arith.constant 32319 : i32
        %parallel_loop3A_953 = vector.broadcast %parallel_loop3A_952 : i32 to vector<16xi32>
        %parallel_loop3A_954 = arith.addi %parallel_loop3A_125, %parallel_loop3A_953 : vector<16xi32>
        %parallel_loop3A_955 = tpu.vector_load_idx %arg7[%parallel_loop3A_954] : memref<32832xf32, #tpu.memory_space<vmem>>[vector<16xi32>], vector<16xf32>,
        %parallel_loop3A_956 = arith.constant 32319 : i32
        %parallel_loop3A_957 = vector.broadcast %parallel_loop3A_956 : i32 to vector<16xi32>
        %parallel_loop3A_958 = arith.addi %parallel_loop3A_129, %parallel_loop3A_957 : vector<16xi32>
        %parallel_loop3A_959 = tpu.vector_load_idx %arg8[%parallel_loop3A_958] : memref<32832xf32, #tpu.memory_space<vmem>>[vector<16xi32>], vector<16xf32>,
        %parallel_loop3A_960 = arith.addf %parallel_loop3A_955, %parallel_loop3A_959 : vector<16xf32>
        %parallel_loop3A_961 = arith.constant 63 : i32
        %parallel_loop3A_962 = arith.index_cast %parallel_loop3A_961 : i32 to index
        %parallel_loop3A_963 = arith.index_cast %parallel_loop3A_132 : i32 to index
        %parallel_loop3A_964 = tpu.vector_load %arg11[%parallel_loop3A_962, %parallel_loop3A_963] {strides = array<i32>} : memref<64x256xf32, #tpu.memory_space<vmem>>, vector<16xf32>,
        tpu.vector_store %arg11[%parallel_loop3A_962, %parallel_loop3A_963], %parallel_loop3A_960 {strides = array<i32>} : memref<64x256xf32, #tpu.memory_space<vmem>>, vector<16xf32>,
      } {sc.loop_unroll_factor = 1 : i64, sc.parallel_access}
      %mul3A_102 = arith.constant 128 : i32
      %mul3A_103 = arith.muli %add3A_79, %mul3A_102 : i32
      %add3A_104 = arith.addi %mul3A_32, %mul3A_103 : i32
      %dma_start3A = arith.constant 0 : i32
      %dma_start3A_105 = tpu.memref_slice %arg11[%dma_start3A, %mul3A_97] : memref<64x256xf32, #tpu.memory_space<vmem>> -> memref<64x128xf32, #tpu.memory_space<vmem>>
      %dma_start3A_106 = arith.constant 0 : i32
      %dma_start3A_107 = tpu.memref_slice %arg6[%select_n3A, %dma_start3A_106, %add3A_104] : memref<16x64x4096xf32, #tpu.memory_space<hbm>> -> memref<1x64x128xf32, #tpu.memory_space<hbm>>
      %dma_start3A_108 = tpu.memref_squeeze %dma_start3A_107 : memref<1x64x128xf32, #tpu.memory_space<hbm>> -> memref<64x128xf32, #tpu.memory_space<hbm>>
      %dma_start3A_109 = tpu.memref_slice %arg12[%select_n3A_95] : memref<2x!tpu.dma_semaphore, #tpu.memory_space<semaphore_mem>> -> memref<1x!tpu.dma_semaphore, #tpu.memory_space<semaphore_mem>>
      %dma_start3A_110 = tpu.memref_squeeze %dma_start3A_109 : memref<1x!tpu.dma_semaphore, #tpu.memory_space<semaphore_mem>> -> memref<!tpu.dma_semaphore, #tpu.memory_space<semaphore_mem>>
      %dma_start3A_111 = arith.constant 0 : i32
      %dma_start3A_112 = tpu.memref_slice %arg6[%select_n3A, %dma_start3A_111, %add3A_104] : memref<16x64x4096xf32, #tpu.memory_space<hbm>> -> memref<1x64x128xf32, #tpu.memory_space<hbm>>
      %dma_start3A_113 = tpu.memref_squeeze %dma_start3A_112 : memref<1x64x128xf32, #tpu.memory_space<hbm>> -> memref<64x128xf32, #tpu.memory_space<hbm>>
      %dma_start3A_114 = arith.constant 0 : i32
      %dma_start3A_115 = tpu.memref_slice %arg11[%dma_start3A_114, %mul3A_97] : memref<64x256xf32, #tpu.memory_space<vmem>> -> memref<64x128xf32, #tpu.memory_space<vmem>>
      tpu.enqueue_dma source(%dma_start3A_115 : memref<64x128xf32, #tpu.memory_space<vmem>>) target(%dma_start3A_113 : memref<64x128xf32, #tpu.memory_space<hbm>>) target_semaphore(%dma_start3A_110 : memref<!tpu.dma_semaphore, #tpu.memory_space<semaphore_mem>>)
    }
    %scan3A_41 = arith.constant 16 : i32
    %add3A_42 = arith.constant 1792 : i32
    %add3A_43 = arith.addi %mul3A_32, %add3A_42 : i32
    %dma_wait3A = arith.constant 0 : i32
    %dma_wait3A_44 = arith.constant 0 : i32
    %dma_wait3A_45 = arith.constant 0 : i32
    %dma_wait3A_46 = tpu.memref_slice %arg11[%dma_wait3A_44, %dma_wait3A_45] : memref<64x256xf32, #tpu.memory_space<vmem>> -> memref<64x128xf32, #tpu.memory_space<vmem>>
    %dma_wait3A_47 = arith.constant 0 : i32
    %dma_wait3A_48 = tpu.memref_slice %arg6[%select_n3A, %dma_wait3A_47, %add3A_43] : memref<16x64x4096xf32, #tpu.memory_space<hbm>> -> memref<1x64x128xf32, #tpu.memory_space<hbm>>
    %dma_wait3A_49 = tpu.memref_squeeze %dma_wait3A_48 : memref<1x64x128xf32, #tpu.memory_space<hbm>> -> memref<64x128xf32, #tpu.memory_space<hbm>>
    %dma_wait3A_50 = tpu.memref_slice %arg12[%dma_wait3A] : memref<2x!tpu.dma_semaphore, #tpu.memory_space<semaphore_mem>> -> memref<1x!tpu.dma_semaphore, #tpu.memory_space<semaphore_mem>>
    %dma_wait3A_51 = tpu.memref_squeeze %dma_wait3A_50 : memref<1x!tpu.dma_semaphore, #tpu.memory_space<semaphore_mem>> -> memref<!tpu.dma_semaphore, #tpu.memory_space<semaphore_mem>>
    %dma_wait3A_52 = arith.constant 0 : i32
    %dma_wait3A_53 = tpu.memref_slice %arg6[%select_n3A, %dma_wait3A_52, %add3A_43] : memref<16x64x4096xf32, #tpu.memory_space<hbm>> -> memref<1x64x128xf32, #tpu.memory_space<hbm>>
    %dma_wait3A_54 = tpu.memref_squeeze %dma_wait3A_53 : memref<1x64x128xf32, #tpu.memory_space<hbm>> -> memref<64x128xf32, #tpu.memory_space<hbm>>
    %dma_wait3A_55 = arith.constant 0 : i32
    %dma_wait3A_56 = arith.constant 0 : i32
    %dma_wait3A_57 = tpu.memref_slice %arg11[%dma_wait3A_55, %dma_wait3A_56] : memref<64x256xf32, #tpu.memory_space<vmem>> -> memref<64x128xf32, #tpu.memory_space<vmem>>
    tpu.wait_dma2 semaphore(%dma_wait3A_51 : memref<!tpu.dma_semaphore, #tpu.memory_space<semaphore_mem>>) src(%dma_wait3A_57 : memref<64x128xf32, #tpu.memory_space<vmem>>) dst(%dma_wait3A_54 : memref<64x128xf32, #tpu.memory_space<hbm>>)
    %add3A_58 = arith.constant 1920 : i32
    %add3A_59 = arith.addi %mul3A_32, %add3A_58 : i32
    %dma_wait3A_60 = arith.constant 1 : i32
    %dma_wait3A_61 = arith.constant 0 : i32
    %dma_wait3A_62 = arith.constant 128 : i32
    %dma_wait3A_63 = tpu.memref_slice %arg11[%dma_wait3A_61, %dma_wait3A_62] : memref<64x256xf32, #tpu.memory_space<vmem>> -> memref<64x128xf32, #tpu.memory_space<vmem>>
    %dma_wait3A_64 = arith.constant 0 : i32
    %dma_wait3A_65 = tpu.memref_slice %arg6[%select_n3A, %dma_wait3A_64, %add3A_59] : memref<16x64x4096xf32, #tpu.memory_space<hbm>> -> memref<1x64x128xf32, #tpu.memory_space<hbm>>
    %dma_wait3A_66 = tpu.memref_squeeze %dma_wait3A_65 : memref<1x64x128xf32, #tpu.memory_space<hbm>> -> memref<64x128xf32, #tpu.memory_space<hbm>>
    %dma_wait3A_67 = tpu.memref_slice %arg12[%dma_wait3A_60] : memref<2x!tpu.dma_semaphore, #tpu.memory_space<semaphore_mem>> -> memref<1x!tpu.dma_semaphore, #tpu.memory_space<semaphore_mem>>
    %dma_wait3A_68 = tpu.memref_squeeze %dma_wait3A_67 : memref<1x!tpu.dma_semaphore, #tpu.memory_space<semaphore_mem>> -> memref<!tpu.dma_semaphore, #tpu.memory_space<semaphore_mem>>
    %dma_wait3A_69 = arith.constant 0 : i32
    %dma_wait3A_70 = tpu.memref_slice %arg6[%select_n3A, %dma_wait3A_69, %add3A_59] : memref<16x64x4096xf32, #tpu.memory_space<hbm>> -> memref<1x64x128xf32, #tpu.memory_space<hbm>>
    %dma_wait3A_71 = tpu.memref_squeeze %dma_wait3A_70 : memref<1x64x128xf32, #tpu.memory_space<hbm>> -> memref<64x128xf32, #tpu.memory_space<hbm>>
    %dma_wait3A_72 = arith.constant 0 : i32
    %dma_wait3A_73 = arith.constant 128 : i32
    %dma_wait3A_74 = tpu.memref_slice %arg11[%dma_wait3A_72, %dma_wait3A_73] : memref<64x256xf32, #tpu.memory_space<vmem>> -> memref<64x128xf32, #tpu.memory_space<vmem>>
    tpu.wait_dma2 semaphore(%dma_wait3A_68 : memref<!tpu.dma_semaphore, #tpu.memory_space<semaphore_mem>>) src(%dma_wait3A_74 : memref<64x128xf32, #tpu.memory_space<vmem>>) dst(%dma_wait3A_71 : memref<64x128xf32, #tpu.memory_space<hbm>>)
    return
  }
}

</mosaic_0001>

<sc_bundles>
// kernel: kernel.3.cloned.1.call-start
scs
__scs_entry_jumppad:
0x0: {  	(pc) =	sbr.rel $0x88, $3  }
0x1: {  	(tag) =	ssettag $0x0;
	lr =	simm.s32 $0x1  }
0x2: {  	[smem:$0x3F9D] =	sst lr;
	_ =	strace $0xD0000000  }
0x3: {  	_ = 	snop  }
0x4: {  	_ = 	snop  }
0x5: {  	_ = 	snop  }
0x6: {  	_ = 	snop  }
0x7: {  	_ = 	snop  }
__scs_overlays_trampoline_lowered:
0x8: {  	[smem:$0x3FAC] =	sst s0  }
0x9: {  	[smem:$0x3FAD] =	sst s1  }
0xa: {  	[smem:$0x3FAE] =	sst s2  }
0xb: {  	[smem:$0x3FAF] =	sst s3  }
0xc: {  	[smem:$0x3FB0] =	sst s4  }
0xd: {  	[smem:$0x3FB1] =	sst s5  }
0xe: {  	[smem:$0x3FB2] =	sst s6  }
0xf: {  	[smem:$0x3FB3] =	sst s7  }
0x10: {  	[smem:$0x3FB4] =	sst s8  }
0x11: {  	[smem:$0x3FB5] =	sst s9;
	s0 =	simm.s32 @!p0 $0x0  }
0x12: {  	s1 =	sld [smem:$0x3F9B];
	s0 =	simm.s32 @p0 $0x1  }
0x13: {  	[smem:$0x3FB6] =	sst s0;
	s0 =	simm.s32 @!p1 $0x0  }
0x14: {  	s2 =	sld [smem:$0x3F9A];
	s0 =	simm.s32 @p1 $0x1  }
0x15: {  	[smem:$0x3FB7] =	sst s0;
	s0 =	simm.s32 @!p2 $0x0  }
0x16: {  	s3 =	sld [smem:$0x3FDB];
	s0 =	simm.s32 @p2 $0x1  }
0x17: {  	s4 =	simm.s32 $0x1BF5;
	[smem:$0x3FB9] =	sst s0  }
0x18: {  	s0 =	sld [smem:$0x3F9C];
	_ =	swait.ge [sflag:s4], $0x0  }
0x19: {  	s7 =	sld [smem:$0x3F9D]  }
0x1a: {  	s8 =	sadd.s32 $0xFFFFE003, lr  }
0x1b: {  	s9 =	sadd.s32 $0xFFFFFEF7, lr;
	s5 =	simm.s32 $0xFFFFFFFF;
	p2 =	slt.u32 s8, $0xFFFFF086  }
0x1c: {  	p1 =	slt.u32 s9, $0xF7A;
	s5 =	simm.s32 @!p2 $0x0  }
0x1d: {  	s5 =	simm.s32 @p1 $0x1;
	p0 =	seq.s32 s7, s2  }
0x1e: {  	s7 =	smul.u32 @!p0 $0xF7A, s2;
	p2 =	seq.s32 @!p0 s5, $0x0  }
0x1f: {  	s9 =	smul.u32 $0xF7A, s1;
	s8 =	simm.s32 @!p0 $0x1BF5;
	p2 =	por !p2, p0  }
0x20: {  	[sflag:s8] =	ssyncset.s32 @!p0 $0xFFFFF086;
	s6 =	sadd.s32 @!p0 s3, s7;
	s7 =	simm.s32 @!p0 $0x108  }
0x21: {  	s3 =	sadd.s32 s3, s9;
	s6 =	sadd.s32 @!p0 $0x88, s6;
	s7 =	simm.s32 @p2 $0x1082  }
0x22: {  	[simem:s7], [sflag:s8] =	dma.local @!p0 [hbm:s6], $0xF7A  }
0x23: {  	s9 =	sor.u32 $0xD0000000, s2;
	s6 =	simm.s32 $0x108;
	_ =	swait.ge @!p0 [sflag:s8], $0x0  }
0x24: {  	s3 =	sadd.s32 $0x88, s3;
	s6 =	simm.s32 @!p1 $0x1082;
	[sflag:s4] =	ssyncset.s32 $0xFFFFF086  }
0x25: {  	[simem:s6], [sflag:s4] =	dma.local [hbm:s3], $0xF7A  }
0x26: {  	[smem:$0x3F9D] =	sst s1;
	(tag) =	ssettag s2;
	_ =	strace s9  }
0x27: {  	s1 =	sld [smem:$0x3FAD]  }
0x28: {  	s2 =	sld [smem:$0x3FAE]  }
0x29: {  	s4 =	sld [smem:$0x3FB0]  }
0x2a: {  	p0 =	seq.s32 s5, $0x0;
	s5 =	sld [smem:$0x3FB1]  }
0x2b: {  	s6 =	sld [smem:$0x3FB2]  }
0x2c: {  	s7 =	sld [smem:$0x3FB3]  }
0x2d: {  	s3 =	simm.s32 $0x108;
	s8 =	sld [smem:$0x3FB4]  }
0x2e: {  	s3 =	simm.s32 @!p0 $0x1082;
	s9 =	sld [smem:$0x3FB5]  }
0x2f: {  	lr =	sadd.s32 s0, s3;
	s0 =	sld [smem:$0x3FAC]  }
0x30: {  	s3 =	sld [smem:$0x3FAF]  }
0x31: {  	[smem:$0x3FB8] =	sst s10  }
0x32: {  	s10 =	sld [smem:$0x3FB6];
	_ =	sdelay $0x3  }
0x33: {  	p0 =	seq.s32 s10, $0x1;
	s10 =	sld [smem:$0x3FB8];
	_ =	sdelay $0x3  }
0x34: {  	[smem:$0x3FB8] =	sst s10  }
0x35: {  	s10 =	sld [smem:$0x3FB7];
	_ =	sdelay $0x3  }
0x36: {  	p1 =	seq.s32 s10, $0x1;
	s10 =	sld [smem:$0x3FB8];
	_ =	sdelay $0x3  }
0x37: {  	[smem:$0x3FB8] =	sst s10  }
0x38: {  	s10 =	sld [smem:$0x3FB9]  }
0x39: {  	_ = 	snop;
	(pc) =	sbr.ind lr, $3  }
0x3a: {  	_ = 	snop  }
0x3b: {  	_ = 	snop  }
0x3c: {  	p2 =	seq.s32 s10, $0x1;
	s10 =	sld [smem:$0x3FB8]  }
0x3d: {  	_ =	shalt  }
0x3e: {  	_ =	shalt  }
0x3f: {  	_ =	shalt  }
0x40: {  	_ =	shalt  }
0x41: {  	_ =	shalt  }
0x42: {  	_ =	shalt  }
0x43: {  	_ =	shalt  }
0x44: {  	_ =	shalt  }
0x45: {  	_ =	shalt  }
0x46: {  	_ =	shalt  }
0x47: {  	_ =	shalt  }
0x48: {  	_ =	shalt  }
0x49: {  	_ =	shalt  }
0x4a: {  	_ =	shalt  }
0x4b: {  	_ =	shalt  }
0x4c: {  	_ =	shalt  }
0x4d: {  	_ =	shalt  }
0x4e: {  	_ =	shalt  }
0x4f: {  	_ =	shalt  }
0x50: {  	_ =	shalt  }
0x51: {  	_ =	shalt  }
0x52: {  	_ =	shalt  }
0x53: {  	_ =	shalt  }
0x54: {  	_ =	shalt  }
0x55: {  	_ =	shalt  }
0x56: {  	_ =	shalt  }
0x57: {  	_ =	shalt  }
0x58: {  	_ =	shalt  }
0x59: {  	_ =	shalt  }
0x5a: {  	_ =	shalt  }
0x5b: {  	_ =	shalt  }
0x5c: {  	_ =	shalt  }
0x5d: {  	_ =	shalt  }
0x5e: {  	_ =	shalt  }
0x5f: {  	_ =	shalt  }
0x60: {  	_ =	shalt  }
0x61: {  	_ =	shalt  }
0x62: {  	_ =	shalt  }
0x63: {  	_ =	shalt  }
0x64: {  	_ =	shalt  }
0x65: {  	_ =	shalt  }
0x66: {  	_ =	shalt  }
0x67: {  	_ =	shalt  }
0x68: {  	_ =	shalt  }
0x69: {  	_ =	shalt  }
0x6a: {  	_ =	shalt  }
0x6b: {  	_ =	shalt  }
0x6c: {  	_ =	shalt  }
0x6d: {  	_ =	shalt  }
0x6e: {  	_ =	shalt  }
0x6f: {  	_ =	shalt  }
0x70: {  	_ =	shalt  }
0x71: {  	_ =	shalt  }
0x72: {  	_ =	shalt  }
0x73: {  	_ =	shalt  }
0x74: {  	_ =	shalt  }
0x75: {  	_ =	shalt  }
0x76: {  	_ =	shalt  }
0x77: {  	_ =	shalt  }
0x78: {  	_ =	shalt  }
0x79: {  	_ =	shalt  }
0x7a: {  	_ =	shalt  }
0x7b: {  	_ =	shalt  }
0x7c: {  	_ =	shalt  }
0x7d: {  	_ =	shalt  }
0x7e: {  	_ =	shalt  }
0x7f: {  	_ =	shalt  }
0x80: {  	_ =	shalt  }
0x81: {  	_ =	shalt  }
0x82: {  	_ =	shalt  }
0x83: {  	_ =	shalt  }
0x84: {  	_ =	shalt  }
0x85: {  	_ =	shalt  }
0x86: {  	_ =	shalt  }
0x87: {  	_ =	shalt  }
.Lfunc_end0:
.L_simem_size_0:
called_computation_lowered:
.L_overlay_start_0:
0x88: {  	s2 =	sld [smem:$0x3FD9]  }
0x89: {  	s3 =	sld [smem:$0x3FFE];
	_ =	sdelay $0x1  }
0x8a: {  	s1 =	srdreg.scid  }
0x8b: {  	s0 =	sand.u32 $0x1, s1  }
0x8c: {  	s17 =	sshll.u32 s0, $0xA;
	s2 =	sadd.s32 s3, s2  }
0x8d: {  	s2 =	sadd.s32 s2, s17  }
0x8e: {  	[smem:$0x3FC4] =	sst s2  }
0x8f: {  	_ = 	snop  }
0x90: {  	s2 =	sld [smem:$0x3FC9]  }
0x91: {  	s18 =	sld [smem:$0x3FC8]  }
0x92: {  	s4 =	sld [smem:$0x3FD0];
	(tm) =	ssettm $0x1  }
0x93: {  	s5 =	sld [smem:$0x3FFB];
	_ =	sdelay $0x3  }
0x94: {  	_ =	strace s5  }
0x95: {  	s5 =	sld [smem:$0x3FFC];
	_ =	sdelay $0x3  }
0x96: {  	_ =	strace s5  }
0x97: {  	s5 =	sld [smem:$0x3FFD];
	_ =	sdelay $0x3  }
0x98: {  	_ =	strace s5  }
0x99: {  	_ =	strace $0x8FFFFFFF  }
0x9a: {  	s19 =	sld [smem:$0x3FDB];
	_ =	sdelay $0x1  }
0x9b: {  	s6 =	simm.s32 $_scs_section_size  }
0x9c: {  	s7 =	simm.s32 $_size__tile_overlayer_lowered;
	s8 =	simm.s32 $_tile_overlayer_lowered  }
0x9d: {  	s22 =	simm.s32 $0x1BFF;
	s21 =	sshll.u32 s8, $0x1;
	s5 =	sadd.s32 s6, s19  }
0x9e: {  	s9 =	simm.s32 $0x0;
	s20 =	sshll.u32 s7, $0x1;
	s7 =	sadd.s32 s21, s5  }
0x9f: {  	[timem:s9], [sflag:s22] =	dma.local [hbm:s7], s20  }
0xa0: {  	_ =	swait.ge [sflag:s22], s20  }
0xa1: {  	s6 =	ssub.s32 $0x0, s20;
	[sflag:s22] =	ssyncset.done $0x0  }
0xa2: {  	[sflag:s22] =	ssyncadd.s32 s6;
	_ =	sdelay $0x1  }
0xa3: {  	s23 =	simm.s32 $0x1B8B  }
0xa4: {  	_ =	swait.ge [sflag:s23], $0x1  }
0xa5: {  	[sflag:s23] =	ssyncset.done $0x0  }
0xa6: {  	s25 =	simm.s32 $0x1B8E;
	s24 =	sld [smem:$0x3FFE];
	[sflag:s23] =	ssyncadd.s32 $0xFFFFFFFF  }
0xa7: {  	s26 =	simm.s32 $execute0_lowered;
	[smem:$0x3FD2] =	sst s25  }
0xa8: {  	s7 =	sshll.u32 s26, $0x1;
	_ =	strace $0x80000046;
	[dreg:$0x1] =	wrdreg $0xFFFFFFFF  }
0xa9: {  	s28 =	simm.s32 $_size_execute0_lowered;
	s5 =	sadd.s32 s5, s7;
	[dreg:$0x0] =	wrdreg $0x0  }
0xaa: {  	s7 =	sshll.u32 s28, $0x1;
	[dreg:$0x2] =	wrdreg s5  }
0xab: {  	[dreg:$0x3] =	wrdreg s7  }
0xac: {  	[dreg:$0x4] =	wrdreg $0xC0  }
0xad: {  	_ =	task [dreg:s9], $0x5FFFF  }
0xae: {  	[dreg:$0x1] =	wrdreg $0xFFFFFFFF  }
0xaf: {  	[dreg:$0x0] =	wrdreg $0x60  }
0xb0: {  	[dreg:$0x2] =	wrdreg s2  }
0xb1: {  	[dreg:$0x3] =	wrdreg s18  }
0xb2: {  	[dreg:$0x4] =	wrdreg s24  }
0xb3: {  	[dreg:$0x5] =	wrdreg s4  }
0xb4: {  	[dreg:$0x6] =	wrdreg $0x9  }
0xb5: {  	_ =	task.clear_ibuf [dreg:s9], $0x7FFFF;
	_ =	strace $0x90000046  }
0xb6: {  	s29 =	simm.s32 $0x9;
	_ =	strace $0x80000048  }
0xb7: {  	_ =	swait.ge [sflag:s29], $0x1  }
0xb8: {  	[sflag:s29] =	ssyncadd.s32 $0xFFFFFFFF  }
0xb9: {  	_ =	strace $0x90000048  }
0xba: {  	_ =	sfence  }
0xbb: {  	s30 =	sld [smem:$0x0];
	_ =	sdelay $0x2  }
0xbc: {  	s31 =	sshll.u32 s1, $0xD;
	s1 =	sshrl.u32 s1, $0x2  }
0xbd: {  	s3 =	sand.u32 $0x4000, s31;
	s1 =	sadd.s32 s1, s30  }
0xbe: {  	s0 =	sor.u32 s3, s0;
	s1 =	sshll.u32 s1, $0x11  }
0xbf: {  	s0 =	sor.u32 s1, s0  }
0xc0: {  	s0 =	sadd.s32 $0x8F2B, s0  }
0xc1: {  	[sflag:s0] =	ssyncadd.remote.s32 $0x1  }
0xc2: {  	_ =	sfence.sel $0xFFFF  }
0xc3: {  	[dreg:$0x0] =	wrdreg $0xFFFFFFFF;
	(pc) =	sbr.abs _section_cstart, $3  }
0xc4: {  	[dreg:$0x1] =	wrdreg $0xFFFFFFFF  }
0xc5: {  	_ =	task.clear_ibuf [dreg:s9], $0x2FFFF;
	_ =	strace $0x9FFFFFFF  }
0xc6: {  	(tm) =	ssettm $0x7FFFFFFF  }
0xc7: {  	_ =	shalt  }
tec
execute0_lowered:
.L_overlay_start_1:
0x0: {  	(tag) =	ssettag $0x1  }
0x1: {  	s7 =	rddreg [dreg:$0x0]  }
0x2: {  	s0 =	srdreg.scid;
	s29 =	rddreg [dreg:$0x1]  }
0x3: {  	s6 =	stileid.u32;
	s5 =	rddreg [dreg:$0x2];
	s0 =	sand.u32 $0x1, s0  }
0x4: {  	s4 =	simm.s32 $0x1;
	s2 =	rddreg [dreg:$0x3];
	s1 =	sor.u32 s0, s6  }
0x5: {  	s3 =	simm.s32 $0x0;
	p1 =	seq.s32 s0, $0x1;
	p0 =	seq.s32 s1, $0x0  }
0x6: {  	s12 =	simm.s32 $0x8080;
	s15 =	simm.s32 $0x2;
	p0 =	por !p0, !p1  }
0x7: {  	s16 =	simm.s32 $0x0;
	[smem:$0x7FF] =	sst s3;
	p0 =	por !p0, !p0  }
0x8: {  	s30 =	sadd.s32 $0x400, s5;
	s5 =	sadd.s32 $0x1600, s5;
	s4 =	simm.s32 @!p0 $0x0  }
0x9: {  	_ =	strace $0x80000047;
	s9 =	ssub.s32 $0x2, s0;
	s8 =	ssub.s32 s6, s4  }
0xa: {  	s0 =	sshll.u32 s0, $0xE;
	s4 =	sshll.u32 s8, $0xC;
	s6 =	sshll.u32 s8, $0x7  }
0xb: {  	s10 =	sshrl.u32 s9, $0x1;
	s4 =	sand.u32 $0xFFFF8000, s4;
	s6 =	sand.u32 $0x380, s6  }
0xc: {  	[dreg:$0x5] =	wrdreg s30;
	s10 =	ssub.s32 s9, s10;
	s6 =	sor.u32 s4, s6  }
0xd: {  	s10 =	smax.u32 s10, $0x1;
	s11 =	sshll.u32 s8, $0x12;
	s6 =	sor.u32 s0, s6  }
0xe: {  	s9 =	sor.u32 s0, s11;
	s11 =	simm.s32 $0x3;
	s31 =	sshrl.u32 s6, $0x3  }
0xf: {  	s6 =	simm.s32 $0x1;
	s7 =	sadd.s32 s7, s31;
	s8 =	sadd.s32 s29, s31  }
.LBB2_1:
0x10: {  	s0 =	rddreg [dreg:$0x5]  }
0x11: {  	[tilespmem:s3], [sflag:$0x3] =	stream.linear.gather [hbm4b:s0+s3], $0x8080, $0x38;
	[tilespmem:$0x15100] =	vst v63  }
0x12: {  	_ =	swait.ge [sflag:s11], $0x8080  }
0x13: {  	[sflag:s11] =	ssyncset.done $0x0  }
0x14: {  	[sflag:s11] =	ssyncadd.s32 $0xFFFF7F80  }
0x15: {  	[tilespmem:s12], [sflag:$0x3] =	stream.linear.gather [hbm4b:s5+s3], $0x8080, $0x38;
	[tilespmem:$0x15100] =	vst v63  }
0x16: {  	_ =	swait.ge [sflag:s11], $0x8080  }
0x17: {  	s17 =	simm.s32 $0x10100;
	[sflag:s11] =	ssyncset.done $0x0  }
0x18: {  	s31 =	simm.s32 $0x80;
	s1 =	simm.s32 $0x400;
	[sflag:s11] =	ssyncadd.s32 $0xFFFF7F80  }
0x19: {  	[tilespmem:s17], [sflag:$0x3] =	stream.strided.gather [hbm4b:s7+s31], $0x800, s1, s31, $0x38;
	[tilespmem:$0x15100] =	vst v63  }
0x1a: {  	_ =	swait.ge [sflag:s11], $0x800  }
0x1b: {  	[sflag:s11] =	ssyncset.done $0x0  }
0x1c: {  	s18 =	simm.s32 $0x10900;
	[sflag:s11] =	ssyncadd.s32 $0xFFFFF800  }
0x1d: {  	[tilespmem:s18], [sflag:$0x3] =	stream.strided.gather [hbm4b:s8+s31], $0x800, s1, s31, $0x38;
	[tilespmem:$0x15100] =	vst v63  }
0x1e: {  	_ =	swait.ge [sflag:s11], $0x800  }
0x1f: {  	[sflag:s11] =	ssyncset.done $0x0  }
0x20: {  	p0 =	por $0x0, $0x0;
	s19 =	simm.s32 $0x0;
	[sflag:s11] =	ssyncadd.s32 $0xFFFFF800  }
.LBB2_2:
0x21: {  	s20 =	sand.u32 $0x1, s19;
	p1 =	slt.u32 s19, $0x2;
	v9 =	vmov s17  }
0x22: {  	v10 =	vmov s18;
	s0 =	sadd.s32 @!p1 $0x1, s20  }
0x23: {  	_ =	swait.ge @!p1 [sflag:s0], $0x2000  }
0x24: {  	[sflag:s0] =	ssyncset.done @!p1 $0x0  }
0x25: {  	s21 =	simm.s32 $0x0;
	[sflag:s0] =	ssyncadd.s32 @!p1 $0xFFFFE000  }
0x26: {  	v0 =	vld.idx.msk [tilespmem:v9+s21+$0x0 ss:$0x1], $0xffff  }
0x27: {  	v1 =	vld.idx.msk [tilespmem:v10+s21+$0x0 ss:$0x1], $0xffff;
	_ =	sdelay $0x3  }
0x28: {  	vm0 =	vgt.s32 v0, $0x0  }
0x29: {  	vm7 =	vgt.s32 v1, $0x0;
	v0 =	vnsel vm0, $0x0, v0  }
0x2a: {  	v2 =	vmin.u32 v0, $0x200;
	v0 =	vnsel vm7, $0x0, v1  }
0x2b: {  	v1 =	vmin.u32 v0, $0x200;
	_ =	sdelay $0x2  }
0x2c: {  	s0 =	simm.s32 $0x1  }
0x2d: {  	s0 =	simm.s32 @!p0 $0x0;
	v3 =	vld.idx.msk [tilespmem:v2+s3+$0x0], $0xffff  }
0x2e: {  	s0 =	sshll.u32 s0, $0xA;
	v4 =	vld.idx.msk [tilespmem:v1+s12+$0x0], $0xffff  }
0x2f: {  	s0 =	sor.u32 $0x11100, s0  }
0x30: {  	v0 =	vmov s0  }
0x31: {  	v5 =	vadd.s32 $0x201, v2  }
0x32: {  	v6 =	vadd.s32 $0x201, v1  }
0x33: {  	v3 =	vadd.f32 v4, v3;
	_ =	sdelay $0x1  }
0x34: {  	[tilespmem:v0+s21+$0x0 ss:$0x1] =	vst.idx.msk $0xffff, v3  }
0x35: {  	v3 =	vld.idx.msk [tilespmem:v5+s3+$0x0], $0xffff  }
0x36: {  	v4 =	vld.idx.msk [tilespmem:v6+s12+$0x0], $0xffff;
	_ =	sdelay $0x2  }
0x37: {  	v5 =	vadd.s32 $0x402, v2  }
0x38: {  	v6 =	vadd.s32 $0x402, v1  }
0x39: {  	v3 =	vadd.f32 v4, v3;
	_ =	sdelay $0x1  }
0x3a: {  	[tilespmem:v0+s21+$0x80 ss:$0x1] =	vst.idx.msk $0xffff, v3  }
0x3b: {  	v3 =	vld.idx.msk [tilespmem:v5+s3+$0x0], $0xffff  }
0x3c: {  	v4 =	vld.idx.msk [tilespmem:v6+s12+$0x0], $0xffff;
	_ =	sdelay $0x2  }
0x3d: {  	v5 =	vadd.s32 $0x603, v2  }
0x3e: {  	v6 =	vadd.s32 $0x603, v1  }
0x3f: {  	v3 =	vadd.f32 v4, v3;
	_ =	sdelay $0x1  }
0x40: {  	[tilespmem:v0+s21+$0x100 ss:$0x1] =	vst.idx.msk $0xffff, v3  }
0x41: {  	v3 =	vld.idx.msk [tilespmem:v5+s3+$0x0], $0xffff  }
0x42: {  	v4 =	vld.idx.msk [tilespmem:v6+s12+$0x0], $0xffff;
	_ =	sdelay $0x2  }
0x43: {  	v5 =	vadd.s32 $0x804, v2  }
0x44: {  	v6 =	vadd.s32 $0x804, v1  }
0x45: {  	v3 =	vadd.f32 v4, v3;
	_ =	sdelay $0x1  }
0x46: {  	[tilespmem:v0+s21+$0x180 ss:$0x1] =	vst.idx.msk $0xffff, v3  }
0x47: {  	v3 =	vld.idx.msk [tilespmem:v5+s3+$0x0], $0xffff  }
0x48: {  	v4 =	vld.idx.msk [tilespmem:v6+s12+$0x0], $0xffff;
	_ =	sdelay $0x2  }
0x49: {  	v5 =	vadd.s32 $0xA05, v2  }
0x4a: {  	v6 =	vadd.s32 $0xA05, v1  }
0x4b: {  	v3 =	vadd.f32 v4, v3;
	_ =	sdelay $0x1  }
0x4c: {  	[tilespmem:v0+s21+$0x200 ss:$0x1] =	vst.idx.msk $0xffff, v3  }
0x4d: {  	v3 =	vld.idx.msk [tilespmem:v5+s3+$0x0], $0xffff  }
0x4e: {  	v4 =	vld.idx.msk [tilespmem:v6+s12+$0x0], $0xffff;
	_ =	sdelay $0x2  }
0x4f: {  	v5 =	vadd.s32 $0xC06, v2  }
0x50: {  	v6 =	vadd.s32 $0xC06, v1  }
0x51: {  	v3 =	vadd.f32 v4, v3;
	_ =	sdelay $0x1  }
0x52: {  	[tilespmem:v0+s21+$0x280 ss:$0x1] =	vst.idx.msk $0xffff, v3  }
0x53: {  	v3 =	vld.idx.msk [tilespmem:v5+s3+$0x0], $0xffff  }
0x54: {  	v4 =	vld.idx.msk [tilespmem:v6+s12+$0x0], $0xffff;
	_ =	sdelay $0x2  }
0x55: {  	v5 =	vadd.s32 $0xE07, v2  }
0x56: {  	v6 =	vadd.s32 $0xE07, v1  }
0x57: {  	v3 =	vadd.f32 v4, v3;
	_ =	sdelay $0x1  }
0x58: {  	[tilespmem:v0+s21+$0x300 ss:$0x1] =	vst.idx.msk $0xffff, v3  }
0x59: {  	v3 =	vld.idx.msk [tilespmem:v5+s3+$0x0], $0xffff  }
0x5a: {  	v4 =	vld.idx.msk [tilespmem:v6+s12+$0x0], $0xffff;
	_ =	sdelay $0x2  }
0x5b: {  	v5 =	vadd.s32 $0x1008, v2  }
0x5c: {  	v6 =	vadd.s32 $0x1008, v1  }
0x5d: {  	v3 =	vadd.f32 v4, v3;
	_ =	sdelay $0x1  }
0x5e: {  	[tilespmem:v0+s21+$0x380 ss:$0x1] =	vst.idx.msk $0xffff, v3  }
0x5f: {  	v3 =	vld.idx.msk [tilespmem:v5+s3+$0x0], $0xffff  }
0x60: {  	v4 =	vld.idx.msk [tilespmem:v6+s12+$0x0], $0xffff;
	_ =	sdelay $0x2  }
0x61: {  	v5 =	vadd.s32 $0x1209, v2  }
0x62: {  	v6 =	vadd.s32 $0x1209, v1  }
0x63: {  	v3 =	vadd.f32 v4, v3;
	_ =	sdelay $0x1  }
0x64: {  	[tilespmem:v0+s21+$0x800 ss:$0x1] =	vst.idx.msk $0xffff, v3  }
0x65: {  	v3 =	vld.idx.msk [tilespmem:v5+s3+$0x0], $0xffff  }
0x66: {  	v4 =	vld.idx.msk [tilespmem:v6+s12+$0x0], $0xffff;
	_ =	sdelay $0x2  }
0x67: {  	v5 =	vadd.s32 $0x140A, v2  }
0x68: {  	v6 =	vadd.s32 $0x140A, v1  }
0x69: {  	v3 =	vadd.f32 v4, v3;
	_ =	sdelay $0x1  }
0x6a: {  	[tilespmem:v0+s21+$0x880 ss:$0x1] =	vst.idx.msk $0xffff, v3  }
0x6b: {  	v3 =	vld.idx.msk [tilespmem:v5+s3+$0x0], $0xffff  }
0x6c: {  	v4 =	vld.idx.msk [tilespmem:v6+s12+$0x0], $0xffff;
	_ =	sdelay $0x2  }
0x6d: {  	v5 =	vadd.s32 $0x160B, v2  }
0x6e: {  	v6 =	vadd.s32 $0x160B, v1  }
0x6f: {  	v3 =	vadd.f32 v4, v3;
	_ =	sdelay $0x1  }
0x70: {  	[tilespmem:v0+s21+$0x900 ss:$0x1] =	vst.idx.msk $0xffff, v3  }
0x71: {  	v3 =	vld.idx.msk [tilespmem:v5+s3+$0x0], $0xffff  }
0x72: {  	v4 =	vld.idx.msk [tilespmem:v6+s12+$0x0], $0xffff;
	_ =	sdelay $0x2  }
0x73: {  	v5 =	vadd.s32 $0x180C, v2  }
0x74: {  	v6 =	vadd.s32 $0x180C, v1  }
0x75: {  	s22 =	simm.s32 $0x10;
	v3 =	vadd.f32 v4, v3  }
0x76: {  	v7 =	vld.idx.msk [tilespmem:v10+s22+$0x0 ss:$0x1], $0xffff  }
0x77: {  	v4 =	vld.idx.msk [tilespmem:v9+s22+$0x0 ss:$0x1], $0xffff;
	[tilespmem:v0+s21+$0x980 ss:$0x1] =	vst.idx.msk $0xffff, v3  }
0x78: {  	v5 =	vld.idx.msk [tilespmem:v5+s3+$0x0], $0xffff  }
0x79: {  	v6 =	vld.idx.msk [tilespmem:v6+s12+$0x0], $0xffff;
	_ =	sdelay $0x2  }
0x7a: {  	v8 =	vadd.s32 $0x1A0D, v2;
	vm8 =	vgt.s32 v4, $0x0  }
0x7b: {  	vm9 =	vgt.s32 v7, $0x0;
	v11 =	vadd.s32 $0x1A0D, v1;
	v3 =	vnsel vm8, $0x0, v4  }
0x7c: {  	v4 =	vnsel vm9, $0x0, v7;
	v3 =	vmin.u32 v3, $0x200;
	v5 =	vadd.f32 v6, v5  }
0x7d: {  	v4 =	vmin.u32 v4, $0x200  }
0x7e: {  	[tilespmem:v0+s21+$0xA00 ss:$0x1] =	vst.idx.msk $0xffff, v5  }
0x7f: {  	v5 =	vld.idx.msk [tilespmem:v8+s3+$0x0], $0xffff  }
0x80: {  	v6 =	vld.idx.msk [tilespmem:v11+s12+$0x0], $0xffff  }
0x81: {  	v7 =	vld.idx.msk [tilespmem:v3+s3+$0x0], $0xffff  }
0x82: {  	v8 =	vld.idx.msk [tilespmem:v4+s12+$0x0], $0xffff  }
0x83: {  	v11 =	vadd.s32 $0x1C0E, v2  }
0x84: {  	v12 =	vadd.s32 $0x1C0E, v1  }
0x85: {  	v13 =	vadd.s32 $0x201, v3;
	v5 =	vadd.f32 v6, v5  }
0x86: {  	v6 =	vadd.s32 $0x201, v4  }
0x87: {  	v7 =	vadd.f32 v8, v7;
	[tilespmem:v0+s21+$0xA80 ss:$0x1] =	vst.idx.msk $0xffff, v5  }
0x88: {  	v5 =	vld.idx.msk [tilespmem:v11+s3+$0x0], $0xffff  }
0x89: {  	[tilespmem:v0+s22+$0x0 ss:$0x1] =	vst.idx.msk $0xffff, v7;
	v7 =	vld.idx.msk [tilespmem:v12+s12+$0x0], $0xffff  }
0x8a: {  	v8 =	vld.idx.msk [tilespmem:v13+s3+$0x0], $0xffff  }
0x8b: {  	v6 =	vld.idx.msk [tilespmem:v6+s12+$0x0], $0xffff  }
0x8c: {  	v11 =	vadd.s32 $0x1E0F, v2  }
0x8d: {  	v12 =	vadd.s32 $0x1E0F, v1  }
0x8e: {  	v13 =	vadd.s32 $0x402, v3;
	v5 =	vadd.f32 v7, v5  }
0x8f: {  	v7 =	vadd.s32 $0x402, v4  }
0x90: {  	v6 =	vadd.f32 v6, v8;
	[tilespmem:v0+s21+$0xB00 ss:$0x1] =	vst.idx.msk $0xffff, v5  }
0x91: {  	v5 =	vld.idx.msk [tilespmem:v11+s3+$0x0], $0xffff  }
0x92: {  	[tilespmem:v0+s22+$0x80 ss:$0x1] =	vst.idx.msk $0xffff, v6;
	v6 =	vld.idx.msk [tilespmem:v12+s12+$0x0], $0xffff  }
0x93: {  	v8 =	vld.idx.msk [tilespmem:v13+s3+$0x0], $0xffff  }
0x94: {  	v7 =	vld.idx.msk [tilespmem:v7+s12+$0x0], $0xffff  }
0x95: {  	v11 =	vadd.s32 $0x2010, v2  }
0x96: {  	v12 =	vadd.s32 $0x2010, v1  }
0x97: {  	v13 =	vadd.s32 $0x603, v3;
	v5 =	vadd.f32 v6, v5  }
0x98: {  	v6 =	vadd.s32 $0x603, v4  }
0x99: {  	v7 =	vadd.f32 v7, v8;
	[tilespmem:v0+s21+$0xB80 ss:$0x1] =	vst.idx.msk $0xffff, v5  }
0x9a: {  	v5 =	vld.idx.msk [tilespmem:v11+s3+$0x0], $0xffff  }
0x9b: {  	[tilespmem:v0+s22+$0x100 ss:$0x1] =	vst.idx.msk $0xffff, v7;
	v7 =	vld.idx.msk [tilespmem:v12+s12+$0x0], $0xffff  }
0x9c: {  	v8 =	vld.idx.msk [tilespmem:v13+s3+$0x0], $0xffff  }
0x9d: {  	v6 =	vld.idx.msk [tilespmem:v6+s12+$0x0], $0xffff  }
0x9e: {  	v11 =	vadd.s32 $0x2211, v2  }
0x9f: {  	v12 =	vadd.s32 $0x2211, v1  }
0xa0: {  	v13 =	vadd.s32 $0x804, v3;
	v5 =	vadd.f32 v7, v5  }
0xa1: {  	v7 =	vadd.s32 $0x804, v4  }
0xa2: {  	v6 =	vadd.f32 v6, v8;
	[tilespmem:v0+s21+$0x1000 ss:$0x1] =	vst.idx.msk $0xffff, v5  }
0xa3: {  	v5 =	vld.idx.msk [tilespmem:v11+s3+$0x0], $0xffff  }
0xa4: {  	[tilespmem:v0+s22+$0x180 ss:$0x1] =	vst.idx.msk $0xffff, v6;
	v6 =	vld.idx.msk [tilespmem:v12+s12+$0x0], $0xffff  }
0xa5: {  	v8 =	vld.idx.msk [tilespmem:v13+s3+$0x0], $0xffff  }
0xa6: {  	v7 =	vld.idx.msk [tilespmem:v7+s12+$0x0], $0xffff  }
0xa7: {  	v11 =	vadd.s32 $0x2412, v2  }
0xa8: {  	v12 =	vadd.s32 $0x2412, v1  }
0xa9: {  	v13 =	vadd.s32 $0xA05, v3;
	v5 =	vadd.f32 v6, v5  }
0xaa: {  	v6 =	vadd.s32 $0xA05, v4  }
0xab: {  	v7 =	vadd.f32 v7, v8;
	[tilespmem:v0+s21+$0x1080 ss:$0x1] =	vst.idx.msk $0xffff, v5  }
0xac: {  	v5 =	vld.idx.msk [tilespmem:v11+s3+$0x0], $0xffff  }
0xad: {  	[tilespmem:v0+s22+$0x200 ss:$0x1] =	vst.idx.msk $0xffff, v7;
	v7 =	vld.idx.msk [tilespmem:v12+s12+$0x0], $0xffff  }
0xae: {  	v8 =	vld.idx.msk [tilespmem:v13+s3+$0x0], $0xffff  }
0xaf: {  	v6 =	vld.idx.msk [tilespmem:v6+s12+$0x0], $0xffff  }
0xb0: {  	v11 =	vadd.s32 $0x2613, v2  }
0xb1: {  	v12 =	vadd.s32 $0x2613, v1  }
0xb2: {  	v13 =	vadd.s32 $0xC06, v3;
	v5 =	vadd.f32 v7, v5  }
0xb3: {  	v7 =	vadd.s32 $0xC06, v4  }
0xb4: {  	v6 =	vadd.f32 v6, v8;
	[tilespmem:v0+s21+$0x1100 ss:$0x1] =	vst.idx.msk $0xffff, v5  }
0xb5: {  	v5 =	vld.idx.msk [tilespmem:v11+s3+$0x0], $0xffff  }
0xb6: {  	[tilespmem:v0+s22+$0x280 ss:$0x1] =	vst.idx.msk $0xffff, v6;
	v6 =	vld.idx.msk [tilespmem:v12+s12+$0x0], $0xffff  }
0xb7: {  	v8 =	vld.idx.msk [tilespmem:v13+s3+$0x0], $0xffff  }
0xb8: {  	v7 =	vld.idx.msk [tilespmem:v7+s12+$0x0], $0xffff  }
0xb9: {  	v11 =	vadd.s32 $0x2814, v2  }
0xba: {  	v12 =	vadd.s32 $0x2814, v1  }
0xbb: {  	v13 =	vadd.s32 $0xE07, v3;
	v5 =	vadd.f32 v6, v5  }
0xbc: {  	v6 =	vadd.s32 $0xE07, v4  }
0xbd: {  	v7 =	vadd.f32 v7, v8;
	[tilespmem:v0+s21+$0x1180 ss:$0x1] =	vst.idx.msk $0xffff, v5  }
0xbe: {  	v5 =	vld.idx.msk [tilespmem:v11+s3+$0x0], $0xffff  }
0xbf: {  	[tilespmem:v0+s22+$0x300 ss:$0x1] =	vst.idx.msk $0xffff, v7;
	v7 =	vld.idx.msk [tilespmem:v12+s12+$0x0], $0xffff  }
0xc0: {  	v8 =	vld.idx.msk [tilespmem:v13+s3+$0x0], $0xffff  }
0xc1: {  	v6 =	vld.idx.msk [tilespmem:v6+s12+$0x0], $0xffff  }
0xc2: {  	v11 =	vadd.s32 $0x2A15, v2  }
0xc3: {  	v12 =	vadd.s32 $0x2A15, v1  }
0xc4: {  	v13 =	vadd.s32 $0x1008, v3;
	v5 =	vadd.f32 v7, v5  }
0xc5: {  	v7 =	vadd.s32 $0x1008, v4  }
0xc6: {  	v6 =	vadd.f32 v6, v8;
	[tilespmem:v0+s21+$0x1200 ss:$0x1] =	vst.idx.msk $0xffff, v5  }
0xc7: {  	v5 =	vld.idx.msk [tilespmem:v11+s3+$0x0], $0xffff  }
0xc8: {  	[tilespmem:v0+s22+$0x380 ss:$0x1] =	vst.idx.msk $0xffff, v6;
	v6 =	vld.idx.msk [tilespmem:v12+s12+$0x0], $0xffff  }
0xc9: {  	v8 =	vld.idx.msk [tilespmem:v13+s3+$0x0], $0xffff  }
0xca: {  	v7 =	vld.idx.msk [tilespmem:v7+s12+$0x0], $0xffff  }
0xcb: {  	v11 =	vadd.s32 $0x2C16, v2  }
0xcc: {  	v12 =	vadd.s32 $0x2C16, v1  }
0xcd: {  	v13 =	vadd.s32 $0x1209, v3;
	v5 =	vadd.f32 v6, v5  }
0xce: {  	v6 =	vadd.s32 $0x1209, v4  }
0xcf: {  	v7 =	vadd.f32 v7, v8;
	[tilespmem:v0+s21+$0x1280 ss:$0x1] =	vst.idx.msk $0xffff, v5  }
0xd0: {  	v5 =	vld.idx.msk [tilespmem:v11+s3+$0x0], $0xffff  }
0xd1: {  	[tilespmem:v0+s22+$0x800 ss:$0x1] =	vst.idx.msk $0xffff, v7;
	v7 =	vld.idx.msk [tilespmem:v12+s12+$0x0], $0xffff  }
0xd2: {  	v8 =	vld.idx.msk [tilespmem:v13+s3+$0x0], $0xffff  }
0xd3: {  	v6 =	vld.idx.msk [tilespmem:v6+s12+$0x0], $0xffff  }
0xd4: {  	v11 =	vadd.s32 $0x2E17, v2  }
0xd5: {  	v12 =	vadd.s32 $0x2E17, v1  }
0xd6: {  	v13 =	vadd.s32 $0x140A, v3;
	v5 =	vadd.f32 v7, v5  }
0xd7: {  	v7 =	vadd.s32 $0x140A, v4  }
0xd8: {  	v6 =	vadd.f32 v6, v8;
	[tilespmem:v0+s21+$0x1300 ss:$0x1] =	vst.idx.msk $0xffff, v5  }
0xd9: {  	v5 =	vld.idx.msk [tilespmem:v11+s3+$0x0], $0xffff  }
0xda: {  	[tilespmem:v0+s22+$0x880 ss:$0x1] =	vst.idx.msk $0xffff, v6;
	v6 =	vld.idx.msk [tilespmem:v12+s12+$0x0], $0xffff  }
0xdb: {  	v8 =	vld.idx.msk [tilespmem:v13+s3+$0x0], $0xffff  }
0xdc: {  	v7 =	vld.idx.msk [tilespmem:v7+s12+$0x0], $0xffff  }
0xdd: {  	v11 =	vadd.s32 $0x3018, v2  }
0xde: {  	v12 =	vadd.s32 $0x3018, v1  }
0xdf: {  	v13 =	vadd.s32 $0x160B, v3;
	v5 =	vadd.f32 v6, v5  }
0xe0: {  	v6 =	vadd.s32 $0x160B, v4  }
0xe1: {  	v7 =	vadd.f32 v7, v8;
	[tilespmem:v0+s21+$0x1380 ss:$0x1] =	vst.idx.msk $0xffff, v5  }
0xe2: {  	v5 =	vld.idx.msk [tilespmem:v11+s3+$0x0], $0xffff  }
0xe3: {  	[tilespmem:v0+s22+$0x900 ss:$0x1] =	vst.idx.msk $0xffff, v7;
	v7 =	vld.idx.msk [tilespmem:v12+s12+$0x0], $0xffff  }
0xe4: {  	v8 =	vld.idx.msk [tilespmem:v13+s3+$0x0], $0xffff  }
0xe5: {  	v6 =	vld.idx.msk [tilespmem:v6+s12+$0x0], $0xffff  }
0xe6: {  	v11 =	vadd.s32 $0x3219, v2  }
0xe7: {  	v12 =	vadd.s32 $0x3219, v1  }
0xe8: {  	s23 =	simm.s32 $0x20;
	v13 =	vadd.s32 $0x180C, v3;
	v5 =	vadd.f32 v7, v5  }
0xe9: {  	v15 =	vld.idx.msk [tilespmem:v10+s23+$0x0 ss:$0x1], $0xffff;
	v14 =	vadd.s32 $0x180C, v4  }
0xea: {  	v7 =	vld.idx.msk [tilespmem:v9+s23+$0x0 ss:$0x1], $0xffff;
	v6 =	vadd.f32 v6, v8;
	[tilespmem:v0+s21+$0x1800 ss:$0x1] =	vst.idx.msk $0xffff, v5  }
0xeb: {  	v5 =	vld.idx.msk [tilespmem:v11+s3+$0x0], $0xffff  }
0xec: {  	[tilespmem:v0+s22+$0x980 ss:$0x1] =	vst.idx.msk $0xffff, v6;
	v6 =	vld.idx.msk [tilespmem:v12+s12+$0x0], $0xffff  }
0xed: {  	v8 =	vld.idx.msk [tilespmem:v13+s3+$0x0], $0xffff  }
0xee: {  	v11 =	vld.idx.msk [tilespmem:v14+s12+$0x0], $0xffff  }
0xef: {  	v12 =	vadd.s32 $0x341A, v2  }
0xf0: {  	v13 =	vadd.s32 $0x341A, v1  }
0xf1: {  	vm10 =	vgt.s32 v7, $0x0;
	v14 =	vadd.s32 $0x1A0D, v3;
	v6 =	vadd.f32 v6, v5  }
0xf2: {  	vm11 =	vgt.s32 v15, $0x0;
	v5 =	vnsel vm10, $0x0, v7;
	v7 =	vadd.s32 $0x1A0D, v4  }
0xf3: {  	v15 =	vnsel vm11, $0x0, v15;
	v5 =	vmin.u32 v5, $0x200;
	v8 =	vadd.f32 v11, v8;
	[tilespmem:v0+s21+$0x1880 ss:$0x1] =	vst.idx.msk $0xffff, v6  }
0xf4: {  	v6 =	vmin.u32 v15, $0x200;
	v11 =	vld.idx.msk [tilespmem:v12+s3+$0x0], $0xffff  }
0xf5: {  	[tilespmem:v0+s22+$0xA00 ss:$0x1] =	vst.idx.msk $0xffff, v8;
	v8 =	vld.idx.msk [tilespmem:v13+s12+$0x0], $0xffff  }
0xf6: {  	v12 =	vld.idx.msk [tilespmem:v14+s3+$0x0], $0xffff  }
0xf7: {  	v7 =	vld.idx.msk [tilespmem:v7+s12+$0x0], $0xffff  }
0xf8: {  	v14 =	vadd.s32 $0x361B, v2;
	v13 =	vld.idx.msk [tilespmem:v5+s3+$0x0], $0xffff  }
0xf9: {  	v16 =	vadd.s32 $0x361B, v1;
	v15 =	vld.idx.msk [tilespmem:v6+s12+$0x0], $0xffff  }
0xfa: {  	v17 =	vadd.s32 $0x1C0E, v3;
	v8 =	vadd.f32 v8, v11  }
0xfb: {  	v11 =	vadd.s32 $0x1C0E, v4  }
0xfc: {  	v18 =	vadd.s32 $0x201, v5;
	v7 =	vadd.f32 v7, v12;
	[tilespmem:v0+s21+$0x1900 ss:$0x1] =	vst.idx.msk $0xffff, v8  }
0xfd: {  	v8 =	vadd.s32 $0x201, v6;
	v12 =	vld.idx.msk [tilespmem:v14+s3+$0x0], $0xffff  }
0xfe: {  	v13 =	vadd.f32 v15, v13;
	[tilespmem:v0+s22+$0xA80 ss:$0x1] =	vst.idx.msk $0xffff, v7;
	v7 =	vld.idx.msk [tilespmem:v16+s12+$0x0], $0xffff  }
0xff: {  	v14 =	vld.idx.msk [tilespmem:v17+s3+$0x0], $0xffff  }
0x100: {  	v11 =	vld.idx.msk [tilespmem:v11+s12+$0x0], $0xffff;
	[tilespmem:v0+s23+$0x0 ss:$0x1] =	vst.idx.msk $0xffff, v13  }
0x101: {  	v15 =	vadd.s32 $0x381C, v2;
	v13 =	vld.idx.msk [tilespmem:v18+s3+$0x0], $0xffff  }
0x102: {  	v16 =	vadd.s32 $0x381C, v1;
	v8 =	vld.idx.msk [tilespmem:v8+s12+$0x0], $0xffff  }
0x103: {  	v17 =	vadd.s32 $0x1E0F, v3;
	v7 =	vadd.f32 v7, v12  }
0x104: {  	v12 =	vadd.s32 $0x1E0F, v4  }
0x105: {  	v18 =	vadd.s32 $0x402, v5;
	v11 =	vadd.f32 v11, v14;
	[tilespmem:v0+s21+$0x1980 ss:$0x1] =	vst.idx.msk $0xffff, v7  }
0x106: {  	v7 =	vadd.s32 $0x402, v6;
	v14 =	vld.idx.msk [tilespmem:v15+s3+$0x0], $0xffff  }
0x107: {  	v8 =	vadd.f32 v8, v13;
	[tilespmem:v0+s22+$0xB00 ss:$0x1] =	vst.idx.msk $0xffff, v11;
	v11 =	vld.idx.msk [tilespmem:v16+s12+$0x0], $0xffff  }
0x108: {  	v13 =	vld.idx.msk [tilespmem:v17+s3+$0x0], $0xffff  }
0x109: {  	[tilespmem:v0+s23+$0x80 ss:$0x1] =	vst.idx.msk $0xffff, v8;
	v8 =	vld.idx.msk [tilespmem:v12+s12+$0x0], $0xffff  }
0x10a: {  	v15 =	vadd.s32 $0x3A1D, v2;
	v12 =	vld.idx.msk [tilespmem:v18+s3+$0x0], $0xffff  }
0x10b: {  	v16 =	vadd.s32 $0x3A1D, v1;
	v7 =	vld.idx.msk [tilespmem:v7+s12+$0x0], $0xffff  }
0x10c: {  	v17 =	vadd.s32 $0x2010, v3;
	v11 =	vadd.f32 v11, v14  }
0x10d: {  	v14 =	vadd.s32 $0x2010, v4  }
0x10e: {  	v18 =	vadd.s32 $0x603, v5;
	v8 =	vadd.f32 v8, v13;
	[tilespmem:v0+s21+$0x1A00 ss:$0x1] =	vst.idx.msk $0xffff, v11  }
0x10f: {  	v11 =	vadd.s32 $0x603, v6;
	v13 =	vld.idx.msk [tilespmem:v15+s3+$0x0], $0xffff  }
0x110: {  	v7 =	vadd.f32 v7, v12;
	[tilespmem:v0+s22+$0xB80 ss:$0x1] =	vst.idx.msk $0xffff, v8;
	v8 =	vld.idx.msk [tilespmem:v16+s12+$0x0], $0xffff  }
0x111: {  	v12 =	vld.idx.msk [tilespmem:v17+s3+$0x0], $0xffff  }
0x112: {  	[tilespmem:v0+s23+$0x100 ss:$0x1] =	vst.idx.msk $0xffff, v7;
	v7 =	vld.idx.msk [tilespmem:v14+s12+$0x0], $0xffff  }
0x113: {  	v15 =	vadd.s32 $0x3C1E, v2;
	v14 =	vld.idx.msk [tilespmem:v18+s3+$0x0], $0xffff  }
0x114: {  	v16 =	vadd.s32 $0x3C1E, v1;
	v11 =	vld.idx.msk [tilespmem:v11+s12+$0x0], $0xffff  }
0x115: {  	v17 =	vadd.s32 $0x2211, v3;
	v8 =	vadd.f32 v8, v13  }
0x116: {  	v13 =	vadd.s32 $0x2211, v4  }
0x117: {  	v18 =	vadd.s32 $0x804, v5;
	v7 =	vadd.f32 v7, v12;
	[tilespmem:v0+s21+$0x1A80 ss:$0x1] =	vst.idx.msk $0xffff, v8  }
0x118: {  	v8 =	vadd.s32 $0x804, v6;
	v12 =	vld.idx.msk [tilespmem:v15+s3+$0x0], $0xffff  }
0x119: {  	v11 =	vadd.f32 v11, v14;
	[tilespmem:v0+s22+$0x1000 ss:$0x1] =	vst.idx.msk $0xffff, v7;
	v7 =	vld.idx.msk [tilespmem:v16+s12+$0x0], $0xffff  }
0x11a: {  	v14 =	vld.idx.msk [tilespmem:v17+s3+$0x0], $0xffff  }
0x11b: {  	[tilespmem:v0+s23+$0x180 ss:$0x1] =	vst.idx.msk $0xffff, v11;
	v11 =	vld.idx.msk [tilespmem:v13+s12+$0x0], $0xffff  }
0x11c: {  	v15 =	vadd.s32 $0x3E1F, v2;
	v13 =	vld.idx.msk [tilespmem:v18+s3+$0x0], $0xffff  }
0x11d: {  	v16 =	vadd.s32 $0x3E1F, v1;
	v8 =	vld.idx.msk [tilespmem:v8+s12+$0x0], $0xffff  }
0x11e: {  	v17 =	vadd.s32 $0x2412, v3;
	v7 =	vadd.f32 v7, v12  }
0x11f: {  	v12 =	vadd.s32 $0x2412, v4  }
0x120: {  	v18 =	vadd.s32 $0xA05, v5;
	v11 =	vadd.f32 v11, v14;
	[tilespmem:v0+s21+$0x1B00 ss:$0x1] =	vst.idx.msk $0xffff, v7  }
0x121: {  	v7 =	vadd.s32 $0xA05, v6;
	v14 =	vld.idx.msk [tilespmem:v15+s3+$0x0], $0xffff  }
0x122: {  	v8 =	vadd.f32 v8, v13;
	[tilespmem:v0+s22+$0x1080 ss:$0x1] =	vst.idx.msk $0xffff, v11;
	v11 =	vld.idx.msk [tilespmem:v16+s12+$0x0], $0xffff  }
0x123: {  	v13 =	vld.idx.msk [tilespmem:v17+s3+$0x0], $0xffff  }
0x124: {  	[tilespmem:v0+s23+$0x200 ss:$0x1] =	vst.idx.msk $0xffff, v8;
	v8 =	vld.idx.msk [tilespmem:v12+s12+$0x0], $0xffff  }
0x125: {  	v15 =	vadd.s32 $0x4020, v2;
	v12 =	vld.idx.msk [tilespmem:v18+s3+$0x0], $0xffff  }
0x126: {  	v16 =	vadd.s32 $0x4020, v1;
	v7 =	vld.idx.msk [tilespmem:v7+s12+$0x0], $0xffff  }
0x127: {  	v17 =	vadd.s32 $0x2613, v3;
	v11 =	vadd.f32 v11, v14  }
0x128: {  	v14 =	vadd.s32 $0x2613, v4  }
0x129: {  	v18 =	vadd.s32 $0xC06, v5;
	v8 =	vadd.f32 v8, v13;
	[tilespmem:v0+s21+$0x1B80 ss:$0x1] =	vst.idx.msk $0xffff, v11  }
0x12a: {  	v11 =	vadd.s32 $0xC06, v6;
	v13 =	vld.idx.msk [tilespmem:v15+s3+$0x0], $0xffff  }
0x12b: {  	v7 =	vadd.f32 v7, v12;
	[tilespmem:v0+s22+$0x1100 ss:$0x1] =	vst.idx.msk $0xffff, v8;
	v8 =	vld.idx.msk [tilespmem:v16+s12+$0x0], $0xffff  }
0x12c: {  	v12 =	vld.idx.msk [tilespmem:v17+s3+$0x0], $0xffff  }
0x12d: {  	[tilespmem:v0+s23+$0x280 ss:$0x1] =	vst.idx.msk $0xffff, v7;
	v7 =	vld.idx.msk [tilespmem:v14+s12+$0x0], $0xffff  }
0x12e: {  	v15 =	vadd.s32 $0x4221, v2;
	v14 =	vld.idx.msk [tilespmem:v18+s3+$0x0], $0xffff  }
0x12f: {  	v16 =	vadd.s32 $0x4221, v1;
	v11 =	vld.idx.msk [tilespmem:v11+s12+$0x0], $0xffff  }
0x130: {  	v17 =	vadd.s32 $0x2814, v3;
	v8 =	vadd.f32 v8, v13  }
0x131: {  	v13 =	vadd.s32 $0x2814, v4  }
0x132: {  	v18 =	vadd.s32 $0xE07, v5;
	v7 =	vadd.f32 v7, v12;
	[tilespmem:v0+s21+$0x2000 ss:$0x1] =	vst.idx.msk $0xffff, v8  }
0x133: {  	v8 =	vadd.s32 $0xE07, v6;
	v12 =	vld.idx.msk [tilespmem:v15+s3+$0x0], $0xffff  }
0x134: {  	v11 =	vadd.f32 v11, v14;
	[tilespmem:v0+s22+$0x1180 ss:$0x1] =	vst.idx.msk $0xffff, v7;
	v7 =	vld.idx.msk [tilespmem:v16+s12+$0x0], $0xffff  }
0x135: {  	v14 =	vld.idx.msk [tilespmem:v17+s3+$0x0], $0xffff  }
0x136: {  	[tilespmem:v0+s23+$0x300 ss:$0x1] =	vst.idx.msk $0xffff, v11;
	v11 =	vld.idx.msk [tilespmem:v13+s12+$0x0], $0xffff  }
0x137: {  	v15 =	vadd.s32 $0x4422, v2;
	v13 =	vld.idx.msk [tilespmem:v18+s3+$0x0], $0xffff  }
0x138: {  	v16 =	vadd.s32 $0x4422, v1;
	v8 =	vld.idx.msk [tilespmem:v8+s12+$0x0], $0xffff  }
0x139: {  	v17 =	vadd.s32 $0x2A15, v3;
	v7 =	vadd.f32 v7, v12  }
0x13a: {  	v12 =	vadd.s32 $0x2A15, v4  }
0x13b: {  	v18 =	vadd.s32 $0x1008, v5;
	v11 =	vadd.f32 v11, v14;
	[tilespmem:v0+s21+$0x2080 ss:$0x1] =	vst.idx.msk $0xffff, v7  }
0x13c: {  	v7 =	vadd.s32 $0x1008, v6;
	v14 =	vld.idx.msk [tilespmem:v15+s3+$0x0], $0xffff  }
0x13d: {  	v8 =	vadd.f32 v8, v13;
	[tilespmem:v0+s22+$0x1200 ss:$0x1] =	vst.idx.msk $0xffff, v11;
	v11 =	vld.idx.msk [tilespmem:v16+s12+$0x0], $0xffff  }
0x13e: {  	v13 =	vld.idx.msk [tilespmem:v17+s3+$0x0], $0xffff  }
0x13f: {  	[tilespmem:v0+s23+$0x380 ss:$0x1] =	vst.idx.msk $0xffff, v8;
	v8 =	vld.idx.msk [tilespmem:v12+s12+$0x0], $0xffff  }
0x140: {  	v15 =	vadd.s32 $0x4623, v2;
	v12 =	vld.idx.msk [tilespmem:v18+s3+$0x0], $0xffff  }
0x141: {  	v16 =	vadd.s32 $0x4623, v1;
	v7 =	vld.idx.msk [tilespmem:v7+s12+$0x0], $0xffff  }
0x142: {  	v17 =	vadd.s32 $0x2C16, v3;
	v11 =	vadd.f32 v11, v14  }
0x143: {  	v14 =	vadd.s32 $0x2C16, v4  }
0x144: {  	v18 =	vadd.s32 $0x1209, v5;
	v8 =	vadd.f32 v8, v13;
	[tilespmem:v0+s21+$0x2100 ss:$0x1] =	vst.idx.msk $0xffff, v11  }
0x145: {  	v11 =	vadd.s32 $0x1209, v6;
	v13 =	vld.idx.msk [tilespmem:v15+s3+$0x0], $0xffff  }
0x146: {  	v7 =	vadd.f32 v7, v12;
	[tilespmem:v0+s22+$0x1280 ss:$0x1] =	vst.idx.msk $0xffff, v8;
	v8 =	vld.idx.msk [tilespmem:v16+s12+$0x0], $0xffff  }
0x147: {  	v12 =	vld.idx.msk [tilespmem:v17+s3+$0x0], $0xffff  }
0x148: {  	[tilespmem:v0+s23+$0x800 ss:$0x1] =	vst.idx.msk $0xffff, v7;
	v7 =	vld.idx.msk [tilespmem:v14+s12+$0x0], $0xffff  }
0x149: {  	v15 =	vadd.s32 $0x4824, v2;
	v14 =	vld.idx.msk [tilespmem:v18+s3+$0x0], $0xffff  }
0x14a: {  	v16 =	vadd.s32 $0x4824, v1;
	v11 =	vld.idx.msk [tilespmem:v11+s12+$0x0], $0xffff  }
0x14b: {  	v17 =	vadd.s32 $0x2E17, v3;
	v8 =	vadd.f32 v8, v13  }
0x14c: {  	v13 =	vadd.s32 $0x2E17, v4  }
0x14d: {  	v18 =	vadd.s32 $0x140A, v5;
	v7 =	vadd.f32 v7, v12;
	[tilespmem:v0+s21+$0x2180 ss:$0x1] =	vst.idx.msk $0xffff, v8  }
0x14e: {  	v8 =	vadd.s32 $0x140A, v6;
	v12 =	vld.idx.msk [tilespmem:v15+s3+$0x0], $0xffff  }
0x14f: {  	v11 =	vadd.f32 v11, v14;
	[tilespmem:v0+s22+$0x1300 ss:$0x1] =	vst.idx.msk $0xffff, v7;
	v7 =	vld.idx.msk [tilespmem:v16+s12+$0x0], $0xffff  }
0x150: {  	v14 =	vld.idx.msk [tilespmem:v17+s3+$0x0], $0xffff  }
0x151: {  	[tilespmem:v0+s23+$0x880 ss:$0x1] =	vst.idx.msk $0xffff, v11;
	v11 =	vld.idx.msk [tilespmem:v13+s12+$0x0], $0xffff  }
0x152: {  	v15 =	vadd.s32 $0x4A25, v2;
	v13 =	vld.idx.msk [tilespmem:v18+s3+$0x0], $0xffff  }
0x153: {  	v16 =	vadd.s32 $0x4A25, v1;
	v8 =	vld.idx.msk [tilespmem:v8+s12+$0x0], $0xffff  }
0x154: {  	v17 =	vadd.s32 $0x3018, v3;
	v7 =	vadd.f32 v7, v12  }
0x155: {  	v12 =	vadd.s32 $0x3018, v4  }
0x156: {  	v18 =	vadd.s32 $0x160B, v5;
	v11 =	vadd.f32 v11, v14;
	[tilespmem:v0+s21+$0x2200 ss:$0x1] =	vst.idx.msk $0xffff, v7  }
0x157: {  	v7 =	vadd.s32 $0x160B, v6;
	v14 =	vld.idx.msk [tilespmem:v15+s3+$0x0], $0xffff  }
0x158: {  	v8 =	vadd.f32 v8, v13;
	[tilespmem:v0+s22+$0x1380 ss:$0x1] =	vst.idx.msk $0xffff, v11;
	v11 =	vld.idx.msk [tilespmem:v16+s12+$0x0], $0xffff  }
0x159: {  	v13 =	vld.idx.msk [tilespmem:v17+s3+$0x0], $0xffff  }
0x15a: {  	[tilespmem:v0+s23+$0x900 ss:$0x1] =	vst.idx.msk $0xffff, v8;
	v8 =	vld.idx.msk [tilespmem:v12+s12+$0x0], $0xffff  }
0x15b: {  	v15 =	vadd.s32 $0x4C26, v2;
	v12 =	vld.idx.msk [tilespmem:v18+s3+$0x0], $0xffff  }
0x15c: {  	v16 =	vadd.s32 $0x4C26, v1;
	v7 =	vld.idx.msk [tilespmem:v7+s12+$0x0], $0xffff  }
0x15d: {  	s24 =	simm.s32 $0x30;
	v17 =	vadd.s32 $0x3219, v3;
	v11 =	vadd.f32 v11, v14  }
0x15e: {  	v19 =	vld.idx.msk [tilespmem:v10+s24+$0x0 ss:$0x1], $0xffff;
	v18 =	vadd.s32 $0x3219, v4  }
0x15f: {  	v20 =	vadd.s32 $0x180C, v5;
	v14 =	vld.idx.msk [tilespmem:v9+s24+$0x0 ss:$0x1], $0xffff;
	v8 =	vadd.f32 v8, v13;
	[tilespmem:v0+s21+$0x2280 ss:$0x1] =	vst.idx.msk $0xffff, v11  }
0x160: {  	v11 =	vadd.s32 $0x180C, v6;
	v13 =	vld.idx.msk [tilespmem:v15+s3+$0x0], $0xffff  }
0x161: {  	v7 =	vadd.f32 v7, v12;
	[tilespmem:v0+s22+$0x1800 ss:$0x1] =	vst.idx.msk $0xffff, v8;
	v8 =	vld.idx.msk [tilespmem:v16+s12+$0x0], $0xffff  }
0x162: {  	v12 =	vld.idx.msk [tilespmem:v17+s3+$0x0], $0xffff  }
0x163: {  	[tilespmem:v0+s23+$0x980 ss:$0x1] =	vst.idx.msk $0xffff, v7;
	v7 =	vld.idx.msk [tilespmem:v18+s12+$0x0], $0xffff  }
0x164: {  	v16 =	vadd.s32 $0x4E27, v2;
	v15 =	vld.idx.msk [tilespmem:v20+s3+$0x0], $0xffff  }
0x165: {  	v17 =	vadd.s32 $0x4E27, v1;
	v11 =	vld.idx.msk [tilespmem:v11+s12+$0x0], $0xffff  }
0x166: {  	v18 =	vadd.s32 $0x341A, v3;
	v8 =	vadd.f32 v8, v13  }
0x167: {  	v13 =	vadd.s32 $0x341A, v4  }
0x168: {  	vm12 =	vgt.s32 v14, $0x0;
	v20 =	vadd.s32 $0x1A0D, v5;
	v12 =	vadd.f32 v7, v12;
	[tilespmem:v0+s21+$0x2300 ss:$0x1] =	vst.idx.msk $0xffff, v8  }
0x169: {  	vm13 =	vgt.s32 v19, $0x0;
	v7 =	vnsel vm12, $0x0, v14;
	v14 =	vadd.s32 $0x1A0D, v6;
	v16 =	vld.idx.msk [tilespmem:v16+s3+$0x0], $0xffff  }
0x16a: {  	v8 =	vnsel vm13, $0x0, v19;
	v7 =	vmin.u32 v7, $0x200;
	v11 =	vadd.f32 v11, v15;
	[tilespmem:v0+s22+$0x1880 ss:$0x1] =	vst.idx.msk $0xffff, v12;
	v12 =	vld.idx.msk [tilespmem:v17+s12+$0x0], $0xffff  }
0x16b: {  	v8 =	vmin.u32 v8, $0x200;
	v15 =	vld.idx.msk [tilespmem:v18+s3+$0x0], $0xffff  }
0x16c: {  	[tilespmem:v0+s23+$0xA00 ss:$0x1] =	vst.idx.msk $0xffff, v11;
	v11 =	vld.idx.msk [tilespmem:v13+s12+$0x0], $0xffff  }
0x16d: {  	v17 =	vadd.s32 $0x5028, v2;
	v13 =	vld.idx.msk [tilespmem:v20+s3+$0x0], $0xffff  }
0x16e: {  	v18 =	vadd.s32 $0x5028, v1;
	v14 =	vld.idx.msk [tilespmem:v14+s12+$0x0], $0xffff  }
0x16f: {  	v20 =	vadd.s32 $0x361B, v3;
	v19 =	vld.idx.msk [tilespmem:v7+s3+$0x0], $0xffff;
	v12 =	vadd.f32 v12, v16  }
0x170: {  	v21 =	vadd.s32 $0x361B, v4;
	v16 =	vld.idx.msk [tilespmem:v8+s12+$0x0], $0xffff  }
0x171: {  	v22 =	vadd.s32 $0x1C0E, v5;
	v11 =	vadd.f32 v11, v15;
	[tilespmem:v0+s21+$0x2380 ss:$0x1] =	vst.idx.msk $0xffff, v12  }
0x172: {  	v12 =	vadd.s32 $0x1C0E, v6;
	v15 =	vld.idx.msk [tilespmem:v17+s3+$0x0], $0xffff  }
0x173: {  	v17 =	vadd.s32 $0x201, v7;
	v13 =	vadd.f32 v14, v13;
	[tilespmem:v0+s22+$0x1900 ss:$0x1] =	vst.idx.msk $0xffff, v11;
	v11 =	vld.idx.msk [tilespmem:v18+s12+$0x0], $0xffff  }
0x174: {  	v14 =	vadd.s32 $0x201, v8;
	v18 =	vld.idx.msk [tilespmem:v20+s3+$0x0], $0xffff  }
0x175: {  	v16 =	vadd.f32 v16, v19;
	[tilespmem:v0+s23+$0xA80 ss:$0x1] =	vst.idx.msk $0xffff, v13;
	v13 =	vld.idx.msk [tilespmem:v21+s12+$0x0], $0xffff  }
0x176: {  	v20 =	vadd.s32 $0x5229, v2;
	v19 =	vld.idx.msk [tilespmem:v22+s3+$0x0], $0xffff  }
0x177: {  	[tilespmem:v0+s24+$0x0 ss:$0x1] =	vst.idx.msk $0xffff, v16;
	v12 =	vld.idx.msk [tilespmem:v12+s12+$0x0], $0xffff;
	v16 =	vadd.s32 $0x5229, v1  }
0x178: {  	v21 =	vadd.s32 $0x381C, v3;
	v17 =	vld.idx.msk [tilespmem:v17+s3+$0x0], $0xffff;
	v11 =	vadd.f32 v11, v15  }
0x179: {  	v14 =	vld.idx.msk [tilespmem:v14+s12+$0x0], $0xffff;
	v15 =	vadd.s32 $0x381C, v4  }
0x17a: {  	v22 =	vadd.s32 $0x1E0F, v5;
	v13 =	vadd.f32 v13, v18;
	[tilespmem:v0+s21+$0x2800 ss:$0x1] =	vst.idx.msk $0xffff, v11  }
0x17b: {  	v11 =	vadd.s32 $0x1E0F, v6;
	v18 =	vld.idx.msk [tilespmem:v20+s3+$0x0], $0xffff  }
0x17c: {  	v20 =	vadd.s32 $0x402, v7;
	v12 =	vadd.f32 v12, v19;
	[tilespmem:v0+s22+$0x1980 ss:$0x1] =	vst.idx.msk $0xffff, v13;
	v13 =	vld.idx.msk [tilespmem:v16+s12+$0x0], $0xffff  }
0x17d: {  	v16 =	vadd.s32 $0x402, v8;
	v19 =	vld.idx.msk [tilespmem:v21+s3+$0x0], $0xffff  }
0x17e: {  	v14 =	vadd.f32 v14, v17;
	[tilespmem:v0+s23+$0xB00 ss:$0x1] =	vst.idx.msk $0xffff, v12;
	v12 =	vld.idx.msk [tilespmem:v15+s12+$0x0], $0xffff  }
0x17f: {  	v17 =	vadd.s32 $0x542A, v2;
	v15 =	vld.idx.msk [tilespmem:v22+s3+$0x0], $0xffff  }
0x180: {  	[tilespmem:v0+s24+$0x80 ss:$0x1] =	vst.idx.msk $0xffff, v14;
	v11 =	vld.idx.msk [tilespmem:v11+s12+$0x0], $0xffff;
	v14 =	vadd.s32 $0x542A, v1  }
0x181: {  	v21 =	vadd.s32 $0x3A1D, v3;
	v20 =	vld.idx.msk [tilespmem:v20+s3+$0x0], $0xffff;
	v13 =	vadd.f32 v13, v18  }
0x182: {  	v16 =	vld.idx.msk [tilespmem:v16+s12+$0x0], $0xffff;
	v18 =	vadd.s32 $0x3A1D, v4  }
0x183: {  	v22 =	vadd.s32 $0x2010, v5;
	v12 =	vadd.f32 v12, v19;
	[tilespmem:v0+s21+$0x2880 ss:$0x1] =	vst.idx.msk $0xffff, v13  }
0x184: {  	v13 =	vadd.s32 $0x2010, v6;
	v17 =	vld.idx.msk [tilespmem:v17+s3+$0x0], $0xffff  }
0x185: {  	v19 =	vadd.s32 $0x603, v7;
	v11 =	vadd.f32 v11, v15;
	[tilespmem:v0+s22+$0x1A00 ss:$0x1] =	vst.idx.msk $0xffff, v12;
	v12 =	vld.idx.msk [tilespmem:v14+s12+$0x0], $0xffff  }
0x186: {  	v14 =	vadd.s32 $0x603, v8;
	v15 =	vld.idx.msk [tilespmem:v21+s3+$0x0], $0xffff  }
0x187: {  	v16 =	vadd.f32 v16, v20;
	[tilespmem:v0+s23+$0xB80 ss:$0x1] =	vst.idx.msk $0xffff, v11;
	v11 =	vld.idx.msk [tilespmem:v18+s12+$0x0], $0xffff  }
0x188: {  	v20 =	vadd.s32 $0x562B, v2;
	v18 =	vld.idx.msk [tilespmem:v22+s3+$0x0], $0xffff  }
0x189: {  	[tilespmem:v0+s24+$0x100 ss:$0x1] =	vst.idx.msk $0xffff, v16;
	v13 =	vld.idx.msk [tilespmem:v13+s12+$0x0], $0xffff;
	v16 =	vadd.s32 $0x562B, v1  }
0x18a: {  	v21 =	vadd.s32 $0x3C1E, v3;
	v19 =	vld.idx.msk [tilespmem:v19+s3+$0x0], $0xffff;
	v12 =	vadd.f32 v12, v17  }
0x18b: {  	v14 =	vld.idx.msk [tilespmem:v14+s12+$0x0], $0xffff;
	v17 =	vadd.s32 $0x3C1E, v4  }
0x18c: {  	v22 =	vadd.s32 $0x2211, v5;
	v11 =	vadd.f32 v11, v15;
	[tilespmem:v0+s21+$0x2900 ss:$0x1] =	vst.idx.msk $0xffff, v12  }
0x18d: {  	v12 =	vadd.s32 $0x2211, v6;
	v15 =	vld.idx.msk [tilespmem:v20+s3+$0x0], $0xffff  }
0x18e: {  	v20 =	vadd.s32 $0x804, v7;
	v13 =	vadd.f32 v13, v18;
	[tilespmem:v0+s22+$0x1A80 ss:$0x1] =	vst.idx.msk $0xffff, v11;
	v11 =	vld.idx.msk [tilespmem:v16+s12+$0x0], $0xffff  }
0x18f: {  	v16 =	vadd.s32 $0x804, v8;
	v18 =	vld.idx.msk [tilespmem:v21+s3+$0x0], $0xffff  }
0x190: {  	v14 =	vadd.f32 v14, v19;
	[tilespmem:v0+s23+$0x1000 ss:$0x1] =	vst.idx.msk $0xffff, v13;
	v13 =	vld.idx.msk [tilespmem:v17+s12+$0x0], $0xffff  }
0x191: {  	v19 =	vadd.s32 $0x582C, v2;
	v17 =	vld.idx.msk [tilespmem:v22+s3+$0x0], $0xffff  }
0x192: {  	[tilespmem:v0+s24+$0x180 ss:$0x1] =	vst.idx.msk $0xffff, v14;
	v12 =	vld.idx.msk [tilespmem:v12+s12+$0x0], $0xffff;
	v14 =	vadd.s32 $0x582C, v1  }
0x193: {  	v21 =	vadd.s32 $0x3E1F, v3;
	v20 =	vld.idx.msk [tilespmem:v20+s3+$0x0], $0xffff;
	v11 =	vadd.f32 v11, v15  }
0x194: {  	v15 =	vld.idx.msk [tilespmem:v16+s12+$0x0], $0xffff;
	v16 =	vadd.s32 $0x3E1F, v4  }
0x195: {  	v22 =	vadd.s32 $0x2412, v5;
	v13 =	vadd.f32 v13, v18;
	[tilespmem:v0+s21+$0x2980 ss:$0x1] =	vst.idx.msk $0xffff, v11  }
0x196: {  	v11 =	vadd.s32 $0x2412, v6;
	v18 =	vld.idx.msk [tilespmem:v19+s3+$0x0], $0xffff  }
0x197: {  	v19 =	vadd.s32 $0xA05, v7;
	v12 =	vadd.f32 v12, v17;
	[tilespmem:v0+s22+$0x1B00 ss:$0x1] =	vst.idx.msk $0xffff, v13;
	v13 =	vld.idx.msk [tilespmem:v14+s12+$0x0], $0xffff  }
0x198: {  	v14 =	vadd.s32 $0xA05, v8;
	v17 =	vld.idx.msk [tilespmem:v21+s3+$0x0], $0xffff  }
0x199: {  	v15 =	vadd.f32 v15, v20;
	[tilespmem:v0+s23+$0x1080 ss:$0x1] =	vst.idx.msk $0xffff, v12;
	v12 =	vld.idx.msk [tilespmem:v16+s12+$0x0], $0xffff  }
0x19a: {  	v20 =	vadd.s32 $0x5A2D, v2;
	v16 =	vld.idx.msk [tilespmem:v22+s3+$0x0], $0xffff  }
0x19b: {  	[tilespmem:v0+s24+$0x200 ss:$0x1] =	vst.idx.msk $0xffff, v15;
	v11 =	vld.idx.msk [tilespmem:v11+s12+$0x0], $0xffff;
	v15 =	vadd.s32 $0x5A2D, v1  }
0x19c: {  	v21 =	vadd.s32 $0x4020, v3;
	v19 =	vld.idx.msk [tilespmem:v19+s3+$0x0], $0xffff;
	v13 =	vadd.f32 v13, v18  }
0x19d: {  	v14 =	vld.idx.msk [tilespmem:v14+s12+$0x0], $0xffff;
	v18 =	vadd.s32 $0x4020, v4  }
0x19e: {  	v22 =	vadd.s32 $0x2613, v5;
	v12 =	vadd.f32 v12, v17;
	[tilespmem:v0+s21+$0x2A00 ss:$0x1] =	vst.idx.msk $0xffff, v13  }
0x19f: {  	v13 =	vadd.s32 $0x2613, v6;
	v17 =	vld.idx.msk [tilespmem:v20+s3+$0x0], $0xffff  }
0x1a0: {  	v20 =	vadd.s32 $0xC06, v7;
	v11 =	vadd.f32 v11, v16;
	[tilespmem:v0+s22+$0x1B80 ss:$0x1] =	vst.idx.msk $0xffff, v12;
	v12 =	vld.idx.msk [tilespmem:v15+s12+$0x0], $0xffff  }
0x1a1: {  	v15 =	vadd.s32 $0xC06, v8;
	v16 =	vld.idx.msk [tilespmem:v21+s3+$0x0], $0xffff  }
0x1a2: {  	v14 =	vadd.f32 v14, v19;
	[tilespmem:v0+s23+$0x1100 ss:$0x1] =	vst.idx.msk $0xffff, v11;
	v11 =	vld.idx.msk [tilespmem:v18+s12+$0x0], $0xffff  }
0x1a3: {  	v19 =	vadd.s32 $0x5C2E, v2;
	v18 =	vld.idx.msk [tilespmem:v22+s3+$0x0], $0xffff  }
0x1a4: {  	[tilespmem:v0+s24+$0x280 ss:$0x1] =	vst.idx.msk $0xffff, v14;
	v13 =	vld.idx.msk [tilespmem:v13+s12+$0x0], $0xffff;
	v14 =	vadd.s32 $0x5C2E, v1  }
0x1a5: {  	v21 =	vadd.s32 $0x4221, v3;
	v20 =	vld.idx.msk [tilespmem:v20+s3+$0x0], $0xffff;
	v12 =	vadd.f32 v12, v17  }
0x1a6: {  	v15 =	vld.idx.msk [tilespmem:v15+s12+$0x0], $0xffff;
	v17 =	vadd.s32 $0x4221, v4  }
0x1a7: {  	v22 =	vadd.s32 $0x2814, v5;
	v11 =	vadd.f32 v11, v16;
	[tilespmem:v0+s21+$0x2A80 ss:$0x1] =	vst.idx.msk $0xffff, v12  }
0x1a8: {  	v12 =	vadd.s32 $0x2814, v6;
	v16 =	vld.idx.msk [tilespmem:v19+s3+$0x0], $0xffff  }
0x1a9: {  	v19 =	vadd.s32 $0xE07, v7;
	v13 =	vadd.f32 v13, v18;
	[tilespmem:v0+s22+$0x2000 ss:$0x1] =	vst.idx.msk $0xffff, v11;
	v11 =	vld.idx.msk [tilespmem:v14+s12+$0x0], $0xffff  }
0x1aa: {  	v14 =	vadd.s32 $0xE07, v8;
	v18 =	vld.idx.msk [tilespmem:v21+s3+$0x0], $0xffff  }
0x1ab: {  	v15 =	vadd.f32 v15, v20;
	[tilespmem:v0+s23+$0x1180 ss:$0x1] =	vst.idx.msk $0xffff, v13;
	v13 =	vld.idx.msk [tilespmem:v17+s12+$0x0], $0xffff  }
0x1ac: {  	v20 =	vadd.s32 $0x5E2F, v2;
	v17 =	vld.idx.msk [tilespmem:v22+s3+$0x0], $0xffff  }
0x1ad: {  	[tilespmem:v0+s24+$0x300 ss:$0x1] =	vst.idx.msk $0xffff, v15;
	v12 =	vld.idx.msk [tilespmem:v12+s12+$0x0], $0xffff;
	v15 =	vadd.s32 $0x5E2F, v1  }
0x1ae: {  	v21 =	vadd.s32 $0x4422, v3;
	v19 =	vld.idx.msk [tilespmem:v19+s3+$0x0], $0xffff;
	v11 =	vadd.f32 v11, v16  }
0x1af: {  	v14 =	vld.idx.msk [tilespmem:v14+s12+$0x0], $0xffff;
	v16 =	vadd.s32 $0x4422, v4  }
0x1b0: {  	v22 =	vadd.s32 $0x2A15, v5;
	v13 =	vadd.f32 v13, v18;
	[tilespmem:v0+s21+$0x2B00 ss:$0x1] =	vst.idx.msk $0xffff, v11  }
0x1b1: {  	v11 =	vadd.s32 $0x2A15, v6;
	v18 =	vld.idx.msk [tilespmem:v20+s3+$0x0], $0xffff  }
0x1b2: {  	v20 =	vadd.s32 $0x1008, v7;
	v12 =	vadd.f32 v12, v17;
	[tilespmem:v0+s22+$0x2080 ss:$0x1] =	vst.idx.msk $0xffff, v13;
	v13 =	vld.idx.msk [tilespmem:v15+s12+$0x0], $0xffff  }
0x1b3: {  	v15 =	vadd.s32 $0x1008, v8;
	v17 =	vld.idx.msk [tilespmem:v21+s3+$0x0], $0xffff  }
0x1b4: {  	v14 =	vadd.f32 v14, v19;
	[tilespmem:v0+s23+$0x1200 ss:$0x1] =	vst.idx.msk $0xffff, v12;
	v12 =	vld.idx.msk [tilespmem:v16+s12+$0x0], $0xffff  }
0x1b5: {  	v19 =	vadd.s32 $0x6030, v2;
	v16 =	vld.idx.msk [tilespmem:v22+s3+$0x0], $0xffff  }
0x1b6: {  	[tilespmem:v0+s24+$0x380 ss:$0x1] =	vst.idx.msk $0xffff, v14;
	v11 =	vld.idx.msk [tilespmem:v11+s12+$0x0], $0xffff;
	v14 =	vadd.s32 $0x6030, v1  }
0x1b7: {  	v21 =	vadd.s32 $0x4623, v3;
	v20 =	vld.idx.msk [tilespmem:v20+s3+$0x0], $0xffff;
	v13 =	vadd.f32 v13, v18  }
0x1b8: {  	v15 =	vld.idx.msk [tilespmem:v15+s12+$0x0], $0xffff;
	v18 =	vadd.s32 $0x4623, v4  }
0x1b9: {  	v22 =	vadd.s32 $0x2C16, v5;
	v12 =	vadd.f32 v12, v17;
	[tilespmem:v0+s21+$0x2B80 ss:$0x1] =	vst.idx.msk $0xffff, v13  }
0x1ba: {  	v13 =	vadd.s32 $0x2C16, v6;
	v17 =	vld.idx.msk [tilespmem:v19+s3+$0x0], $0xffff  }
0x1bb: {  	v19 =	vadd.s32 $0x1209, v7;
	v11 =	vadd.f32 v11, v16;
	[tilespmem:v0+s22+$0x2100 ss:$0x1] =	vst.idx.msk $0xffff, v12;
	v12 =	vld.idx.msk [tilespmem:v14+s12+$0x0], $0xffff  }
0x1bc: {  	v14 =	vadd.s32 $0x1209, v8;
	v16 =	vld.idx.msk [tilespmem:v21+s3+$0x0], $0xffff  }
0x1bd: {  	v15 =	vadd.f32 v15, v20;
	[tilespmem:v0+s23+$0x1280 ss:$0x1] =	vst.idx.msk $0xffff, v11;
	v11 =	vld.idx.msk [tilespmem:v18+s12+$0x0], $0xffff  }
0x1be: {  	v20 =	vadd.s32 $0x6231, v2;
	v18 =	vld.idx.msk [tilespmem:v22+s3+$0x0], $0xffff  }
0x1bf: {  	[tilespmem:v0+s24+$0x800 ss:$0x1] =	vst.idx.msk $0xffff, v15;
	v13 =	vld.idx.msk [tilespmem:v13+s12+$0x0], $0xffff;
	v15 =	vadd.s32 $0x6231, v1  }
0x1c0: {  	v21 =	vadd.s32 $0x4824, v3;
	v19 =	vld.idx.msk [tilespmem:v19+s3+$0x0], $0xffff;
	v12 =	vadd.f32 v12, v17  }
0x1c1: {  	v14 =	vld.idx.msk [tilespmem:v14+s12+$0x0], $0xffff;
	v17 =	vadd.s32 $0x4824, v4  }
0x1c2: {  	v22 =	vadd.s32 $0x2E17, v5;
	v11 =	vadd.f32 v11, v16;
	[tilespmem:v0+s21+$0x3000 ss:$0x1] =	vst.idx.msk $0xffff, v12  }
0x1c3: {  	v12 =	vadd.s32 $0x2E17, v6;
	v16 =	vld.idx.msk [tilespmem:v20+s3+$0x0], $0xffff  }
0x1c4: {  	v20 =	vadd.s32 $0x140A, v7;
	v13 =	vadd.f32 v13, v18;
	[tilespmem:v0+s22+$0x2180 ss:$0x1] =	vst.idx.msk $0xffff, v11;
	v11 =	vld.idx.msk [tilespmem:v15+s12+$0x0], $0xffff  }
0x1c5: {  	v15 =	vadd.s32 $0x140A, v8;
	v18 =	vld.idx.msk [tilespmem:v21+s3+$0x0], $0xffff  }
0x1c6: {  	v14 =	vadd.f32 v14, v19;
	[tilespmem:v0+s23+$0x1300 ss:$0x1] =	vst.idx.msk $0xffff, v13;
	v13 =	vld.idx.msk [tilespmem:v17+s12+$0x0], $0xffff  }
0x1c7: {  	v17 =	vld.idx.msk [tilespmem:v22+s3+$0x0], $0xffff  }
0x1c8: {  	v19 =	vadd.s32 $0x6432, v2;
	[tilespmem:v0+s24+$0x880 ss:$0x1] =	vst.idx.msk $0xffff, v14;
	v12 =	vld.idx.msk [tilespmem:v12+s12+$0x0], $0xffff  }
0x1c9: {  	v14 =	vadd.s32 $0x6432, v1;
	v20 =	vld.idx.msk [tilespmem:v20+s3+$0x0], $0xffff  }
0x1ca: {  	v21 =	vadd.s32 $0x4A25, v3;
	v11 =	vadd.f32 v11, v16;
	v15 =	vld.idx.msk [tilespmem:v15+s12+$0x0], $0xffff  }
0x1cb: {  	s25 =	simm.s32 $0x40;
	v16 =	vadd.s32 $0x4A25, v4  }
0x1cc: {  	v23 =	vld.idx.msk [tilespmem:v10+s25+$0x0 ss:$0x1], $0xffff;
	v22 =	vadd.s32 $0x3018, v5;
	v13 =	vadd.f32 v13, v18;
	[tilespmem:v0+s21+$0x3080 ss:$0x1] =	vst.idx.msk $0xffff, v11  }
0x1cd: {  	v11 =	vadd.s32 $0x3018, v6;
	v18 =	vld.idx.msk [tilespmem:v19+s3+$0x0], $0xffff  }
0x1ce: {  	v19 =	vadd.s32 $0x160B, v7;
	v12 =	vadd.f32 v12, v17;
	[tilespmem:v0+s22+$0x2200 ss:$0x1] =	vst.idx.msk $0xffff, v13;
	v13 =	vld.idx.msk [tilespmem:v14+s12+$0x0], $0xffff  }
0x1cf: {  	v14 =	vadd.s32 $0x160B, v8;
	v17 =	vld.idx.msk [tilespmem:v21+s3+$0x0], $0xffff;
	v15 =	vadd.f32 v15, v20  }
0x1d0: {  	[tilespmem:v0+s23+$0x1380 ss:$0x1] =	vst.idx.msk $0xffff, v12;
	v12 =	vld.idx.msk [tilespmem:v16+s12+$0x0], $0xffff  }
0x1d1: {  	v16 =	vld.idx.msk [tilespmem:v22+s3+$0x0], $0xffff;
	[tilespmem:v0+s24+$0x900 ss:$0x1] =	vst.idx.msk $0xffff, v15;
	v15 =	vadd.s32 $0x6633, v2  }
0x1d2: {  	v20 =	vadd.s32 $0x6633, v1;
	v11 =	vld.idx.msk [tilespmem:v11+s12+$0x0], $0xffff  }
0x1d3: {  	v21 =	vadd.s32 $0x4C26, v3;
	v19 =	vld.idx.msk [tilespmem:v19+s3+$0x0], $0xffff;
	v13 =	vadd.f32 v13, v18  }
0x1d4: {  	v22 =	vadd.s32 $0x4C26, v4;
	v14 =	vld.idx.msk [tilespmem:v14+s12+$0x0], $0xffff  }
0x1d5: {  	v24 =	vadd.s32 $0x3219, v5;
	v18 =	vld.idx.msk [tilespmem:v9+s25+$0x0 ss:$0x1], $0xffff;
	v12 =	vadd.f32 v12, v17;
	[tilespmem:v0+s21+$0x3100 ss:$0x1] =	vst.idx.msk $0xffff, v13  }
0x1d6: {  	v13 =	vadd.s32 $0x3219, v6;
	v15 =	vld.idx.msk [tilespmem:v15+s3+$0x0], $0xffff  }
0x1d7: {  	v17 =	vadd.s32 $0x180C, v7;
	v11 =	vadd.f32 v11, v16;
	[tilespmem:v0+s22+$0x2280 ss:$0x1] =	vst.idx.msk $0xffff, v12;
	v12 =	vld.idx.msk [tilespmem:v20+s12+$0x0], $0xffff  }
0x1d8: {  	v16 =	vadd.s32 $0x180C, v8;
	v20 =	vld.idx.msk [tilespmem:v21+s3+$0x0], $0xffff  }
0x1d9: {  	v14 =	vadd.f32 v14, v19;
	[tilespmem:v0+s23+$0x1800 ss:$0x1] =	vst.idx.msk $0xffff, v11;
	v11 =	vld.idx.msk [tilespmem:v22+s12+$0x0], $0xffff  }
0x1da: {  	v21 =	vadd.s32 $0x6834, v2;
	v19 =	vld.idx.msk [tilespmem:v24+s3+$0x0], $0xffff  }
0x1db: {  	[tilespmem:v0+s24+$0x980 ss:$0x1] =	vst.idx.msk $0xffff, v14;
	v13 =	vld.idx.msk [tilespmem:v13+s12+$0x0], $0xffff;
	v14 =	vadd.s32 $0x6834, v1  }
0x1dc: {  	v22 =	vadd.s32 $0x4E27, v3;
	v17 =	vld.idx.msk [tilespmem:v17+s3+$0x0], $0xffff;
	v12 =	vadd.f32 v12, v15  }
0x1dd: {  	v15 =	vld.idx.msk [tilespmem:v16+s12+$0x0], $0xffff;
	v16 =	vadd.s32 $0x4E27, v4  }
0x1de: {  	v24 =	vadd.s32 $0x341A, v5;
	v11 =	vadd.f32 v11, v20;
	[tilespmem:v0+s21+$0x3180 ss:$0x1] =	vst.idx.msk $0xffff, v12  }
0x1df: {  	v20 =	vadd.s32 $0x341A, v6;
	v21 =	vld.idx.msk [tilespmem:v21+s3+$0x0], $0xffff  }
0x1e0: {  	v25 =	vadd.s32 $0x1A0D, v7;
	vm14 =	vgt.s32 v18, $0x0;
	v13 =	vadd.f32 v13, v19;
	[tilespmem:v0+s22+$0x2300 ss:$0x1] =	vst.idx.msk $0xffff, v11;
	v14 =	vld.idx.msk [tilespmem:v14+s12+$0x0], $0xffff  }
0x1e1: {  	vm15 =	vgt.s32 v23, $0x0;
	v11 =	vnsel vm14, $0x0, v18;
	v18 =	vadd.s32 $0x1A0D, v8;
	v19 =	vld.idx.msk [tilespmem:v22+s3+$0x0], $0xffff  }
0x1e2: {  	v12 =	vmin.u32 v11, $0x200;
	v11 =	vnsel vm15, $0x0, v23;
	v15 =	vadd.f32 v15, v17;
	[tilespmem:v0+s23+$0x1880 ss:$0x1] =	vst.idx.msk $0xffff, v13;
	v13 =	vld.idx.msk [tilespmem:v16+s12+$0x0], $0xffff  }
0x1e3: {  	v11 =	vmin.u32 v11, $0x200;
	v16 =	vld.idx.msk [tilespmem:v24+s3+$0x0], $0xffff  }
0x1e4: {  	v17 =	vadd.s32 $0x6A35, v2;
	[tilespmem:v0+s24+$0xA00 ss:$0x1] =	vst.idx.msk $0xffff, v15;
	v15 =	vld.idx.msk [tilespmem:v20+s12+$0x0], $0xffff  }
0x1e5: {  	v22 =	vadd.s32 $0x6A35, v1;
	v20 =	vld.idx.msk [tilespmem:v25+s3+$0x0], $0xffff  }
0x1e6: {  	v23 =	vadd.s32 $0x5028, v3;
	v18 =	vld.idx.msk [tilespmem:v18+s12+$0x0], $0xffff;
	v14 =	vadd.f32 v14, v21  }
0x1e7: {  	v24 =	vadd.s32 $0x5028, v4;
	v21 =	vld.idx.msk [tilespmem:v12+s3+$0x0], $0xffff  }
0x1e8: {  	v26 =	vadd.s32 $0x361B, v5;
	v25 =	vld.idx.msk [tilespmem:v11+s12+$0x0], $0xffff;
	v13 =	vadd.f32 v13, v19;
	[tilespmem:v0+s21+$0x3200 ss:$0x1] =	vst.idx.msk $0xffff, v14  }
0x1e9: {  	v14 =	vadd.s32 $0x361B, v6;
	v17 =	vld.idx.msk [tilespmem:v17+s3+$0x0], $0xffff  }
0x1ea: {  	v19 =	vadd.s32 $0x1C0E, v7;
	v15 =	vadd.f32 v15, v16;
	[tilespmem:v0+s22+$0x2380 ss:$0x1] =	vst.idx.msk $0xffff, v13;
	v13 =	vld.idx.msk [tilespmem:v22+s12+$0x0], $0xffff  }
0x1eb: {  	v16 =	vadd.s32 $0x1C0E, v8;
	v22 =	vld.idx.msk [tilespmem:v23+s3+$0x0], $0xffff  }
0x1ec: {  	v23 =	vadd.s32 $0x201, v12;
	v18 =	vadd.f32 v18, v20;
	[tilespmem:v0+s23+$0x1900 ss:$0x1] =	vst.idx.msk $0xffff, v15;
	v15 =	vld.idx.msk [tilespmem:v24+s12+$0x0], $0xffff  }
0x1ed: {  	v20 =	vadd.s32 $0x201, v11;
	v24 =	vld.idx.msk [tilespmem:v26+s3+$0x0], $0xffff  }
0x1ee: {  	v21 =	vadd.f32 v25, v21;
	[tilespmem:v0+s24+$0xA80 ss:$0x1] =	vst.idx.msk $0xffff, v18;
	v14 =	vld.idx.msk [tilespmem:v14+s12+$0x0], $0xffff;
	v18 =	vadd.s32 $0x6C36, v2  }
0x1ef: {  	v25 =	vadd.s32 $0x6C36, v1;
	v19 =	vld.idx.msk [tilespmem:v19+s3+$0x0], $0xffff  }
0x1f0: {  	[tilespmem:v0+s25+$0x0 ss:$0x1] =	vst.idx.msk $0xffff, v21;
	v16 =	vld.idx.msk [tilespmem:v16+s12+$0x0], $0xffff;
	v21 =	vadd.s32 $0x5229, v3;
	v13 =	vadd.f32 v13, v17  }
0x1f1: {  	v17 =	vld.idx.msk [tilespmem:v23+s3+$0x0], $0xffff;
	v23 =	vadd.s32 $0x5229, v4  }
0x1f2: {  	v26 =	vadd.s32 $0x381C, v5;
	v20 =	vld.idx.msk [tilespmem:v20+s12+$0x0], $0xffff;
	v15 =	vadd.f32 v15, v22;
	[tilespmem:v0+s21+$0x3280 ss:$0x1] =	vst.idx.msk $0xffff, v13  }
0x1f3: {  	v13 =	vadd.s32 $0x381C, v6;
	v18 =	vld.idx.msk [tilespmem:v18+s3+$0x0], $0xffff  }
0x1f4: {  	v22 =	vadd.s32 $0x1E0F, v7;
	v14 =	vadd.f32 v14, v24;
	[tilespmem:v0+s22+$0x2800 ss:$0x1] =	vst.idx.msk $0xffff, v15;
	v15 =	vld.idx.msk [tilespmem:v25+s12+$0x0], $0xffff  }
0x1f5: {  	v24 =	vadd.s32 $0x1E0F, v8;
	v21 =	vld.idx.msk [tilespmem:v21+s3+$0x0], $0xffff  }
0x1f6: {  	v25 =	vadd.s32 $0x402, v12;
	v16 =	vadd.f32 v16, v19;
	[tilespmem:v0+s23+$0x1980 ss:$0x1] =	vst.idx.msk $0xffff, v14;
	v14 =	vld.idx.msk [tilespmem:v23+s12+$0x0], $0xffff  }
0x1f7: {  	v19 =	vadd.s32 $0x402, v11;
	v23 =	vld.idx.msk [tilespmem:v26+s3+$0x0], $0xffff  }
0x1f8: {  	v17 =	vadd.f32 v20, v17;
	[tilespmem:v0+s24+$0xB00 ss:$0x1] =	vst.idx.msk $0xffff, v16;
	v13 =	vld.idx.msk [tilespmem:v13+s12+$0x0], $0xffff;
	v16 =	vadd.s32 $0x6E37, v2  }
0x1f9: {  	v20 =	vld.idx.msk [tilespmem:v22+s3+$0x0], $0xffff;
	v22 =	vadd.s32 $0x6E37, v1  }
0x1fa: {  	[tilespmem:v0+s25+$0x80 ss:$0x1] =	vst.idx.msk $0xffff, v17;
	v17 =	vld.idx.msk [tilespmem:v24+s12+$0x0], $0xffff;
	v24 =	vadd.s32 $0x542A, v3;
	v15 =	vadd.f32 v15, v18  }
0x1fb: {  	v18 =	vld.idx.msk [tilespmem:v25+s3+$0x0], $0xffff;
	v25 =	vadd.s32 $0x542A, v4  }
0x1fc: {  	v26 =	vadd.s32 $0x3A1D, v5;
	v19 =	vld.idx.msk [tilespmem:v19+s12+$0x0], $0xffff;
	v14 =	vadd.f32 v14, v21;
	[tilespmem:v0+s21+$0x3300 ss:$0x1] =	vst.idx.msk $0xffff, v15  }
0x1fd: {  	v15 =	vadd.s32 $0x3A1D, v6;
	v16 =	vld.idx.msk [tilespmem:v16+s3+$0x0], $0xffff  }
0x1fe: {  	v21 =	vadd.s32 $0x2010, v7;
	v13 =	vadd.f32 v13, v23;
	[tilespmem:v0+s22+$0x2880 ss:$0x1] =	vst.idx.msk $0xffff, v14;
	v14 =	vld.idx.msk [tilespmem:v22+s12+$0x0], $0xffff  }
0x1ff: {  	v22 =	vadd.s32 $0x2010, v8;
	v23 =	vld.idx.msk [tilespmem:v24+s3+$0x0], $0xffff  }
0x200: {  	v17 =	vadd.f32 v17, v20;
	v24 =	vadd.s32 $0x603, v12;
	[tilespmem:v0+s23+$0x1A00 ss:$0x1] =	vst.idx.msk $0xffff, v13;
	v13 =	vld.idx.msk [tilespmem:v25+s12+$0x0], $0xffff  }
0x201: {  	v20 =	vadd.s32 $0x603, v11;
	v25 =	vld.idx.msk [tilespmem:v26+s3+$0x0], $0xffff  }
0x202: {  	v18 =	vadd.f32 v19, v18;
	[tilespmem:v0+s24+$0xB80 ss:$0x1] =	vst.idx.msk $0xffff, v17;
	v17 =	vadd.s32 $0x7038, v2;
	v15 =	vld.idx.msk [tilespmem:v15+s12+$0x0], $0xffff  }
0x203: {  	v19 =	vld.idx.msk [tilespmem:v21+s3+$0x0], $0xffff;
	v21 =	vadd.s32 $0x7038, v1  }
0x204: {  	[tilespmem:v0+s25+$0x100 ss:$0x1] =	vst.idx.msk $0xffff, v18;
	v18 =	vld.idx.msk [tilespmem:v22+s12+$0x0], $0xffff;
	v22 =	vadd.s32 $0x562B, v3;
	v14 =	vadd.f32 v14, v16  }
0x205: {  	v16 =	vld.idx.msk [tilespmem:v24+s3+$0x0], $0xffff;
	v24 =	vadd.s32 $0x562B, v4  }
0x206: {  	v26 =	vadd.s32 $0x3C1E, v5;
	v20 =	vld.idx.msk [tilespmem:v20+s12+$0x0], $0xffff;
	v13 =	vadd.f32 v13, v23;
	[tilespmem:v0+s21+$0x3380 ss:$0x1] =	vst.idx.msk $0xffff, v14  }
0x207: {  	v14 =	vadd.s32 $0x3C1E, v6;
	v17 =	vld.idx.msk [tilespmem:v17+s3+$0x0], $0xffff  }
0x208: {  	v23 =	vadd.s32 $0x2211, v7;
	v15 =	vadd.f32 v15, v25;
	[tilespmem:v0+s22+$0x2900 ss:$0x1] =	vst.idx.msk $0xffff, v13;
	v13 =	vld.idx.msk [tilespmem:v21+s12+$0x0], $0xffff  }
0x209: {  	v21 =	vadd.s32 $0x2211, v8;
	v22 =	vld.idx.msk [tilespmem:v22+s3+$0x0], $0xffff  }
0x20a: {  	v25 =	vadd.s32 $0x804, v12;
	v18 =	vadd.f32 v18, v19;
	[tilespmem:v0+s23+$0x1A80 ss:$0x1] =	vst.idx.msk $0xffff, v15;
	v15 =	vld.idx.msk [tilespmem:v24+s12+$0x0], $0xffff  }
0x20b: {  	v19 =	vadd.s32 $0x804, v11;
	v24 =	vld.idx.msk [tilespmem:v26+s3+$0x0], $0xffff  }
0x20c: {  	v16 =	vadd.f32 v20, v16;
	[tilespmem:v0+s24+$0x1000 ss:$0x1] =	vst.idx.msk $0xffff, v18;
	v14 =	vld.idx.msk [tilespmem:v14+s12+$0x0], $0xffff;
	v18 =	vadd.s32 $0x7239, v2  }
0x20d: {  	v20 =	vld.idx.msk [tilespmem:v23+s3+$0x0], $0xffff;
	v23 =	vadd.s32 $0x7239, v1  }
0x20e: {  	[tilespmem:v0+s25+$0x180 ss:$0x1] =	vst.idx.msk $0xffff, v16;
	v21 =	vld.idx.msk [tilespmem:v21+s12+$0x0], $0xffff;
	v16 =	vadd.s32 $0x582C, v3;
	v13 =	vadd.f32 v13, v17  }
0x20f: {  	v17 =	vadd.s32 $0x582C, v4;
	v25 =	vld.idx.msk [tilespmem:v25+s3+$0x0], $0xffff  }
0x210: {  	v26 =	vadd.s32 $0x3E1F, v5;
	v19 =	vld.idx.msk [tilespmem:v19+s12+$0x0], $0xffff;
	[tilespmem:v0+s21+$0x3800 ss:$0x1] =	vst.idx.msk $0xffff, v13;
	v15 =	vadd.f32 v15, v22  }
0x211: {  	v13 =	vadd.s32 $0x3E1F, v6;
	v27 =	vld.idx.msk [tilespmem:v18+s3+$0x0], $0xffff  }
0x212: {  	v18 =	vadd.s32 $0x2412, v7;
	v14 =	vadd.f32 v14, v24;
	[tilespmem:v0+s22+$0x2980 ss:$0x1] =	vst.idx.msk $0xffff, v15;
	v15 =	vld.idx.msk [tilespmem:v23+s12+$0x0], $0xffff  }
0x213: {  	v23 =	vadd.s32 $0x2412, v8;
	v16 =	vld.idx.msk [tilespmem:v16+s3+$0x0], $0xffff  }
0x214: {  	v24 =	vadd.s32 $0xA05, v12;
	v21 =	vadd.f32 v21, v20;
	[tilespmem:v0+s23+$0x1B00 ss:$0x1] =	vst.idx.msk $0xffff, v14;
	v17 =	vld.idx.msk [tilespmem:v17+s12+$0x0], $0xffff  }
0x215: {  	v20 =	vld.idx.msk [tilespmem:v26+s3+$0x0], $0xffff;
	v19 =	vadd.f32 v19, v25;
	v25 =	vadd.s32 $0xA05, v11  }
0x216: {  	s1 =	sshll.u32 s20, $0xA;
	v14 =	vadd.s32 $0x743A, v2;
	[tilespmem:v0+s24+$0x1080 ss:$0x1] =	vst.idx.msk $0xffff, v21;
	v21 =	vld.idx.msk [tilespmem:v13+s12+$0x0], $0xffff  }
0x217: {  	s14 =	simm.s32 $0x140;
	s31 =	sor.u32 $0x11900, s1;
	s29 =	sor.u32 $0x12100, s1;
	v13 =	vadd.s32 $0x743A, v1;
	v22 =	vld.idx.msk [tilespmem:v18+s3+$0x0], $0xffff  }
0x218: {  	s30 =	sor.u32 $0x12900, s1;
	s28 =	sor.u32 $0x13100, s1;
	s26 =	sor.u32 $0x13900, s1;
	[tilespmem:v0+s25+$0x200 ss:$0x1] =	vst.idx.msk $0xffff, v19;
	v18 =	vadd.s32 $0x5A2D, v3;
	v23 =	vld.idx.msk [tilespmem:v23+s12+$0x0], $0xffff;
	v15 =	vadd.f32 v15, v27  }
0x219: {  	s13 =	sor.u32 $0x14100, s1;
	s0 =	sor.u32 $0x11100, s1;
	s1 =	sor.u32 $0x14900, s1;
	v19 =	vadd.s32 $0x5A2D, v4;
	v24 =	vld.idx.msk [tilespmem:v24+s3+$0x0], $0xffff  }
.LBB2_3:
0x21a: {  	p1 =	sne.s32 s14, $0x1C0;
	v25 =	vld.idx.msk [tilespmem:v25+s12+$0x0], $0xffff;
	v26 =	vadd.s32 $0x4020, v5;
	v16 =	vadd.f32 v17, v16;
	[tilespmem:v0+s21+$0x3880 ss:$0x1] =	vst.idx.msk $0xffff, v15  }
0x21b: {  	v15 =	vadd.s32 $0x4020, v6;
	v14 =	vld.idx.msk [tilespmem:v14+s3+$0x0], $0xffff  }
0x21c: {  	v17 =	vadd.s32 $0x2613, v7;
	v20 =	vadd.f32 v21, v20;
	[tilespmem:v0+s22+$0x2A00 ss:$0x1] =	vst.idx.msk $0xffff, v16;
	v13 =	vld.idx.msk [tilespmem:v13+s12+$0x0], $0xffff  }
0x21d: {  	v16 =	vadd.s32 $0x2613, v8;
	v18 =	vld.idx.msk [tilespmem:v18+s3+$0x0], $0xffff  }
0x21e: {  	v21 =	vadd.s32 $0xC06, v12;
	v22 =	vadd.f32 v23, v22;
	[tilespmem:v0+s23+$0x1B80 ss:$0x1] =	vst.idx.msk $0xffff, v20;
	v19 =	vld.idx.msk [tilespmem:v19+s12+$0x0], $0xffff  }
0x21f: {  	v20 =	vadd.s32 $0xC06, v11;
	v23 =	vld.idx.msk [tilespmem:v26+s3+$0x0], $0xffff  }
0x220: {  	v24 =	vadd.f32 v25, v24;
	[tilespmem:v0+s24+$0x1100 ss:$0x1] =	vst.idx.msk $0xffff, v22;
	v15 =	vld.idx.msk [tilespmem:v15+s12+$0x0], $0xffff;
	v22 =	vadd.s32 $0x763B, v2  }
0x221: {  	v25 =	vadd.s32 $0x763B, v1;
	v17 =	vld.idx.msk [tilespmem:v17+s3+$0x0], $0xffff  }
0x222: {  	v13 =	vadd.f32 v13, v14;
	[tilespmem:v0+s25+$0x280 ss:$0x1] =	vst.idx.msk $0xffff, v24;
	v16 =	vld.idx.msk [tilespmem:v16+s12+$0x0], $0xffff;
	v24 =	vadd.s32 $0x5C2E, v3  }
0x223: {  	v14 =	vld.idx.msk [tilespmem:v21+s3+$0x0], $0xffff;
	v21 =	vadd.s32 $0x5C2E, v4  }
0x224: {  	v26 =	vadd.s32 $0x4221, v5;
	v18 =	vadd.f32 v19, v18;
	v20 =	vld.idx.msk [tilespmem:v20+s12+$0x0], $0xffff;
	[tilespmem:v0+s21+$0x3900 ss:$0x1] =	vst.idx.msk $0xffff, v13  }
0x225: {  	v13 =	vadd.s32 $0x4221, v6;
	v19 =	vld.idx.msk [tilespmem:v22+s3+$0x0], $0xffff  }
0x226: {  	v22 =	vadd.s32 $0x2814, v7;
	v15 =	vadd.f32 v15, v23;
	[tilespmem:v0+s22+$0x2A80 ss:$0x1] =	vst.idx.msk $0xffff, v18;
	v18 =	vld.idx.msk [tilespmem:v25+s12+$0x0], $0xffff  }
0x227: {  	v23 =	vadd.s32 $0x2814, v8;
	v24 =	vld.idx.msk [tilespmem:v24+s3+$0x0], $0xffff  }
0x228: {  	v25 =	vadd.s32 $0xE07, v12;
	v16 =	vadd.f32 v16, v17;
	[tilespmem:v0+s23+$0x2000 ss:$0x1] =	vst.idx.msk $0xffff, v15;
	v15 =	vld.idx.msk [tilespmem:v21+s12+$0x0], $0xffff  }
0x229: {  	v17 =	vadd.s32 $0xE07, v11;
	v21 =	vld.idx.msk [tilespmem:v26+s3+$0x0], $0xffff  }
0x22a: {  	v14 =	vadd.f32 v20, v14;
	[tilespmem:v0+s24+$0x1180 ss:$0x1] =	vst.idx.msk $0xffff, v16;
	v13 =	vld.idx.msk [tilespmem:v13+s12+$0x0], $0xffff;
	v16 =	vadd.s32 $0x783C, v2  }
0x22b: {  	v20 =	vld.idx.msk [tilespmem:v22+s3+$0x0], $0xffff;
	v22 =	vadd.s32 $0x783C, v1  }
0x22c: {  	v18 =	vadd.f32 v18, v19;
	[tilespmem:v0+s25+$0x300 ss:$0x1] =	vst.idx.msk $0xffff, v14;
	v14 =	vld.idx.msk [tilespmem:v23+s12+$0x0], $0xffff;
	v23 =	vadd.s32 $0x5E2F, v3  }
0x22d: {  	v19 =	vld.idx.msk [tilespmem:v25+s3+$0x0], $0xffff;
	v25 =	vadd.s32 $0x5E2F, v4  }
0x22e: {  	v26 =	vadd.s32 $0x4422, v5;
	v15 =	vadd.f32 v15, v24;
	v17 =	vld.idx.msk [tilespmem:v17+s12+$0x0], $0xffff;
	[tilespmem:v0+s21+$0x3980 ss:$0x1] =	vst.idx.msk $0xffff, v18  }
0x22f: {  	v18 =	vadd.s32 $0x4422, v6;
	v16 =	vld.idx.msk [tilespmem:v16+s3+$0x0], $0xffff  }
0x230: {  	v24 =	vadd.s32 $0x2A15, v7;
	v13 =	vadd.f32 v13, v21;
	[tilespmem:v0+s22+$0x2B00 ss:$0x1] =	vst.idx.msk $0xffff, v15;
	v15 =	vld.idx.msk [tilespmem:v22+s12+$0x0], $0xffff  }
0x231: {  	v21 =	vadd.s32 $0x2A15, v8;
	v22 =	vld.idx.msk [tilespmem:v23+s3+$0x0], $0xffff  }
0x232: {  	v23 =	vadd.s32 $0x1008, v12;
	v14 =	vadd.f32 v14, v20;
	[tilespmem:v0+s23+$0x2080 ss:$0x1] =	vst.idx.msk $0xffff, v13;
	v13 =	vld.idx.msk [tilespmem:v25+s12+$0x0], $0xffff  }
0x233: {  	v20 =	vadd.s32 $0x1008, v11;
	v25 =	vld.idx.msk [tilespmem:v26+s3+$0x0], $0xffff  }
0x234: {  	v17 =	vadd.f32 v17, v19;
	[tilespmem:v0+s24+$0x1200 ss:$0x1] =	vst.idx.msk $0xffff, v14;
	v14 =	vld.idx.msk [tilespmem:v18+s12+$0x0], $0xffff;
	v18 =	vadd.s32 $0x7A3D, v2  }
0x235: {  	v19 =	vld.idx.msk [tilespmem:v24+s3+$0x0], $0xffff;
	v24 =	vadd.s32 $0x7A3D, v1  }
0x236: {  	v15 =	vadd.f32 v15, v16;
	[tilespmem:v0+s25+$0x380 ss:$0x1] =	vst.idx.msk $0xffff, v17;
	v17 =	vld.idx.msk [tilespmem:v21+s12+$0x0], $0xffff;
	v21 =	vadd.s32 $0x6030, v3  }
0x237: {  	v16 =	vld.idx.msk [tilespmem:v23+s3+$0x0], $0xffff;
	v23 =	vadd.s32 $0x6030, v4  }
0x238: {  	v26 =	vadd.s32 $0x4623, v5;
	v13 =	vadd.f32 v13, v22;
	v20 =	vld.idx.msk [tilespmem:v20+s12+$0x0], $0xffff;
	[tilespmem:v0+s21+$0x3A00 ss:$0x1] =	vst.idx.msk $0xffff, v15  }
0x239: {  	v15 =	vadd.s32 $0x4623, v6;
	v18 =	vld.idx.msk [tilespmem:v18+s3+$0x0], $0xffff  }
0x23a: {  	v22 =	vadd.s32 $0x2C16, v7;
	v14 =	vadd.f32 v14, v25;
	[tilespmem:v0+s22+$0x2B80 ss:$0x1] =	vst.idx.msk $0xffff, v13;
	v13 =	vld.idx.msk [tilespmem:v24+s12+$0x0], $0xffff  }
0x23b: {  	v24 =	vadd.s32 $0x2C16, v8;
	v21 =	vld.idx.msk [tilespmem:v21+s3+$0x0], $0xffff  }
0x23c: {  	v25 =	vadd.s32 $0x1209, v12;
	v17 =	vadd.f32 v17, v19;
	[tilespmem:v0+s23+$0x2100 ss:$0x1] =	vst.idx.msk $0xffff, v14;
	v14 =	vld.idx.msk [tilespmem:v23+s12+$0x0], $0xffff  }
0x23d: {  	v19 =	vadd.s32 $0x1209, v11;
	v23 =	vld.idx.msk [tilespmem:v26+s3+$0x0], $0xffff  }
0x23e: {  	v16 =	vadd.f32 v20, v16;
	[tilespmem:v0+s24+$0x1280 ss:$0x1] =	vst.idx.msk $0xffff, v17;
	v15 =	vld.idx.msk [tilespmem:v15+s12+$0x0], $0xffff;
	v17 =	vadd.s32 $0x7C3E, v2  }
0x23f: {  	v20 =	vld.idx.msk [tilespmem:v22+s3+$0x0], $0xffff;
	v22 =	vadd.s32 $0x7C3E, v1  }
0x240: {  	v13 =	vadd.f32 v13, v18;
	[tilespmem:v0+s25+$0x800 ss:$0x1] =	vst.idx.msk $0xffff, v16;
	v16 =	vld.idx.msk [tilespmem:v24+s12+$0x0], $0xffff;
	v24 =	vadd.s32 $0x6231, v3  }
0x241: {  	v18 =	vld.idx.msk [tilespmem:v25+s3+$0x0], $0xffff;
	v25 =	vadd.s32 $0x6231, v4  }
0x242: {  	v26 =	vadd.s32 $0x4824, v5;
	v14 =	vadd.f32 v14, v21;
	v19 =	vld.idx.msk [tilespmem:v19+s12+$0x0], $0xffff;
	[tilespmem:v0+s21+$0x3A80 ss:$0x1] =	vst.idx.msk $0xffff, v13  }
0x243: {  	v13 =	vadd.s32 $0x4824, v6;
	v17 =	vld.idx.msk [tilespmem:v17+s3+$0x0], $0xffff  }
0x244: {  	v21 =	vadd.s32 $0x2E17, v7;
	v15 =	vadd.f32 v15, v23;
	[tilespmem:v0+s22+$0x3000 ss:$0x1] =	vst.idx.msk $0xffff, v14;
	v14 =	vld.idx.msk [tilespmem:v22+s12+$0x0], $0xffff  }
0x245: {  	v22 =	vadd.s32 $0x2E17, v8;
	v23 =	vld.idx.msk [tilespmem:v24+s3+$0x0], $0xffff  }
0x246: {  	v24 =	vadd.s32 $0x140A, v12;
	v16 =	vadd.f32 v16, v20;
	[tilespmem:v0+s23+$0x2180 ss:$0x1] =	vst.idx.msk $0xffff, v15;
	v15 =	vld.idx.msk [tilespmem:v25+s12+$0x0], $0xffff  }
0x247: {  	v20 =	vadd.s32 $0x140A, v11;
	v25 =	vld.idx.msk [tilespmem:v26+s3+$0x0], $0xffff  }
0x248: {  	v18 =	vadd.f32 v19, v18;
	[tilespmem:v0+s24+$0x1300 ss:$0x1] =	vst.idx.msk $0xffff, v16;
	v13 =	vld.idx.msk [tilespmem:v13+s12+$0x0], $0xffff;
	v16 =	vadd.s32 $0x7E3F, v2;
	v2 =	vmov v3  }
0x249: {  	v3 =	vmovc v5;
	v5 =	vmovc v7;
	v7 =	vmov v12;
	v19 =	vld.idx.msk [tilespmem:v21+s3+$0x0], $0xffff;
	v21 =	vadd.s32 $0x7E3F, v1;
	v1 =	vmov v4  }
0x24a: {  	v14 =	vadd.f32 v14, v17;
	v4 =	vmov v6;
	[tilespmem:v0+s25+$0x880 ss:$0x1] =	vst.idx.msk $0xffff, v18;
	v12 =	vld.idx.msk [tilespmem:v22+s12+$0x0], $0xffff;
	v18 =	vadd.s32 $0x6432, v2  }
0x24b: {  	v6 =	vmov v8;
	v8 =	vmov v11;
	v22 =	vadd.s32 $0x6432, v1;
	v17 =	vld.idx.msk [tilespmem:v24+s3+$0x0], $0xffff  }
0x24c: {  	v15 =	vadd.f32 v15, v23;
	v11 =	vld.idx.msk [tilespmem:v20+s12+$0x0], $0xffff;
	v20 =	vadd.s32 $0x4A25, v3;
	[tilespmem:v0+s21+$0x3B00 ss:$0x1] =	vst.idx.msk $0xffff, v14  }
0x24d: {  	v14 =	vadd.s32 $0x4A25, v4;
	v16 =	vld.idx.msk [tilespmem:v16+s3+$0x0], $0xffff  }
0x24e: {  	v23 =	vadd.s32 $0x3018, v5;
	v13 =	vadd.f32 v13, v25;
	[tilespmem:v0+s22+$0x3080 ss:$0x1] =	vst.idx.msk $0xffff, v15;
	v15 =	vld.idx.msk [tilespmem:v21+s12+$0x0], $0xffff  }
0x24f: {  	v21 =	vadd.s32 $0x3018, v6;
	v18 =	vld.idx.msk [tilespmem:v18+s3+$0x0], $0xffff  }
0x250: {  	v24 =	vadd.s32 $0x160B, v7;
	v12 =	vadd.f32 v12, v19;
	[tilespmem:v0+s23+$0x2200 ss:$0x1] =	vst.idx.msk $0xffff, v13;
	v13 =	vld.idx.msk [tilespmem:v22+s12+$0x0], $0xffff  }
0x251: {  	v19 =	vadd.s32 $0x160B, v8;
	v20 =	vld.idx.msk [tilespmem:v20+s3+$0x0], $0xffff  }
0x252: {  	v11 =	vadd.f32 v11, v17;
	[tilespmem:v0+s24+$0x1380 ss:$0x1] =	vst.idx.msk $0xffff, v12;
	v12 =	vld.idx.msk [tilespmem:v14+s12+$0x0], $0xffff  }
0x253: {  	v14 =	vld.idx.msk [tilespmem:v23+s3+$0x0], $0xffff  }
0x254: {  	v17 =	vadd.s32 $0x6633, v2;
	v15 =	vadd.f32 v15, v16;
	[tilespmem:v0+s25+$0x900 ss:$0x1] =	vst.idx.msk $0xffff, v11;
	v11 =	vld.idx.msk [tilespmem:v21+s12+$0x0], $0xffff  }
0x255: {  	v21 =	vadd.s32 $0x6633, v1;
	v16 =	vld.idx.msk [tilespmem:v24+s3+$0x0], $0xffff  }
0x256: {  	s4 =	sshra.s32 s14, $0x2;
	v22 =	vadd.s32 $0x4C26, v3;
	v13 =	vadd.f32 v13, v18;
	v19 =	vld.idx.msk [tilespmem:v19+s12+$0x0], $0xffff;
	[tilespmem:v0+s21+$0x3B80 ss:$0x1] =	vst.idx.msk $0xffff, v15;
	s21 =	smov.u32 s22;
	s22 =	smov.u32 s23  }
0x257: {  	v18 =	vadd.s32 $0x4C26, v4;
	s23 =	smov.u32 s24;
	s24 =	smov.u32 s25;
	s25 =	smov.u32 s4;
	v15 =	vld.idx.msk [tilespmem:v9+s4+$0x0 ss:$0x1], $0xffff  }
0x258: {  	v24 =	vadd.s32 $0x3219, v5;
	v12 =	vadd.f32 v12, v20;
	v23 =	vld.idx.msk [tilespmem:v10+s25+$0x0 ss:$0x1], $0xffff;
	[tilespmem:v0+s21+$0x3100 ss:$0x1] =	vst.idx.msk $0xffff, v13  }
0x259: {  	v13 =	vadd.s32 $0x3219, v6;
	v17 =	vld.idx.msk [tilespmem:v17+s3+$0x0], $0xffff  }
0x25a: {  	v20 =	vadd.s32 $0x180C, v7;
	v11 =	vadd.f32 v11, v14;
	[tilespmem:v0+s22+$0x2280 ss:$0x1] =	vst.idx.msk $0xffff, v12;
	v12 =	vld.idx.msk [tilespmem:v21+s12+$0x0], $0xffff  }
0x25b: {  	v14 =	vadd.s32 $0x180C, v8;
	v21 =	vld.idx.msk [tilespmem:v22+s3+$0x0], $0xffff  }
0x25c: {  	v16 =	vadd.f32 v19, v16;
	[tilespmem:v0+s23+$0x1800 ss:$0x1] =	vst.idx.msk $0xffff, v11;
	v11 =	vld.idx.msk [tilespmem:v18+s12+$0x0], $0xffff  }
0x25d: {  	v18 =	vld.idx.msk [tilespmem:v24+s3+$0x0], $0xffff  }
0x25e: {  	[tilespmem:v0+s24+$0x980 ss:$0x1] =	vst.idx.msk $0xffff, v16;
	v13 =	vld.idx.msk [tilespmem:v13+s12+$0x0], $0xffff;
	v16 =	vadd.s32 $0x6834, v2  }
0x25f: {  	v19 =	vld.idx.msk [tilespmem:v20+s3+$0x0], $0xffff;
	v20 =	vadd.s32 $0x6834, v1  }
0x260: {  	v22 =	vadd.s32 $0x4E27, v3;
	v12 =	vadd.f32 v12, v17;
	v14 =	vld.idx.msk [tilespmem:v14+s12+$0x0], $0xffff  }
0x261: {  	v17 =	vadd.s32 $0x4E27, v4  }
0x262: {  	v24 =	vadd.s32 $0x341A, v5;
	v11 =	vadd.f32 v11, v21;
	[tilespmem:v0+s21+$0x3180 ss:$0x1] =	vst.idx.msk $0xffff, v12  }
0x263: {  	v21 =	vadd.s32 $0x341A, v6;
	v16 =	vld.idx.msk [tilespmem:v16+s3+$0x0], $0xffff  }
0x264: {  	v25 =	vadd.s32 $0x1A0D, v7;
	vm0 =	vgt.s32 v15, $0x0;
	v13 =	vadd.f32 v13, v18;
	[tilespmem:v0+s22+$0x2300 ss:$0x1] =	vst.idx.msk $0xffff, v11;
	v18 =	vld.idx.msk [tilespmem:v20+s12+$0x0], $0xffff  }
0x265: {  	v11 =	vnsel vm0, $0x0, v15;
	vm0 =	vgt.s32 v23, $0x0;
	v15 =	vadd.s32 $0x1A0D, v8;
	v20 =	vld.idx.msk [tilespmem:v22+s3+$0x0], $0xffff  }
0x266: {  	v12 =	vmin.u32 v11, $0x200;
	v11 =	vnsel vm0, $0x0, v23;
	v14 =	vadd.f32 v14, v19;
	[tilespmem:v0+s23+$0x1880 ss:$0x1] =	vst.idx.msk $0xffff, v13;
	v13 =	vld.idx.msk [tilespmem:v17+s12+$0x0], $0xffff  }
0x267: {  	v11 =	vmin.u32 v11, $0x200;
	v17 =	vld.idx.msk [tilespmem:v24+s3+$0x0], $0xffff  }
0x268: {  	v19 =	vadd.s32 $0x6A35, v2;
	[tilespmem:v0+s24+$0xA00 ss:$0x1] =	vst.idx.msk $0xffff, v14;
	v14 =	vld.idx.msk [tilespmem:v21+s12+$0x0], $0xffff  }
0x269: {  	v22 =	vadd.s32 $0x6A35, v1;
	v21 =	vld.idx.msk [tilespmem:v25+s3+$0x0], $0xffff  }
0x26a: {  	v23 =	vadd.s32 $0x5028, v3;
	v16 =	vadd.f32 v18, v16;
	v15 =	vld.idx.msk [tilespmem:v15+s12+$0x0], $0xffff  }
0x26b: {  	v24 =	vadd.s32 $0x5028, v4;
	v18 =	vld.idx.msk [tilespmem:v12+s3+$0x0], $0xffff  }
0x26c: {  	v26 =	vadd.s32 $0x361B, v5;
	v13 =	vadd.f32 v13, v20;
	v25 =	vld.idx.msk [tilespmem:v11+s12+$0x0], $0xffff;
	[tilespmem:v0+s21+$0x3200 ss:$0x1] =	vst.idx.msk $0xffff, v16  }
0x26d: {  	v16 =	vadd.s32 $0x361B, v6;
	v19 =	vld.idx.msk [tilespmem:v19+s3+$0x0], $0xffff  }
0x26e: {  	v20 =	vadd.s32 $0x1C0E, v7;
	v14 =	vadd.f32 v14, v17;
	[tilespmem:v0+s22+$0x2380 ss:$0x1] =	vst.idx.msk $0xffff, v13;
	v13 =	vld.idx.msk [tilespmem:v22+s12+$0x0], $0xffff  }
0x26f: {  	v17 =	vadd.s32 $0x1C0E, v8;
	v22 =	vld.idx.msk [tilespmem:v23+s3+$0x0], $0xffff  }
0x270: {  	v23 =	vadd.s32 $0x201, v12;
	v15 =	vadd.f32 v15, v21;
	[tilespmem:v0+s23+$0x1900 ss:$0x1] =	vst.idx.msk $0xffff, v14;
	v14 =	vld.idx.msk [tilespmem:v24+s12+$0x0], $0xffff  }
0x271: {  	v21 =	vadd.s32 $0x201, v11;
	v24 =	vld.idx.msk [tilespmem:v26+s3+$0x0], $0xffff  }
0x272: {  	v18 =	vadd.f32 v25, v18;
	[tilespmem:v0+s24+$0xA80 ss:$0x1] =	vst.idx.msk $0xffff, v15;
	v15 =	vld.idx.msk [tilespmem:v16+s12+$0x0], $0xffff;
	v16 =	vadd.s32 $0x6C36, v2  }
0x273: {  	v25 =	vadd.s32 $0x6C36, v1;
	v20 =	vld.idx.msk [tilespmem:v20+s3+$0x0], $0xffff  }
0x274: {  	v13 =	vadd.f32 v13, v19;
	[tilespmem:v0+s25+$0x0 ss:$0x1] =	vst.idx.msk $0xffff, v18;
	v17 =	vld.idx.msk [tilespmem:v17+s12+$0x0], $0xffff;
	v18 =	vadd.s32 $0x5229, v3  }
0x275: {  	v19 =	vld.idx.msk [tilespmem:v23+s3+$0x0], $0xffff;
	v23 =	vadd.s32 $0x5229, v4  }
0x276: {  	v26 =	vadd.s32 $0x381C, v5;
	v14 =	vadd.f32 v14, v22;
	v21 =	vld.idx.msk [tilespmem:v21+s12+$0x0], $0xffff;
	[tilespmem:v0+s21+$0x3280 ss:$0x1] =	vst.idx.msk $0xffff, v13  }
0x277: {  	v13 =	vadd.s32 $0x381C, v6;
	v16 =	vld.idx.msk [tilespmem:v16+s3+$0x0], $0xffff  }
0x278: {  	v22 =	vadd.s32 $0x1E0F, v7;
	v15 =	vadd.f32 v15, v24;
	[tilespmem:v0+s22+$0x2800 ss:$0x1] =	vst.idx.msk $0xffff, v14;
	v14 =	vld.idx.msk [tilespmem:v25+s12+$0x0], $0xffff  }
0x279: {  	v24 =	vadd.s32 $0x1E0F, v8;
	v18 =	vld.idx.msk [tilespmem:v18+s3+$0x0], $0xffff  }
0x27a: {  	v25 =	vadd.s32 $0x402, v12;
	v17 =	vadd.f32 v17, v20;
	[tilespmem:v0+s23+$0x1980 ss:$0x1] =	vst.idx.msk $0xffff, v15;
	v15 =	vld.idx.msk [tilespmem:v23+s12+$0x0], $0xffff  }
0x27b: {  	v20 =	vadd.s32 $0x402, v11;
	v23 =	vld.idx.msk [tilespmem:v26+s3+$0x0], $0xffff  }
0x27c: {  	v19 =	vadd.f32 v21, v19;
	[tilespmem:v0+s24+$0xB00 ss:$0x1] =	vst.idx.msk $0xffff, v17;
	v13 =	vld.idx.msk [tilespmem:v13+s12+$0x0], $0xffff;
	v17 =	vadd.s32 $0x6E37, v2  }
0x27d: {  	v21 =	vld.idx.msk [tilespmem:v22+s3+$0x0], $0xffff;
	v22 =	vadd.s32 $0x6E37, v1  }
0x27e: {  	v14 =	vadd.f32 v14, v16;
	[tilespmem:v0+s25+$0x80 ss:$0x1] =	vst.idx.msk $0xffff, v19;
	v19 =	vld.idx.msk [tilespmem:v24+s12+$0x0], $0xffff;
	v24 =	vadd.s32 $0x542A, v3  }
0x27f: {  	v16 =	vld.idx.msk [tilespmem:v25+s3+$0x0], $0xffff;
	v25 =	vadd.s32 $0x542A, v4  }
0x280: {  	v26 =	vadd.s32 $0x3A1D, v5;
	v15 =	vadd.f32 v15, v18;
	v20 =	vld.idx.msk [tilespmem:v20+s12+$0x0], $0xffff;
	[tilespmem:v0+s21+$0x3300 ss:$0x1] =	vst.idx.msk $0xffff, v14  }
0x281: {  	v14 =	vadd.s32 $0x3A1D, v6;
	v17 =	vld.idx.msk [tilespmem:v17+s3+$0x0], $0xffff  }
0x282: {  	v18 =	vadd.s32 $0x2010, v7;
	v13 =	vadd.f32 v13, v23;
	[tilespmem:v0+s22+$0x2880 ss:$0x1] =	vst.idx.msk $0xffff, v15;
	v15 =	vld.idx.msk [tilespmem:v22+s12+$0x0], $0xffff  }
0x283: {  	v22 =	vadd.s32 $0x2010, v8;
	v23 =	vld.idx.msk [tilespmem:v24+s3+$0x0], $0xffff  }
0x284: {  	v24 =	vadd.s32 $0x603, v12;
	v19 =	vadd.f32 v19, v21;
	[tilespmem:v0+s23+$0x1A00 ss:$0x1] =	vst.idx.msk $0xffff, v13;
	v13 =	vld.idx.msk [tilespmem:v25+s12+$0x0], $0xffff  }
0x285: {  	v21 =	vadd.s32 $0x603, v11;
	v25 =	vld.idx.msk [tilespmem:v26+s3+$0x0], $0xffff  }
0x286: {  	v16 =	vadd.f32 v20, v16;
	[tilespmem:v0+s24+$0xB80 ss:$0x1] =	vst.idx.msk $0xffff, v19;
	v14 =	vld.idx.msk [tilespmem:v14+s12+$0x0], $0xffff;
	v19 =	vadd.s32 $0x7038, v2  }
0x287: {  	v20 =	vadd.s32 $0x7038, v1;
	v18 =	vld.idx.msk [tilespmem:v18+s3+$0x0], $0xffff  }
0x288: {  	v15 =	vadd.f32 v15, v17;
	[tilespmem:v0+s25+$0x100 ss:$0x1] =	vst.idx.msk $0xffff, v16;
	v16 =	vld.idx.msk [tilespmem:v22+s12+$0x0], $0xffff;
	v22 =	vadd.s32 $0x562B, v3  }
0x289: {  	v17 =	vld.idx.msk [tilespmem:v24+s3+$0x0], $0xffff;
	v24 =	vadd.s32 $0x562B, v4  }
0x28a: {  	v26 =	vadd.s32 $0x3C1E, v5;
	v13 =	vadd.f32 v13, v23;
	v21 =	vld.idx.msk [tilespmem:v21+s12+$0x0], $0xffff;
	[tilespmem:v0+s21+$0x3380 ss:$0x1] =	vst.idx.msk $0xffff, v15  }
0x28b: {  	v15 =	vadd.s32 $0x3C1E, v6;
	v19 =	vld.idx.msk [tilespmem:v19+s3+$0x0], $0xffff  }
0x28c: {  	v23 =	vadd.s32 $0x2211, v7;
	v14 =	vadd.f32 v14, v25;
	[tilespmem:v0+s22+$0x2900 ss:$0x1] =	vst.idx.msk $0xffff, v13;
	v13 =	vld.idx.msk [tilespmem:v20+s12+$0x0], $0xffff  }
0x28d: {  	v20 =	vadd.s32 $0x2211, v8;
	v22 =	vld.idx.msk [tilespmem:v22+s3+$0x0], $0xffff  }
0x28e: {  	v25 =	vadd.s32 $0x804, v12;
	v16 =	vadd.f32 v16, v18;
	[tilespmem:v0+s23+$0x1A80 ss:$0x1] =	vst.idx.msk $0xffff, v14;
	v14 =	vld.idx.msk [tilespmem:v24+s12+$0x0], $0xffff  }
0x28f: {  	v18 =	vadd.s32 $0x804, v11;
	v24 =	vld.idx.msk [tilespmem:v26+s3+$0x0], $0xffff  }
0x290: {  	v17 =	vadd.f32 v21, v17;
	[tilespmem:v0+s24+$0x1000 ss:$0x1] =	vst.idx.msk $0xffff, v16;
	v15 =	vld.idx.msk [tilespmem:v15+s12+$0x0], $0xffff;
	v16 =	vadd.s32 $0x7239, v2  }
0x291: {  	v21 =	vld.idx.msk [tilespmem:v23+s3+$0x0], $0xffff;
	v23 =	vadd.s32 $0x7239, v1  }
0x292: {  	v13 =	vadd.f32 v13, v19;
	[tilespmem:v0+s25+$0x180 ss:$0x1] =	vst.idx.msk $0xffff, v17;
	v17 =	vld.idx.msk [tilespmem:v20+s12+$0x0], $0xffff;
	v20 =	vadd.s32 $0x582C, v3  }
0x293: {  	v19 =	vld.idx.msk [tilespmem:v25+s3+$0x0], $0xffff;
	v25 =	vadd.s32 $0x582C, v4  }
0x294: {  	v26 =	vadd.s32 $0x3E1F, v5;
	v14 =	vadd.f32 v14, v22;
	v18 =	vld.idx.msk [tilespmem:v18+s12+$0x0], $0xffff;
	[tilespmem:v0+s21+$0x3800 ss:$0x1] =	vst.idx.msk $0xffff, v13  }
0x295: {  	v13 =	vadd.s32 $0x3E1F, v6;
	v27 =	vld.idx.msk [tilespmem:v16+s3+$0x0], $0xffff  }
0x296: {  	v22 =	vadd.s32 $0x2412, v7;
	v15 =	vadd.f32 v15, v24;
	[tilespmem:v0+s22+$0x2980 ss:$0x1] =	vst.idx.msk $0xffff, v14;
	v24 =	vld.idx.msk [tilespmem:v23+s12+$0x0], $0xffff  }
0x297: {  	v23 =	vadd.s32 $0x2412, v8;
	v16 =	vld.idx.msk [tilespmem:v20+s3+$0x0], $0xffff  }
0x298: {  	v28 =	vadd.s32 $0xA05, v12;
	v14 =	vadd.f32 v17, v21;
	[tilespmem:v0+s23+$0x1B00 ss:$0x1] =	vst.idx.msk $0xffff, v15;
	v17 =	vld.idx.msk [tilespmem:v25+s12+$0x0], $0xffff  }
.Ltmp0:
0x299: {  	v25 =	vadd.s32 $0xA05, v11;
	v20 =	vld.idx.msk [tilespmem:v26+s3+$0x0], $0xffff;
	(pc) =	sbr.rel @p1 .LBB2_3-.Ltmp0, $4  }
0x29a: {  	v15 =	vadd.f32 v18, v19;
	[tilespmem:v0+s24+$0x1080 ss:$0x1] =	vst.idx.msk $0xffff, v14;
	v21 =	vld.idx.msk [tilespmem:v13+s12+$0x0], $0xffff;
	v14 =	vadd.s32 $0x743A, v2  }
0x29b: {  	v13 =	vadd.s32 $0x743A, v1;
	v22 =	vld.idx.msk [tilespmem:v22+s3+$0x0], $0xffff  }
0x29c: {  	v18 =	vadd.s32 $0x5A2D, v3;
	[tilespmem:v0+s25+$0x200 ss:$0x1] =	vst.idx.msk $0xffff, v15;
	v23 =	vld.idx.msk [tilespmem:v23+s12+$0x0], $0xffff;
	v15 =	vadd.f32 v24, v27  }
0x29d: {  	s14 =	sadd.s32 $0x40, s14;
	v19 =	vadd.s32 $0x5A2D, v4;
	v24 =	vld.idx.msk [tilespmem:v28+s3+$0x0], $0xffff  }
0x29e: {  	_ =	sdelay $0x3  }
0x29f: {  	v9 =	vld.idx.msk [tilespmem:v25+s12+$0x0], $0xffff;
	_ =	sdelay $0x2  }
0x2a0: {  	v10 =	vadd.s32 $0xC06, v12  }
0x2a1: {  	v42 =	vadd.s32 $0xC06, v11  }
0x2a2: {  	v9 =	vadd.f32 v9, v24;
	_ =	sdelay $0x1  }
0x2a3: {  	[tilespmem:v0+s25+$0x280 ss:$0x1] =	vst.idx.msk $0xffff, v9  }
0x2a4: {  	v9 =	vld.idx.msk [tilespmem:v10+s3+$0x0], $0xffff  }
0x2a5: {  	v43 =	vld.idx.msk [tilespmem:v42+s12+$0x0], $0xffff;
	_ =	sdelay $0x2  }
0x2a6: {  	v44 =	vadd.s32 $0xE07, v12  }
0x2a7: {  	v45 =	vadd.s32 $0xE07, v11  }
0x2a8: {  	v9 =	vadd.f32 v43, v9;
	_ =	sdelay $0x1  }
0x2a9: {  	[tilespmem:v0+s25+$0x300 ss:$0x1] =	vst.idx.msk $0xffff, v9  }
0x2aa: {  	v9 =	vld.idx.msk [tilespmem:v44+s3+$0x0], $0xffff  }
0x2ab: {  	v46 =	vld.idx.msk [tilespmem:v45+s12+$0x0], $0xffff;
	_ =	sdelay $0x2  }
0x2ac: {  	v47 =	vadd.s32 $0x1008, v12  }
0x2ad: {  	v48 =	vadd.s32 $0x1008, v11  }
0x2ae: {  	v9 =	vadd.f32 v46, v9;
	_ =	sdelay $0x1  }
0x2af: {  	[tilespmem:v0+s25+$0x380 ss:$0x1] =	vst.idx.msk $0xffff, v9  }
0x2b0: {  	v9 =	vld.idx.msk [tilespmem:v47+s3+$0x0], $0xffff  }
0x2b1: {  	v49 =	vld.idx.msk [tilespmem:v48+s12+$0x0], $0xffff;
	_ =	sdelay $0x2  }
0x2b2: {  	v50 =	vadd.s32 $0x1209, v12  }
0x2b3: {  	v51 =	vadd.s32 $0x1209, v11  }
0x2b4: {  	v9 =	vadd.f32 v49, v9;
	_ =	sdelay $0x1  }
0x2b5: {  	[tilespmem:v0+s25+$0x800 ss:$0x1] =	vst.idx.msk $0xffff, v9  }
0x2b6: {  	v9 =	vld.idx.msk [tilespmem:v50+s3+$0x0], $0xffff  }
0x2b7: {  	v52 =	vld.idx.msk [tilespmem:v51+s12+$0x0], $0xffff;
	_ =	sdelay $0x2  }
0x2b8: {  	v53 =	vadd.s32 $0x140A, v12  }
0x2b9: {  	v54 =	vadd.s32 $0x140A, v11  }
0x2ba: {  	v9 =	vadd.f32 v52, v9;
	_ =	sdelay $0x1  }
0x2bb: {  	[tilespmem:v0+s25+$0x880 ss:$0x1] =	vst.idx.msk $0xffff, v9  }
0x2bc: {  	v9 =	vld.idx.msk [tilespmem:v53+s3+$0x0], $0xffff  }
0x2bd: {  	v55 =	vld.idx.msk [tilespmem:v54+s12+$0x0], $0xffff;
	_ =	sdelay $0x2  }
0x2be: {  	v56 =	vadd.s32 $0x160B, v12  }
0x2bf: {  	v57 =	vadd.s32 $0x160B, v11  }
0x2c0: {  	v9 =	vadd.f32 v55, v9;
	_ =	sdelay $0x1  }
0x2c1: {  	[tilespmem:v0+s25+$0x900 ss:$0x1] =	vst.idx.msk $0xffff, v9  }
0x2c2: {  	v9 =	vld.idx.msk [tilespmem:v56+s3+$0x0], $0xffff  }
0x2c3: {  	v58 =	vld.idx.msk [tilespmem:v57+s12+$0x0], $0xffff;
	_ =	sdelay $0x2  }
0x2c4: {  	v59 =	vadd.s32 $0x180C, v12  }
0x2c5: {  	v60 =	vadd.s32 $0x180C, v11  }
0x2c6: {  	v9 =	vadd.f32 v58, v9;
	_ =	sdelay $0x1  }
0x2c7: {  	[tilespmem:v0+s25+$0x980 ss:$0x1] =	vst.idx.msk $0xffff, v9  }
0x2c8: {  	v9 =	vld.idx.msk [tilespmem:v59+s3+$0x0], $0xffff  }
0x2c9: {  	v61 =	vld.idx.msk [tilespmem:v60+s12+$0x0], $0xffff;
	_ =	sdelay $0x2  }
0x2ca: {  	v62 =	vadd.s32 $0x1A0D, v12  }
0x2cb: {  	v63 =	vadd.s32 $0x1A0D, v11  }
0x2cc: {  	v9 =	vadd.f32 v61, v9;
	_ =	sdelay $0x1  }
0x2cd: {  	[tilespmem:v0+s25+$0xA00 ss:$0x1] =	vst.idx.msk $0xffff, v9  }
0x2ce: {  	v9 =	vld.idx.msk [tilespmem:v62+s3+$0x0], $0xffff  }
0x2cf: {  	v28 =	vld.idx.msk [tilespmem:v63+s12+$0x0], $0xffff;
	_ =	sdelay $0x2  }
0x2d0: {  	v29 =	vadd.s32 $0x1C0E, v12  }
0x2d1: {  	v30 =	vadd.s32 $0x1C0E, v11  }
0x2d2: {  	v9 =	vadd.f32 v28, v9;
	_ =	sdelay $0x1  }
0x2d3: {  	[tilespmem:v0+s25+$0xA80 ss:$0x1] =	vst.idx.msk $0xffff, v9  }
0x2d4: {  	v9 =	vld.idx.msk [tilespmem:v29+s3+$0x0], $0xffff  }
0x2d5: {  	v31 =	vld.idx.msk [tilespmem:v30+s12+$0x0], $0xffff;
	_ =	sdelay $0x2  }
0x2d6: {  	v32 =	vadd.s32 $0x1E0F, v12  }
0x2d7: {  	v33 =	vadd.s32 $0x1E0F, v11  }
0x2d8: {  	v9 =	vadd.f32 v31, v9;
	_ =	sdelay $0x1  }
0x2d9: {  	[tilespmem:v0+s25+$0xB00 ss:$0x1] =	vst.idx.msk $0xffff, v9  }
0x2da: {  	v9 =	vld.idx.msk [tilespmem:v32+s3+$0x0], $0xffff  }
0x2db: {  	v34 =	vld.idx.msk [tilespmem:v33+s12+$0x0], $0xffff;
	_ =	sdelay $0x2  }
0x2dc: {  	v35 =	vadd.s32 $0x2010, v12  }
0x2dd: {  	v36 =	vadd.s32 $0x2010, v11  }
0x2de: {  	v9 =	vadd.f32 v34, v9;
	_ =	sdelay $0x1  }
0x2df: {  	[tilespmem:v0+s25+$0xB80 ss:$0x1] =	vst.idx.msk $0xffff, v9  }
0x2e0: {  	v9 =	vld.idx.msk [tilespmem:v35+s3+$0x0], $0xffff  }
0x2e1: {  	v37 =	vld.idx.msk [tilespmem:v36+s12+$0x0], $0xffff;
	_ =	sdelay $0x2  }
0x2e2: {  	v38 =	vadd.s32 $0x2211, v12  }
0x2e3: {  	v39 =	vadd.s32 $0x2211, v11  }
0x2e4: {  	v9 =	vadd.f32 v37, v9;
	_ =	sdelay $0x1  }
0x2e5: {  	[tilespmem:v0+s25+$0x1000 ss:$0x1] =	vst.idx.msk $0xffff, v9  }
0x2e6: {  	v9 =	vld.idx.msk [tilespmem:v38+s3+$0x0], $0xffff  }
0x2e7: {  	v40 =	vld.idx.msk [tilespmem:v39+s12+$0x0], $0xffff;
	_ =	sdelay $0x2  }
0x2e8: {  	v41 =	vadd.s32 $0x2412, v12  }
0x2e9: {  	v42 =	vadd.s32 $0x2412, v11  }
0x2ea: {  	v9 =	vadd.f32 v40, v9;
	_ =	sdelay $0x1  }
0x2eb: {  	[tilespmem:v0+s25+$0x1080 ss:$0x1] =	vst.idx.msk $0xffff, v9  }
0x2ec: {  	v45 =	vadd.s32 $0x2613, v8;
	v9 =	vld.idx.msk [tilespmem:v41+s3+$0x0], $0xffff  }
0x2ed: {  	v44 =	vadd.s32 $0x2613, v7;
	v43 =	vld.idx.msk [tilespmem:v42+s12+$0x0], $0xffff  }
0x2ee: {  	v22 =	vadd.f32 v23, v22;
	_ =	sdelay $0x1  }
0x2ef: {  	[tilespmem:v0+s24+$0x1100 ss:$0x1] =	vst.idx.msk $0xffff, v22;
	v46 =	vadd.s32 $0x2613, v12  }
0x2f0: {  	v26 =	vadd.s32 $0x2613, v11;
	v22 =	vld.idx.msk [tilespmem:v45+s12+$0x0], $0xffff  }
0x2f1: {  	v47 =	vld.idx.msk [tilespmem:v44+s3+$0x0], $0xffff;
	v9 =	vadd.f32 v43, v9;
	_ =	sdelay $0x1  }
0x2f2: {  	[tilespmem:v0+s25+$0x1100 ss:$0x1] =	vst.idx.msk $0xffff, v9  }
0x2f3: {  	v49 =	vadd.s32 $0x2814, v7;
	v9 =	vld.idx.msk [tilespmem:v46+s3+$0x0], $0xffff  }
0x2f4: {  	v50 =	vadd.s32 $0x2814, v8;
	v48 =	vld.idx.msk [tilespmem:v26+s12+$0x0], $0xffff  }
0x2f5: {  	v10 =	vadd.f32 v22, v47;
	_ =	sdelay $0x1  }
0x2f6: {  	[tilespmem:v0+s24+$0x1180 ss:$0x1] =	vst.idx.msk $0xffff, v10;
	v51 =	vadd.s32 $0x2814, v12  }
0x2f7: {  	v10 =	vld.idx.msk [tilespmem:v49+s3+$0x0], $0xffff;
	v52 =	vadd.s32 $0x2814, v11  }
0x2f8: {  	v53 =	vld.idx.msk [tilespmem:v50+s12+$0x0], $0xffff;
	v9 =	vadd.f32 v48, v9;
	_ =	sdelay $0x1  }
0x2f9: {  	[tilespmem:v0+s25+$0x1180 ss:$0x1] =	vst.idx.msk $0xffff, v9  }
0x2fa: {  	v55 =	vadd.s32 $0x2A15, v7;
	v9 =	vld.idx.msk [tilespmem:v51+s3+$0x0], $0xffff  }
0x2fb: {  	v56 =	vadd.s32 $0x2A15, v8;
	v54 =	vld.idx.msk [tilespmem:v52+s12+$0x0], $0xffff  }
0x2fc: {  	v10 =	vadd.f32 v53, v10;
	_ =	sdelay $0x1  }
0x2fd: {  	[tilespmem:v0+s24+$0x1200 ss:$0x1] =	vst.idx.msk $0xffff, v10;
	v57 =	vadd.s32 $0x2A15, v12  }
0x2fe: {  	v10 =	vld.idx.msk [tilespmem:v55+s3+$0x0], $0xffff;
	v58 =	vadd.s32 $0x2A15, v11  }
0x2ff: {  	v59 =	vld.idx.msk [tilespmem:v56+s12+$0x0], $0xffff;
	v9 =	vadd.f32 v54, v9;
	_ =	sdelay $0x1  }
0x300: {  	[tilespmem:v0+s25+$0x1200 ss:$0x1] =	vst.idx.msk $0xffff, v9  }
0x301: {  	v61 =	vadd.s32 $0x2C16, v7;
	v9 =	vld.idx.msk [tilespmem:v57+s3+$0x0], $0xffff  }
0x302: {  	v62 =	vadd.s32 $0x2C16, v8;
	v60 =	vld.idx.msk [tilespmem:v58+s12+$0x0], $0xffff  }
0x303: {  	v10 =	vadd.f32 v59, v10;
	_ =	sdelay $0x1  }
0x304: {  	[tilespmem:v0+s24+$0x1280 ss:$0x1] =	vst.idx.msk $0xffff, v10;
	v63 =	vadd.s32 $0x2C16, v12  }
0x305: {  	v10 =	vld.idx.msk [tilespmem:v61+s3+$0x0], $0xffff;
	v28 =	vadd.s32 $0x2C16, v11  }
0x306: {  	v29 =	vld.idx.msk [tilespmem:v62+s12+$0x0], $0xffff;
	v9 =	vadd.f32 v60, v9;
	_ =	sdelay $0x1  }
0x307: {  	[tilespmem:v0+s25+$0x1280 ss:$0x1] =	vst.idx.msk $0xffff, v9  }
0x308: {  	v31 =	vadd.s32 $0x2E17, v7;
	v9 =	vld.idx.msk [tilespmem:v63+s3+$0x0], $0xffff  }
0x309: {  	v32 =	vadd.s32 $0x2E17, v8;
	v30 =	vld.idx.msk [tilespmem:v28+s12+$0x0], $0xffff  }
0x30a: {  	v10 =	vadd.f32 v29, v10;
	_ =	sdelay $0x1  }
0x30b: {  	[tilespmem:v0+s24+$0x1300 ss:$0x1] =	vst.idx.msk $0xffff, v10;
	v33 =	vadd.s32 $0x2E17, v12  }
0x30c: {  	v10 =	vld.idx.msk [tilespmem:v31+s3+$0x0], $0xffff;
	v34 =	vadd.s32 $0x2E17, v11  }
0x30d: {  	v35 =	vld.idx.msk [tilespmem:v32+s12+$0x0], $0xffff;
	v9 =	vadd.f32 v30, v9;
	_ =	sdelay $0x1  }
0x30e: {  	[tilespmem:v0+s25+$0x1300 ss:$0x1] =	vst.idx.msk $0xffff, v9  }
0x30f: {  	v37 =	vadd.s32 $0x3018, v7;
	v9 =	vld.idx.msk [tilespmem:v33+s3+$0x0], $0xffff  }
0x310: {  	v38 =	vadd.s32 $0x3018, v8;
	v36 =	vld.idx.msk [tilespmem:v34+s12+$0x0], $0xffff  }
0x311: {  	v10 =	vadd.f32 v35, v10;
	_ =	sdelay $0x1  }
0x312: {  	[tilespmem:v0+s24+$0x1380 ss:$0x1] =	vst.idx.msk $0xffff, v10;
	v39 =	vadd.s32 $0x3018, v12  }
0x313: {  	v10 =	vld.idx.msk [tilespmem:v37+s3+$0x0], $0xffff;
	v40 =	vadd.s32 $0x3018, v11  }
0x314: {  	v41 =	vld.idx.msk [tilespmem:v38+s12+$0x0], $0xffff;
	v9 =	vadd.f32 v36, v9;
	_ =	sdelay $0x1  }
0x315: {  	[tilespmem:v0+s25+$0x1380 ss:$0x1] =	vst.idx.msk $0xffff, v9  }
0x316: {  	v44 =	vadd.s32 $0x3219, v8;
	v9 =	vld.idx.msk [tilespmem:v39+s3+$0x0], $0xffff  }
0x317: {  	v43 =	vadd.s32 $0x3219, v7;
	v42 =	vld.idx.msk [tilespmem:v40+s12+$0x0], $0xffff  }
0x318: {  	v10 =	vadd.f32 v41, v10;
	_ =	sdelay $0x1  }
0x319: {  	v45 =	vadd.s32 $0x3219, v12;
	[tilespmem:v0+s24+$0x1800 ss:$0x1] =	vst.idx.msk $0xffff, v10  }
0x31a: {  	v46 =	vadd.s32 $0x3219, v11;
	v47 =	vld.idx.msk [tilespmem:v44+s12+$0x0], $0xffff  }
0x31b: {  	v10 =	vld.idx.msk [tilespmem:v43+s3+$0x0], $0xffff;
	v9 =	vadd.f32 v42, v9;
	_ =	sdelay $0x1  }
0x31c: {  	[tilespmem:v0+s25+$0x1800 ss:$0x1] =	vst.idx.msk $0xffff, v9  }
0x31d: {  	v49 =	vadd.s32 $0x341A, v7;
	v9 =	vld.idx.msk [tilespmem:v45+s3+$0x0], $0xffff  }
0x31e: {  	v50 =	vadd.s32 $0x341A, v8;
	v48 =	vld.idx.msk [tilespmem:v46+s12+$0x0], $0xffff  }
0x31f: {  	v10 =	vadd.f32 v47, v10;
	_ =	sdelay $0x1  }
0x320: {  	v51 =	vadd.s32 $0x341A, v12;
	[tilespmem:v0+s24+$0x1880 ss:$0x1] =	vst.idx.msk $0xffff, v10  }
0x321: {  	v52 =	vadd.s32 $0x341A, v11;
	v10 =	vld.idx.msk [tilespmem:v49+s3+$0x0], $0xffff  }
0x322: {  	v53 =	vld.idx.msk [tilespmem:v50+s12+$0x0], $0xffff;
	v9 =	vadd.f32 v48, v9;
	_ =	sdelay $0x1  }
0x323: {  	[tilespmem:v0+s25+$0x1880 ss:$0x1] =	vst.idx.msk $0xffff, v9  }
0x324: {  	v55 =	vadd.s32 $0x361B, v7;
	v9 =	vld.idx.msk [tilespmem:v51+s3+$0x0], $0xffff  }
0x325: {  	v56 =	vadd.s32 $0x361B, v8;
	v54 =	vld.idx.msk [tilespmem:v52+s12+$0x0], $0xffff  }
0x326: {  	v10 =	vadd.f32 v53, v10;
	_ =	sdelay $0x1  }
0x327: {  	v57 =	vadd.s32 $0x361B, v12;
	[tilespmem:v0+s24+$0x1900 ss:$0x1] =	vst.idx.msk $0xffff, v10  }
0x328: {  	v58 =	vadd.s32 $0x361B, v11;
	v10 =	vld.idx.msk [tilespmem:v55+s3+$0x0], $0xffff  }
0x329: {  	v59 =	vld.idx.msk [tilespmem:v56+s12+$0x0], $0xffff;
	v9 =	vadd.f32 v54, v9;
	_ =	sdelay $0x1  }
0x32a: {  	[tilespmem:v0+s25+$0x1900 ss:$0x1] =	vst.idx.msk $0xffff, v9  }
0x32b: {  	v61 =	vadd.s32 $0x381C, v7;
	v9 =	vld.idx.msk [tilespmem:v57+s3+$0x0], $0xffff  }
0x32c: {  	v62 =	vadd.s32 $0x381C, v8;
	v60 =	vld.idx.msk [tilespmem:v58+s12+$0x0], $0xffff  }
0x32d: {  	v10 =	vadd.f32 v59, v10;
	_ =	sdelay $0x1  }
0x32e: {  	v63 =	vadd.s32 $0x381C, v12;
	[tilespmem:v0+s24+$0x1980 ss:$0x1] =	vst.idx.msk $0xffff, v10  }
0x32f: {  	v28 =	vadd.s32 $0x381C, v11;
	v10 =	vld.idx.msk [tilespmem:v61+s3+$0x0], $0xffff  }
0x330: {  	v29 =	vld.idx.msk [tilespmem:v62+s12+$0x0], $0xffff;
	v9 =	vadd.f32 v60, v9;
	_ =	sdelay $0x1  }
0x331: {  	[tilespmem:v0+s25+$0x1980 ss:$0x1] =	vst.idx.msk $0xffff, v9  }
0x332: {  	v31 =	vadd.s32 $0x3A1D, v7;
	v9 =	vld.idx.msk [tilespmem:v63+s3+$0x0], $0xffff  }
0x333: {  	v32 =	vadd.s32 $0x3A1D, v8;
	v30 =	vld.idx.msk [tilespmem:v28+s12+$0x0], $0xffff  }
0x334: {  	v10 =	vadd.f32 v29, v10;
	_ =	sdelay $0x1  }
0x335: {  	v33 =	vadd.s32 $0x3A1D, v12;
	[tilespmem:v0+s24+$0x1A00 ss:$0x1] =	vst.idx.msk $0xffff, v10  }
0x336: {  	v34 =	vadd.s32 $0x3A1D, v11;
	v10 =	vld.idx.msk [tilespmem:v31+s3+$0x0], $0xffff  }
0x337: {  	v35 =	vld.idx.msk [tilespmem:v32+s12+$0x0], $0xffff;
	v9 =	vadd.f32 v30, v9;
	_ =	sdelay $0x1  }
0x338: {  	[tilespmem:v0+s25+$0x1A00 ss:$0x1] =	vst.idx.msk $0xffff, v9  }
0x339: {  	v37 =	vadd.s32 $0x3C1E, v7;
	v9 =	vld.idx.msk [tilespmem:v33+s3+$0x0], $0xffff  }
0x33a: {  	v38 =	vadd.s32 $0x3C1E, v8;
	v36 =	vld.idx.msk [tilespmem:v34+s12+$0x0], $0xffff  }
0x33b: {  	v10 =	vadd.f32 v35, v10;
	_ =	sdelay $0x1  }
0x33c: {  	v39 =	vadd.s32 $0x3C1E, v12;
	[tilespmem:v0+s24+$0x1A80 ss:$0x1] =	vst.idx.msk $0xffff, v10  }
0x33d: {  	v40 =	vadd.s32 $0x3C1E, v11;
	v10 =	vld.idx.msk [tilespmem:v37+s3+$0x0], $0xffff  }
0x33e: {  	v41 =	vld.idx.msk [tilespmem:v38+s12+$0x0], $0xffff;
	v9 =	vadd.f32 v36, v9;
	_ =	sdelay $0x1  }
0x33f: {  	[tilespmem:v0+s25+$0x1A80 ss:$0x1] =	vst.idx.msk $0xffff, v9  }
0x340: {  	v43 =	vadd.s32 $0x3E1F, v7;
	v9 =	vld.idx.msk [tilespmem:v39+s3+$0x0], $0xffff  }
0x341: {  	v44 =	vadd.s32 $0x3E1F, v8;
	v42 =	vld.idx.msk [tilespmem:v40+s12+$0x0], $0xffff  }
0x342: {  	v10 =	vadd.f32 v41, v10;
	_ =	sdelay $0x1  }
0x343: {  	v45 =	vadd.s32 $0x3E1F, v12;
	[tilespmem:v0+s24+$0x1B00 ss:$0x1] =	vst.idx.msk $0xffff, v10  }
0x344: {  	v46 =	vadd.s32 $0x3E1F, v11;
	v10 =	vld.idx.msk [tilespmem:v43+s3+$0x0], $0xffff  }
0x345: {  	v47 =	vld.idx.msk [tilespmem:v44+s12+$0x0], $0xffff;
	v9 =	vadd.f32 v42, v9;
	_ =	sdelay $0x1  }
0x346: {  	[tilespmem:v0+s25+$0x1B00 ss:$0x1] =	vst.idx.msk $0xffff, v9  }
0x347: {  	v51 =	vadd.s32 $0x4020, v7;
	v23 =	vld.idx.msk [tilespmem:v45+s3+$0x0], $0xffff  }
0x348: {  	v52 =	vadd.s32 $0x4020, v8;
	v50 =	vld.idx.msk [tilespmem:v46+s12+$0x0], $0xffff  }
0x349: {  	v49 =	vadd.s32 $0x4020, v6;
	v10 =	vadd.f32 v47, v10  }
0x34a: {  	v48 =	vadd.s32 $0x4020, v5  }
0x34b: {  	v20 =	vadd.f32 v21, v20;
	v53 =	vadd.s32 $0x4020, v12;
	[tilespmem:v0+s24+$0x1B80 ss:$0x1] =	vst.idx.msk $0xffff, v10  }
0x34c: {  	v54 =	vadd.s32 $0x4020, v11;
	v21 =	vld.idx.msk [tilespmem:v51+s3+$0x0], $0xffff  }
0x34d: {  	[tilespmem:v0+s23+$0x1B80 ss:$0x1] =	vst.idx.msk $0xffff, v20;
	v56 =	vld.idx.msk [tilespmem:v52+s12+$0x0], $0xffff;
	v55 =	vadd.f32 v50, v23  }
0x34e: {  	v24 =	vld.idx.msk [tilespmem:v49+s12+$0x0], $0xffff  }
0x34f: {  	v9 =	vld.idx.msk [tilespmem:v48+s3+$0x0], $0xffff;
	[tilespmem:v0+s25+$0x1B80 ss:$0x1] =	vst.idx.msk $0xffff, v55  }
0x350: {  	v59 =	vadd.s32 $0x4221, v7;
	v20 =	vld.idx.msk [tilespmem:v53+s3+$0x0], $0xffff  }
0x351: {  	v60 =	vadd.s32 $0x4221, v8;
	v22 =	vld.idx.msk [tilespmem:v54+s12+$0x0], $0xffff  }
0x352: {  	v57 =	vadd.s32 $0x4221, v5;
	v61 =	vadd.f32 v56, v21  }
0x353: {  	v58 =	vadd.s32 $0x4221, v6  }
0x354: {  	v62 =	vadd.s32 $0x4221, v12;
	[tilespmem:v0+s24+$0x2000 ss:$0x1] =	vst.idx.msk $0xffff, v61;
	v9 =	vadd.f32 v24, v9  }
0x355: {  	v63 =	vadd.s32 $0x4221, v11;
	v28 =	vld.idx.msk [tilespmem:v59+s3+$0x0], $0xffff  }
0x356: {  	v29 =	vld.idx.msk [tilespmem:v60+s12+$0x0], $0xffff;
	[tilespmem:v0+s23+$0x2000 ss:$0x1] =	vst.idx.msk $0xffff, v9;
	v27 =	vadd.f32 v22, v20  }
0x357: {  	v10 =	vld.idx.msk [tilespmem:v57+s3+$0x0], $0xffff  }
0x358: {  	v25 =	vld.idx.msk [tilespmem:v58+s12+$0x0], $0xffff;
	[tilespmem:v0+s25+$0x2000 ss:$0x1] =	vst.idx.msk $0xffff, v27  }
0x359: {  	v32 =	vadd.s32 $0x4422, v7;
	v21 =	vld.idx.msk [tilespmem:v62+s3+$0x0], $0xffff  }
0x35a: {  	v33 =	vadd.s32 $0x4422, v8;
	v23 =	vld.idx.msk [tilespmem:v63+s12+$0x0], $0xffff  }
0x35b: {  	v30 =	vadd.s32 $0x4422, v5;
	v34 =	vadd.f32 v29, v28  }
0x35c: {  	v31 =	vadd.s32 $0x4422, v6  }
0x35d: {  	v35 =	vadd.s32 $0x4422, v12;
	[tilespmem:v0+s24+$0x2080 ss:$0x1] =	vst.idx.msk $0xffff, v34;
	v10 =	vadd.f32 v25, v10  }
0x35e: {  	v38 =	vld.idx.msk [tilespmem:v32+s3+$0x0], $0xffff;
	v36 =	vadd.s32 $0x4422, v11  }
0x35f: {  	v39 =	vld.idx.msk [tilespmem:v33+s12+$0x0], $0xffff;
	[tilespmem:v0+s23+$0x2080 ss:$0x1] =	vst.idx.msk $0xffff, v10;
	v37 =	vadd.f32 v23, v21  }
0x360: {  	v9 =	vld.idx.msk [tilespmem:v30+s3+$0x0], $0xffff  }
0x361: {  	v24 =	vld.idx.msk [tilespmem:v31+s12+$0x0], $0xffff;
	[tilespmem:v0+s25+$0x2080 ss:$0x1] =	vst.idx.msk $0xffff, v37  }
0x362: {  	v43 =	vadd.s32 $0x4623, v8;
	v20 =	vld.idx.msk [tilespmem:v35+s3+$0x0], $0xffff  }
0x363: {  	v42 =	vadd.s32 $0x4623, v7;
	v22 =	vld.idx.msk [tilespmem:v36+s12+$0x0], $0xffff  }
0x364: {  	v40 =	vadd.s32 $0x4623, v5;
	v44 =	vadd.f32 v39, v38  }
0x365: {  	v41 =	vadd.s32 $0x4623, v6  }
0x366: {  	[tilespmem:v0+s24+$0x2100 ss:$0x1] =	vst.idx.msk $0xffff, v44;
	v45 =	vadd.s32 $0x4623, v12;
	v9 =	vadd.f32 v24, v9  }
0x367: {  	v46 =	vadd.s32 $0x4623, v11;
	v49 =	vld.idx.msk [tilespmem:v43+s12+$0x0], $0xffff  }
0x368: {  	v48 =	vld.idx.msk [tilespmem:v42+s3+$0x0], $0xffff;
	[tilespmem:v0+s23+$0x2100 ss:$0x1] =	vst.idx.msk $0xffff, v9;
	v47 =	vadd.f32 v22, v20  }
0x369: {  	v10 =	vld.idx.msk [tilespmem:v40+s3+$0x0], $0xffff  }
0x36a: {  	v25 =	vld.idx.msk [tilespmem:v41+s12+$0x0], $0xffff;
	[tilespmem:v0+s25+$0x2100 ss:$0x1] =	vst.idx.msk $0xffff, v47  }
0x36b: {  	v52 =	vadd.s32 $0x4824, v7;
	v21 =	vld.idx.msk [tilespmem:v45+s3+$0x0], $0xffff  }
0x36c: {  	v53 =	vadd.s32 $0x4824, v8;
	v23 =	vld.idx.msk [tilespmem:v46+s12+$0x0], $0xffff  }
0x36d: {  	v50 =	vadd.s32 $0x4824, v5;
	v54 =	vadd.f32 v49, v48  }
0x36e: {  	v51 =	vadd.s32 $0x4824, v6  }
0x36f: {  	v55 =	vadd.s32 $0x4824, v12;
	[tilespmem:v0+s24+$0x2180 ss:$0x1] =	vst.idx.msk $0xffff, v54;
	v10 =	vadd.f32 v25, v10  }
0x370: {  	v56 =	vadd.s32 $0x4824, v11;
	v58 =	vld.idx.msk [tilespmem:v52+s3+$0x0], $0xffff  }
0x371: {  	v59 =	vld.idx.msk [tilespmem:v53+s12+$0x0], $0xffff;
	[tilespmem:v0+s23+$0x2180 ss:$0x1] =	vst.idx.msk $0xffff, v10;
	v57 =	vadd.f32 v23, v21  }
0x372: {  	v9 =	vld.idx.msk [tilespmem:v50+s3+$0x0], $0xffff  }
0x373: {  	v24 =	vld.idx.msk [tilespmem:v51+s12+$0x0], $0xffff;
	[tilespmem:v0+s25+$0x2180 ss:$0x1] =	vst.idx.msk $0xffff, v57  }
0x374: {  	v62 =	vadd.s32 $0x4A25, v7;
	v20 =	vld.idx.msk [tilespmem:v55+s3+$0x0], $0xffff  }
0x375: {  	v63 =	vadd.s32 $0x4A25, v8;
	v22 =	vld.idx.msk [tilespmem:v56+s12+$0x0], $0xffff  }
0x376: {  	v60 =	vadd.s32 $0x4A25, v5;
	v28 =	vadd.f32 v59, v58  }
0x377: {  	v61 =	vadd.s32 $0x4A25, v6  }
0x378: {  	v29 =	vadd.s32 $0x4A25, v12;
	[tilespmem:v0+s24+$0x2200 ss:$0x1] =	vst.idx.msk $0xffff, v28;
	v9 =	vadd.f32 v24, v9  }
0x379: {  	v30 =	vadd.s32 $0x4A25, v11;
	v32 =	vld.idx.msk [tilespmem:v62+s3+$0x0], $0xffff  }
0x37a: {  	v33 =	vld.idx.msk [tilespmem:v63+s12+$0x0], $0xffff;
	[tilespmem:v0+s23+$0x2200 ss:$0x1] =	vst.idx.msk $0xffff, v9;
	v31 =	vadd.f32 v22, v20  }
0x37b: {  	v10 =	vld.idx.msk [tilespmem:v60+s3+$0x0], $0xffff  }
0x37c: {  	v25 =	vld.idx.msk [tilespmem:v61+s12+$0x0], $0xffff;
	[tilespmem:v0+s25+$0x2200 ss:$0x1] =	vst.idx.msk $0xffff, v31  }
0x37d: {  	v36 =	vadd.s32 $0x4C26, v7;
	v21 =	vld.idx.msk [tilespmem:v29+s3+$0x0], $0xffff  }
0x37e: {  	v37 =	vadd.s32 $0x4C26, v8;
	v23 =	vld.idx.msk [tilespmem:v30+s12+$0x0], $0xffff  }
0x37f: {  	v34 =	vadd.s32 $0x4C26, v5;
	v38 =	vadd.f32 v33, v32  }
0x380: {  	v35 =	vadd.s32 $0x4C26, v6  }
0x381: {  	v39 =	vadd.s32 $0x4C26, v12;
	[tilespmem:v0+s24+$0x2280 ss:$0x1] =	vst.idx.msk $0xffff, v38;
	v10 =	vadd.f32 v25, v10  }
0x382: {  	v40 =	vadd.s32 $0x4C26, v11;
	v42 =	vld.idx.msk [tilespmem:v36+s3+$0x0], $0xffff  }
0x383: {  	v43 =	vld.idx.msk [tilespmem:v37+s12+$0x0], $0xffff;
	[tilespmem:v0+s23+$0x2280 ss:$0x1] =	vst.idx.msk $0xffff, v10;
	v41 =	vadd.f32 v23, v21  }
0x384: {  	v9 =	vld.idx.msk [tilespmem:v34+s3+$0x0], $0xffff  }
0x385: {  	v24 =	vld.idx.msk [tilespmem:v35+s12+$0x0], $0xffff;
	[tilespmem:v0+s25+$0x2280 ss:$0x1] =	vst.idx.msk $0xffff, v41  }
0x386: {  	v46 =	vadd.s32 $0x4E27, v7;
	v20 =	vld.idx.msk [tilespmem:v39+s3+$0x0], $0xffff  }
0x387: {  	v47 =	vadd.s32 $0x4E27, v8;
	v22 =	vld.idx.msk [tilespmem:v40+s12+$0x0], $0xffff  }
0x388: {  	v44 =	vadd.s32 $0x4E27, v5;
	v48 =	vadd.f32 v43, v42  }
0x389: {  	v45 =	vadd.s32 $0x4E27, v6  }
0x38a: {  	v49 =	vadd.s32 $0x4E27, v12;
	[tilespmem:v0+s24+$0x2300 ss:$0x1] =	vst.idx.msk $0xffff, v48;
	v9 =	vadd.f32 v24, v9  }
0x38b: {  	v50 =	vadd.s32 $0x4E27, v11;
	v52 =	vld.idx.msk [tilespmem:v46+s3+$0x0], $0xffff  }
0x38c: {  	v53 =	vld.idx.msk [tilespmem:v47+s12+$0x0], $0xffff;
	[tilespmem:v0+s23+$0x2300 ss:$0x1] =	vst.idx.msk $0xffff, v9;
	v51 =	vadd.f32 v22, v20  }
0x38d: {  	v10 =	vld.idx.msk [tilespmem:v44+s3+$0x0], $0xffff  }
0x38e: {  	v25 =	vld.idx.msk [tilespmem:v45+s12+$0x0], $0xffff;
	[tilespmem:v0+s25+$0x2300 ss:$0x1] =	vst.idx.msk $0xffff, v51  }
0x38f: {  	v56 =	vadd.s32 $0x5028, v7;
	v21 =	vld.idx.msk [tilespmem:v49+s3+$0x0], $0xffff  }
0x390: {  	v57 =	vadd.s32 $0x5028, v8;
	v23 =	vld.idx.msk [tilespmem:v50+s12+$0x0], $0xffff  }
0x391: {  	v54 =	vadd.s32 $0x5028, v5;
	v58 =	vadd.f32 v53, v52  }
0x392: {  	v55 =	vadd.s32 $0x5028, v6  }
0x393: {  	v59 =	vadd.s32 $0x5028, v12;
	[tilespmem:v0+s24+$0x2380 ss:$0x1] =	vst.idx.msk $0xffff, v58;
	v10 =	vadd.f32 v25, v10  }
0x394: {  	v60 =	vadd.s32 $0x5028, v11;
	v62 =	vld.idx.msk [tilespmem:v56+s3+$0x0], $0xffff  }
0x395: {  	v63 =	vld.idx.msk [tilespmem:v57+s12+$0x0], $0xffff;
	[tilespmem:v0+s23+$0x2380 ss:$0x1] =	vst.idx.msk $0xffff, v10;
	v61 =	vadd.f32 v23, v21  }
0x396: {  	v9 =	vld.idx.msk [tilespmem:v54+s3+$0x0], $0xffff  }
0x397: {  	v24 =	vld.idx.msk [tilespmem:v55+s12+$0x0], $0xffff;
	[tilespmem:v0+s25+$0x2380 ss:$0x1] =	vst.idx.msk $0xffff, v61  }
0x398: {  	v30 =	vadd.s32 $0x5229, v7;
	v20 =	vld.idx.msk [tilespmem:v59+s3+$0x0], $0xffff  }
0x399: {  	v31 =	vadd.s32 $0x5229, v8;
	v22 =	vld.idx.msk [tilespmem:v60+s12+$0x0], $0xffff  }
0x39a: {  	v28 =	vadd.s32 $0x5229, v5;
	v32 =	vadd.f32 v63, v62  }
0x39b: {  	v29 =	vadd.s32 $0x5229, v6  }
0x39c: {  	v33 =	vadd.s32 $0x5229, v12;
	[tilespmem:v0+s24+$0x2800 ss:$0x1] =	vst.idx.msk $0xffff, v32;
	v9 =	vadd.f32 v24, v9  }
0x39d: {  	v34 =	vadd.s32 $0x5229, v11;
	v36 =	vld.idx.msk [tilespmem:v30+s3+$0x0], $0xffff  }
0x39e: {  	v37 =	vld.idx.msk [tilespmem:v31+s12+$0x0], $0xffff;
	[tilespmem:v0+s23+$0x2800 ss:$0x1] =	vst.idx.msk $0xffff, v9;
	v35 =	vadd.f32 v22, v20  }
0x39f: {  	v10 =	vld.idx.msk [tilespmem:v28+s3+$0x0], $0xffff  }
0x3a0: {  	v25 =	vld.idx.msk [tilespmem:v29+s12+$0x0], $0xffff;
	[tilespmem:v0+s25+$0x2800 ss:$0x1] =	vst.idx.msk $0xffff, v35  }
0x3a1: {  	v40 =	vadd.s32 $0x542A, v7;
	v21 =	vld.idx.msk [tilespmem:v33+s3+$0x0], $0xffff  }
0x3a2: {  	v41 =	vadd.s32 $0x542A, v8;
	v23 =	vld.idx.msk [tilespmem:v34+s12+$0x0], $0xffff  }
0x3a3: {  	v38 =	vadd.s32 $0x542A, v5;
	v42 =	vadd.f32 v37, v36  }
0x3a4: {  	v39 =	vadd.s32 $0x542A, v6  }
0x3a5: {  	v43 =	vadd.s32 $0x542A, v12;
	[tilespmem:v0+s24+$0x2880 ss:$0x1] =	vst.idx.msk $0xffff, v42;
	v10 =	vadd.f32 v25, v10  }
0x3a6: {  	v44 =	vadd.s32 $0x542A, v11;
	v46 =	vld.idx.msk [tilespmem:v40+s3+$0x0], $0xffff  }
0x3a7: {  	v47 =	vld.idx.msk [tilespmem:v41+s12+$0x0], $0xffff;
	[tilespmem:v0+s23+$0x2880 ss:$0x1] =	vst.idx.msk $0xffff, v10;
	v45 =	vadd.f32 v23, v21  }
0x3a8: {  	v9 =	vld.idx.msk [tilespmem:v38+s3+$0x0], $0xffff  }
0x3a9: {  	v24 =	vld.idx.msk [tilespmem:v39+s12+$0x0], $0xffff;
	[tilespmem:v0+s25+$0x2880 ss:$0x1] =	vst.idx.msk $0xffff, v45  }
0x3aa: {  	v50 =	vadd.s32 $0x562B, v7;
	v20 =	vld.idx.msk [tilespmem:v43+s3+$0x0], $0xffff  }
0x3ab: {  	v51 =	vadd.s32 $0x562B, v8;
	v22 =	vld.idx.msk [tilespmem:v44+s12+$0x0], $0xffff  }
0x3ac: {  	v48 =	vadd.s32 $0x562B, v5;
	v52 =	vadd.f32 v47, v46  }
0x3ad: {  	v49 =	vadd.s32 $0x562B, v6  }
0x3ae: {  	v53 =	vadd.s32 $0x562B, v12;
	[tilespmem:v0+s24+$0x2900 ss:$0x1] =	vst.idx.msk $0xffff, v52;
	v9 =	vadd.f32 v24, v9  }
0x3af: {  	v54 =	vadd.s32 $0x562B, v11;
	v56 =	vld.idx.msk [tilespmem:v50+s3+$0x0], $0xffff  }
0x3b0: {  	v57 =	vld.idx.msk [tilespmem:v51+s12+$0x0], $0xffff;
	[tilespmem:v0+s23+$0x2900 ss:$0x1] =	vst.idx.msk $0xffff, v9;
	v55 =	vadd.f32 v22, v20  }
0x3b1: {  	v10 =	vld.idx.msk [tilespmem:v48+s3+$0x0], $0xffff  }
0x3b2: {  	v25 =	vld.idx.msk [tilespmem:v49+s12+$0x0], $0xffff;
	[tilespmem:v0+s25+$0x2900 ss:$0x1] =	vst.idx.msk $0xffff, v55  }
0x3b3: {  	v60 =	vadd.s32 $0x582C, v7;
	v21 =	vld.idx.msk [tilespmem:v53+s3+$0x0], $0xffff  }
0x3b4: {  	v61 =	vadd.s32 $0x582C, v8;
	v23 =	vld.idx.msk [tilespmem:v54+s12+$0x0], $0xffff  }
0x3b5: {  	v58 =	vadd.s32 $0x582C, v5;
	v62 =	vadd.f32 v57, v56  }
0x3b6: {  	v59 =	vadd.s32 $0x582C, v6  }
0x3b7: {  	v63 =	vadd.s32 $0x582C, v12;
	[tilespmem:v0+s24+$0x2980 ss:$0x1] =	vst.idx.msk $0xffff, v62;
	v10 =	vadd.f32 v25, v10  }
0x3b8: {  	v28 =	vadd.s32 $0x582C, v11;
	v31 =	vld.idx.msk [tilespmem:v60+s3+$0x0], $0xffff  }
0x3b9: {  	v32 =	vld.idx.msk [tilespmem:v61+s12+$0x0], $0xffff;
	[tilespmem:v0+s23+$0x2980 ss:$0x1] =	vst.idx.msk $0xffff, v10;
	v29 =	vadd.f32 v23, v21  }
0x3ba: {  	v9 =	vld.idx.msk [tilespmem:v58+s3+$0x0], $0xffff  }
0x3bb: {  	v30 =	vld.idx.msk [tilespmem:v59+s12+$0x0], $0xffff;
	[tilespmem:v0+s25+$0x2980 ss:$0x1] =	vst.idx.msk $0xffff, v29  }
0x3bc: {  	v37 =	vadd.s32 $0x5A2D, v7;
	v33 =	vadd.f32 v17, v16;
	v35 =	vld.idx.msk [tilespmem:v63+s3+$0x0], $0xffff  }
0x3bd: {  	v38 =	vadd.s32 $0x5A2D, v8;
	v22 =	vld.idx.msk [tilespmem:v28+s12+$0x0], $0xffff  }
0x3be: {  	v34 =	vadd.s32 $0x5A2D, v5;
	[tilespmem:v0+s22+$0x2A00 ss:$0x1] =	vst.idx.msk $0xffff, v33;
	v39 =	vadd.f32 v32, v31  }
0x3bf: {  	v36 =	vadd.s32 $0x5A2D, v6;
	v18 =	vld.idx.msk [tilespmem:v18+s3+$0x0], $0xffff  }
0x3c0: {  	v40 =	vadd.s32 $0x5A2D, v12;
	v19 =	vld.idx.msk [tilespmem:v19+s12+$0x0], $0xffff;
	[tilespmem:v0+s24+$0x2A00 ss:$0x1] =	vst.idx.msk $0xffff, v39;
	v9 =	vadd.f32 v30, v9  }
0x3c1: {  	v41 =	vadd.s32 $0x5A2D, v11;
	v10 =	vld.idx.msk [tilespmem:v37+s3+$0x0], $0xffff  }
0x3c2: {  	v21 =	vld.idx.msk [tilespmem:v38+s12+$0x0], $0xffff;
	[tilespmem:v0+s23+$0x2A00 ss:$0x1] =	vst.idx.msk $0xffff, v9;
	v42 =	vadd.f32 v22, v35  }
0x3c3: {  	v43 =	vadd.s32 $0x5C2E, v3;
	v16 =	vld.idx.msk [tilespmem:v34+s3+$0x0], $0xffff  }
0x3c4: {  	v44 =	vadd.s32 $0x5C2E, v4;
	v20 =	vld.idx.msk [tilespmem:v36+s12+$0x0], $0xffff;
	[tilespmem:v0+s25+$0x2A00 ss:$0x1] =	vst.idx.msk $0xffff, v42  }
0x3c5: {  	v50 =	vadd.s32 $0x5C2E, v7;
	v45 =	vadd.f32 v19, v18;
	v47 =	vld.idx.msk [tilespmem:v40+s3+$0x0], $0xffff  }
0x3c6: {  	v51 =	vadd.s32 $0x5C2E, v8;
	v24 =	vld.idx.msk [tilespmem:v41+s12+$0x0], $0xffff  }
0x3c7: {  	v46 =	vadd.s32 $0x5C2E, v5;
	[tilespmem:v0+s22+$0x2A80 ss:$0x1] =	vst.idx.msk $0xffff, v45;
	v52 =	vadd.f32 v21, v10  }
0x3c8: {  	v48 =	vadd.s32 $0x5C2E, v6;
	v17 =	vld.idx.msk [tilespmem:v43+s3+$0x0], $0xffff  }
0x3c9: {  	v53 =	vadd.s32 $0x5C2E, v12;
	v49 =	vadd.f32 v20, v16;
	[tilespmem:v0+s24+$0x2A80 ss:$0x1] =	vst.idx.msk $0xffff, v52;
	v22 =	vld.idx.msk [tilespmem:v44+s12+$0x0], $0xffff  }
0x3ca: {  	v54 =	vadd.s32 $0x5C2E, v11;
	v16 =	vld.idx.msk [tilespmem:v50+s3+$0x0], $0xffff  }
0x3cb: {  	v20 =	vld.idx.msk [tilespmem:v51+s12+$0x0], $0xffff;
	[tilespmem:v0+s23+$0x2A80 ss:$0x1] =	vst.idx.msk $0xffff, v49;
	v55 =	vadd.f32 v24, v47  }
0x3cc: {  	v56 =	vadd.s32 $0x5E2F, v3;
	v18 =	vld.idx.msk [tilespmem:v46+s3+$0x0], $0xffff  }
0x3cd: {  	v57 =	vadd.s32 $0x5E2F, v4;
	v23 =	vld.idx.msk [tilespmem:v48+s12+$0x0], $0xffff;
	[tilespmem:v0+s25+$0x2A80 ss:$0x1] =	vst.idx.msk $0xffff, v55  }
0x3ce: {  	v62 =	vadd.s32 $0x5E2F, v7;
	v58 =	vadd.f32 v22, v17;
	v10 =	vld.idx.msk [tilespmem:v53+s3+$0x0], $0xffff  }
0x3cf: {  	v63 =	vadd.s32 $0x5E2F, v8;
	v21 =	vld.idx.msk [tilespmem:v54+s12+$0x0], $0xffff  }
0x3d0: {  	v59 =	vadd.s32 $0x5E2F, v5;
	v27 =	vadd.f32 v20, v16;
	[tilespmem:v0+s22+$0x2B00 ss:$0x1] =	vst.idx.msk $0xffff, v58  }
0x3d1: {  	v60 =	vadd.s32 $0x5E2F, v6;
	v19 =	vld.idx.msk [tilespmem:v56+s3+$0x0], $0xffff  }
0x3d2: {  	v28 =	vadd.s32 $0x5E2F, v12;
	v61 =	vadd.f32 v23, v18;
	[tilespmem:v0+s24+$0x2B00 ss:$0x1] =	vst.idx.msk $0xffff, v27;
	v24 =	vld.idx.msk [tilespmem:v57+s12+$0x0], $0xffff  }
0x3d3: {  	v29 =	vadd.s32 $0x5E2F, v11;
	v18 =	vld.idx.msk [tilespmem:v62+s3+$0x0], $0xffff  }
0x3d4: {  	v23 =	vld.idx.msk [tilespmem:v63+s12+$0x0], $0xffff;
	[tilespmem:v0+s23+$0x2B00 ss:$0x1] =	vst.idx.msk $0xffff, v61;
	v30 =	vadd.f32 v21, v10  }
0x3d5: {  	v31 =	vadd.s32 $0x6030, v3;
	v17 =	vld.idx.msk [tilespmem:v59+s3+$0x0], $0xffff  }
0x3d6: {  	v32 =	vadd.s32 $0x6030, v4;
	v22 =	vld.idx.msk [tilespmem:v60+s12+$0x0], $0xffff;
	[tilespmem:v0+s25+$0x2B00 ss:$0x1] =	vst.idx.msk $0xffff, v30  }
0x3d7: {  	v37 =	vadd.s32 $0x6030, v7;
	v33 =	vadd.f32 v24, v19;
	v16 =	vld.idx.msk [tilespmem:v28+s3+$0x0], $0xffff  }
0x3d8: {  	v38 =	vadd.s32 $0x6030, v8;
	v20 =	vld.idx.msk [tilespmem:v29+s12+$0x0], $0xffff  }
0x3d9: {  	v34 =	vadd.s32 $0x6030, v5;
	v39 =	vadd.f32 v23, v18;
	[tilespmem:v0+s22+$0x2B80 ss:$0x1] =	vst.idx.msk $0xffff, v33  }
0x3da: {  	v35 =	vadd.s32 $0x6030, v6;
	v10 =	vld.idx.msk [tilespmem:v31+s3+$0x0], $0xffff  }
0x3db: {  	v40 =	vadd.s32 $0x6030, v12;
	v36 =	vadd.f32 v22, v17;
	[tilespmem:v0+s24+$0x2B80 ss:$0x1] =	vst.idx.msk $0xffff, v39;
	v21 =	vld.idx.msk [tilespmem:v32+s12+$0x0], $0xffff  }
0x3dc: {  	v41 =	vadd.s32 $0x6030, v11;
	v17 =	vld.idx.msk [tilespmem:v37+s3+$0x0], $0xffff  }
0x3dd: {  	v22 =	vld.idx.msk [tilespmem:v38+s12+$0x0], $0xffff;
	[tilespmem:v0+s23+$0x2B80 ss:$0x1] =	vst.idx.msk $0xffff, v36;
	v42 =	vadd.f32 v20, v16  }
0x3de: {  	v43 =	vadd.s32 $0x6231, v3;
	v19 =	vld.idx.msk [tilespmem:v34+s3+$0x0], $0xffff  }
0x3df: {  	v44 =	vadd.s32 $0x6231, v4;
	v24 =	vld.idx.msk [tilespmem:v35+s12+$0x0], $0xffff;
	[tilespmem:v0+s25+$0x2B80 ss:$0x1] =	vst.idx.msk $0xffff, v42  }
0x3e0: {  	v49 =	vadd.s32 $0x6231, v7;
	v45 =	vadd.f32 v21, v10;
	v18 =	vld.idx.msk [tilespmem:v40+s3+$0x0], $0xffff  }
0x3e1: {  	v50 =	vadd.s32 $0x6231, v8;
	v23 =	vld.idx.msk [tilespmem:v41+s12+$0x0], $0xffff  }
0x3e2: {  	v46 =	vadd.s32 $0x6231, v5;
	v51 =	vadd.f32 v22, v17;
	[tilespmem:v0+s22+$0x3000 ss:$0x1] =	vst.idx.msk $0xffff, v45  }
0x3e3: {  	v47 =	vadd.s32 $0x6231, v6;
	v16 =	vld.idx.msk [tilespmem:v43+s3+$0x0], $0xffff  }
0x3e4: {  	v52 =	vadd.s32 $0x6231, v12;
	v48 =	vadd.f32 v24, v19;
	[tilespmem:v0+s24+$0x3000 ss:$0x1] =	vst.idx.msk $0xffff, v51;
	v20 =	vld.idx.msk [tilespmem:v44+s12+$0x0], $0xffff  }
0x3e5: {  	v53 =	vadd.s32 $0x6231, v11;
	v19 =	vld.idx.msk [tilespmem:v49+s3+$0x0], $0xffff  }
0x3e6: {  	v24 =	vld.idx.msk [tilespmem:v50+s12+$0x0], $0xffff;
	[tilespmem:v0+s23+$0x3000 ss:$0x1] =	vst.idx.msk $0xffff, v48;
	v54 =	vadd.f32 v23, v18  }
0x3e7: {  	v55 =	vadd.s32 $0x6432, v3;
	v10 =	vld.idx.msk [tilespmem:v46+s3+$0x0], $0xffff  }
0x3e8: {  	v56 =	vadd.s32 $0x6432, v4;
	v21 =	vld.idx.msk [tilespmem:v47+s12+$0x0], $0xffff;
	[tilespmem:v0+s25+$0x3000 ss:$0x1] =	vst.idx.msk $0xffff, v54  }
0x3e9: {  	v61 =	vadd.s32 $0x6432, v7;
	v57 =	vadd.f32 v20, v16;
	v17 =	vld.idx.msk [tilespmem:v52+s3+$0x0], $0xffff  }
0x3ea: {  	v62 =	vadd.s32 $0x6432, v8;
	v22 =	vld.idx.msk [tilespmem:v53+s12+$0x0], $0xffff  }
0x3eb: {  	v58 =	vadd.s32 $0x6432, v5;
	v63 =	vadd.f32 v24, v19;
	[tilespmem:v0+s22+$0x3080 ss:$0x1] =	vst.idx.msk $0xffff, v57  }
0x3ec: {  	v59 =	vadd.s32 $0x6432, v6;
	v18 =	vld.idx.msk [tilespmem:v55+s3+$0x0], $0xffff  }
0x3ed: {  	v28 =	vadd.s32 $0x6432, v12;
	v60 =	vadd.f32 v21, v10;
	[tilespmem:v0+s24+$0x3080 ss:$0x1] =	vst.idx.msk $0xffff, v63;
	v23 =	vld.idx.msk [tilespmem:v56+s12+$0x0], $0xffff  }
0x3ee: {  	v29 =	vadd.s32 $0x6432, v11;
	v10 =	vld.idx.msk [tilespmem:v61+s3+$0x0], $0xffff  }
0x3ef: {  	v21 =	vld.idx.msk [tilespmem:v62+s12+$0x0], $0xffff;
	[tilespmem:v0+s23+$0x3080 ss:$0x1] =	vst.idx.msk $0xffff, v60;
	v30 =	vadd.f32 v22, v17  }
0x3f0: {  	v31 =	vadd.s32 $0x6633, v3;
	v16 =	vld.idx.msk [tilespmem:v58+s3+$0x0], $0xffff  }
0x3f1: {  	v32 =	vadd.s32 $0x6633, v4;
	v20 =	vld.idx.msk [tilespmem:v59+s12+$0x0], $0xffff;
	[tilespmem:v0+s25+$0x3080 ss:$0x1] =	vst.idx.msk $0xffff, v30  }
0x3f2: {  	v37 =	vadd.s32 $0x6633, v7;
	v33 =	vadd.f32 v23, v18;
	v19 =	vld.idx.msk [tilespmem:v28+s3+$0x0], $0xffff  }
0x3f3: {  	v38 =	vadd.s32 $0x6633, v8;
	v24 =	vld.idx.msk [tilespmem:v29+s12+$0x0], $0xffff  }
0x3f4: {  	v34 =	vadd.s32 $0x6633, v5;
	v39 =	vadd.f32 v21, v10;
	[tilespmem:v0+s22+$0x3100 ss:$0x1] =	vst.idx.msk $0xffff, v33  }
0x3f5: {  	v35 =	vadd.s32 $0x6633, v6;
	v17 =	vld.idx.msk [tilespmem:v31+s3+$0x0], $0xffff  }
0x3f6: {  	v40 =	vadd.s32 $0x6633, v12;
	v36 =	vadd.f32 v20, v16;
	[tilespmem:v0+s24+$0x3100 ss:$0x1] =	vst.idx.msk $0xffff, v39;
	v22 =	vld.idx.msk [tilespmem:v32+s12+$0x0], $0xffff  }
0x3f7: {  	v41 =	vadd.s32 $0x6633, v11;
	v16 =	vld.idx.msk [tilespmem:v37+s3+$0x0], $0xffff  }
0x3f8: {  	v20 =	vld.idx.msk [tilespmem:v38+s12+$0x0], $0xffff;
	[tilespmem:v0+s23+$0x3100 ss:$0x1] =	vst.idx.msk $0xffff, v36;
	v42 =	vadd.f32 v24, v19  }
0x3f9: {  	v43 =	vadd.s32 $0x6834, v3;
	v18 =	vld.idx.msk [tilespmem:v34+s3+$0x0], $0xffff  }
0x3fa: {  	v44 =	vadd.s32 $0x6834, v4;
	v23 =	vld.idx.msk [tilespmem:v35+s12+$0x0], $0xffff;
	[tilespmem:v0+s25+$0x3100 ss:$0x1] =	vst.idx.msk $0xffff, v42  }
0x3fb: {  	v49 =	vadd.s32 $0x6834, v7;
	v45 =	vadd.f32 v22, v17;
	v10 =	vld.idx.msk [tilespmem:v40+s3+$0x0], $0xffff  }
0x3fc: {  	[tilespmem:v0+s21+$0x3880 ss:$0x1] =	vst.idx.msk $0xffff, v15;
	v50 =	vadd.s32 $0x6834, v8;
	v21 =	vld.idx.msk [tilespmem:v41+s12+$0x0], $0xffff  }
0x3fd: {  	v14 =	vld.idx.msk [tilespmem:v14+s3+$0x0], $0xffff;
	v46 =	vadd.s32 $0x6834, v5;
	v52 =	vadd.f32 v20, v16;
	[tilespmem:v0+s22+$0x3180 ss:$0x1] =	vst.idx.msk $0xffff, v45  }
0x3fe: {  	v47 =	vadd.s32 $0x6834, v6;
	v19 =	vld.idx.msk [tilespmem:v43+s3+$0x0], $0xffff  }
0x3ff: {  	v53 =	vadd.s32 $0x6834, v12;
	v48 =	vadd.f32 v23, v18;
	[tilespmem:v0+s24+$0x3180 ss:$0x1] =	vst.idx.msk $0xffff, v52;
	v51 =	vld.idx.msk [tilespmem:v44+s12+$0x0], $0xffff  }
0x400: {  	v54 =	vadd.s32 $0x6834, v11;
	v18 =	vld.idx.msk [tilespmem:v49+s3+$0x0], $0xffff  }
0x401: {  	v22 =	vld.idx.msk [tilespmem:v50+s12+$0x0], $0xffff;
	[tilespmem:v0+s23+$0x3180 ss:$0x1] =	vst.idx.msk $0xffff, v48;
	v55 =	vadd.f32 v21, v10  }
0x402: {  	v56 =	vadd.s32 $0x6A35, v3;
	v17 =	vld.idx.msk [tilespmem:v46+s3+$0x0], $0xffff  }
0x403: {  	v57 =	vadd.s32 $0x6A35, v4;
	v15 =	vld.idx.msk [tilespmem:v47+s12+$0x0], $0xffff;
	[tilespmem:v0+s25+$0x3180 ss:$0x1] =	vst.idx.msk $0xffff, v55  }
0x404: {  	v62 =	vadd.s32 $0x6A35, v7;
	v58 =	vadd.f32 v51, v19;
	v16 =	vld.idx.msk [tilespmem:v53+s3+$0x0], $0xffff  }
0x405: {  	v63 =	vadd.s32 $0x6A35, v8;
	v20 =	vld.idx.msk [tilespmem:v54+s12+$0x0], $0xffff  }
0x406: {  	v13 =	vld.idx.msk [tilespmem:v13+s12+$0x0], $0xffff;
	v59 =	vadd.s32 $0x6A35, v5;
	v28 =	vadd.f32 v22, v18;
	[tilespmem:v0+s22+$0x3200 ss:$0x1] =	vst.idx.msk $0xffff, v58  }
0x407: {  	v60 =	vadd.s32 $0x6A35, v6;
	v10 =	vld.idx.msk [tilespmem:v56+s3+$0x0], $0xffff  }
0x408: {  	v29 =	vadd.s32 $0x6A35, v12;
	v61 =	vadd.f32 v15, v17;
	[tilespmem:v0+s24+$0x3200 ss:$0x1] =	vst.idx.msk $0xffff, v28;
	v21 =	vld.idx.msk [tilespmem:v57+s12+$0x0], $0xffff  }
0x409: {  	v30 =	vadd.s32 $0x6A35, v11;
	v15 =	vld.idx.msk [tilespmem:v62+s3+$0x0], $0xffff  }
0x40a: {  	v31 =	vadd.s32 $0x763B, v2;
	v17 =	vld.idx.msk [tilespmem:v63+s12+$0x0], $0xffff;
	[tilespmem:v0+s23+$0x3200 ss:$0x1] =	vst.idx.msk $0xffff, v61;
	v32 =	vadd.f32 v20, v16  }
0x40b: {  	v33 =	vadd.s32 $0x6C36, v3;
	v19 =	vld.idx.msk [tilespmem:v59+s3+$0x0], $0xffff  }
0x40c: {  	v13 =	vadd.f32 v13, v14;
	v34 =	vadd.s32 $0x6C36, v4;
	v23 =	vld.idx.msk [tilespmem:v60+s12+$0x0], $0xffff;
	[tilespmem:v0+s25+$0x3200 ss:$0x1] =	vst.idx.msk $0xffff, v32  }
0x40d: {  	v41 =	vadd.s32 $0x6C36, v7;
	v35 =	vadd.f32 v21, v10;
	v18 =	vld.idx.msk [tilespmem:v29+s3+$0x0], $0xffff  }
0x40e: {  	[tilespmem:v0+s21+$0x3900 ss:$0x1] =	vst.idx.msk $0xffff, v13;
	v42 =	vadd.s32 $0x6C36, v8;
	v38 =	vld.idx.msk [tilespmem:v30+s12+$0x0], $0xffff  }
0x40f: {  	v36 =	vadd.s32 $0x6C36, v5;
	v39 =	vld.idx.msk [tilespmem:v31+s3+$0x0], $0xffff;
	v43 =	vadd.f32 v17, v15;
	[tilespmem:v0+s22+$0x3280 ss:$0x1] =	vst.idx.msk $0xffff, v35  }
0x410: {  	v37 =	vadd.s32 $0x6C36, v6;
	v16 =	vld.idx.msk [tilespmem:v33+s3+$0x0], $0xffff  }
0x411: {  	v44 =	vadd.s32 $0x6C36, v12;
	v40 =	vadd.f32 v23, v19;
	[tilespmem:v0+s24+$0x3280 ss:$0x1] =	vst.idx.msk $0xffff, v43;
	v14 =	vld.idx.msk [tilespmem:v34+s12+$0x0], $0xffff  }
0x412: {  	v45 =	vadd.s32 $0x6C36, v11;
	v19 =	vld.idx.msk [tilespmem:v41+s3+$0x0], $0xffff  }
0x413: {  	v46 =	vadd.s32 $0x763B, v1;
	v22 =	vld.idx.msk [tilespmem:v42+s12+$0x0], $0xffff;
	[tilespmem:v0+s23+$0x3280 ss:$0x1] =	vst.idx.msk $0xffff, v40;
	v47 =	vadd.f32 v38, v18  }
0x414: {  	v48 =	vadd.s32 $0x6E37, v3;
	v10 =	vld.idx.msk [tilespmem:v36+s3+$0x0], $0xffff  }
0x415: {  	v49 =	vadd.s32 $0x6E37, v4;
	v13 =	vld.idx.msk [tilespmem:v37+s12+$0x0], $0xffff;
	[tilespmem:v0+s25+$0x3280 ss:$0x1] =	vst.idx.msk $0xffff, v47  }
0x416: {  	v54 =	vadd.s32 $0x6E37, v7;
	v50 =	vadd.f32 v14, v16;
	v15 =	vld.idx.msk [tilespmem:v44+s3+$0x0], $0xffff  }
0x417: {  	v56 =	vadd.s32 $0x6E37, v8;
	v17 =	vld.idx.msk [tilespmem:v45+s12+$0x0], $0xffff  }
0x418: {  	v51 =	vadd.s32 $0x6E37, v5;
	v23 =	vld.idx.msk [tilespmem:v46+s12+$0x0], $0xffff;
	v57 =	vadd.f32 v22, v19;
	[tilespmem:v0+s22+$0x3300 ss:$0x1] =	vst.idx.msk $0xffff, v50  }
0x419: {  	v52 =	vadd.s32 $0x6E37, v6;
	v55 =	vld.idx.msk [tilespmem:v48+s3+$0x0], $0xffff  }
0x41a: {  	v58 =	vadd.s32 $0x6E37, v12;
	v53 =	vadd.f32 v13, v10;
	[tilespmem:v0+s24+$0x3300 ss:$0x1] =	vst.idx.msk $0xffff, v57;
	v20 =	vld.idx.msk [tilespmem:v49+s12+$0x0], $0xffff  }
0x41b: {  	v59 =	vadd.s32 $0x6E37, v11;
	v10 =	vld.idx.msk [tilespmem:v54+s3+$0x0], $0xffff  }
0x41c: {  	v60 =	vadd.s32 $0x783C, v2;
	v18 =	vld.idx.msk [tilespmem:v56+s12+$0x0], $0xffff;
	[tilespmem:v0+s23+$0x3300 ss:$0x1] =	vst.idx.msk $0xffff, v53;
	v61 =	vadd.f32 v17, v15  }
0x41d: {  	v62 =	vadd.s32 $0x7038, v3;
	v14 =	vld.idx.msk [tilespmem:v51+s3+$0x0], $0xffff  }
0x41e: {  	v25 =	vadd.s32 $0x7038, v4;
	v63 =	vadd.f32 v23, v39;
	v16 =	vld.idx.msk [tilespmem:v52+s12+$0x0], $0xffff;
	[tilespmem:v0+s25+$0x3300 ss:$0x1] =	vst.idx.msk $0xffff, v61  }
0x41f: {  	v32 =	vadd.s32 $0x7038, v7;
	v26 =	vadd.f32 v20, v55;
	v19 =	vld.idx.msk [tilespmem:v58+s3+$0x0], $0xffff  }
0x420: {  	v33 =	vadd.s32 $0x7038, v8;
	[tilespmem:v0+s21+$0x3980 ss:$0x1] =	vst.idx.msk $0xffff, v63;
	v29 =	vld.idx.msk [tilespmem:v59+s12+$0x0], $0xffff  }
0x421: {  	v27 =	vadd.s32 $0x7038, v5;
	v30 =	vld.idx.msk [tilespmem:v60+s3+$0x0], $0xffff;
	v34 =	vadd.f32 v18, v10;
	[tilespmem:v0+s22+$0x3380 ss:$0x1] =	vst.idx.msk $0xffff, v26  }
0x422: {  	v28 =	vadd.s32 $0x7038, v6;
	v15 =	vld.idx.msk [tilespmem:v62+s3+$0x0], $0xffff  }
0x423: {  	v35 =	vadd.s32 $0x7038, v12;
	v31 =	vadd.f32 v16, v14;
	[tilespmem:v0+s24+$0x3380 ss:$0x1] =	vst.idx.msk $0xffff, v34;
	v21 =	vld.idx.msk [tilespmem:v25+s12+$0x0], $0xffff  }
0x424: {  	v36 =	vadd.s32 $0x7038, v11;
	v14 =	vld.idx.msk [tilespmem:v32+s3+$0x0], $0xffff  }
0x425: {  	v37 =	vadd.s32 $0x783C, v1;
	v16 =	vld.idx.msk [tilespmem:v33+s12+$0x0], $0xffff;
	[tilespmem:v0+s23+$0x3380 ss:$0x1] =	vst.idx.msk $0xffff, v31;
	v38 =	vadd.f32 v29, v19  }
0x426: {  	v39 =	vadd.s32 $0x7239, v3;
	v13 =	vld.idx.msk [tilespmem:v27+s3+$0x0], $0xffff  }
0x427: {  	v40 =	vadd.s32 $0x7239, v4;
	v17 =	vld.idx.msk [tilespmem:v28+s12+$0x0], $0xffff;
	[tilespmem:v0+s25+$0x3380 ss:$0x1] =	vst.idx.msk $0xffff, v38  }
0x428: {  	v45 =	vadd.s32 $0x7239, v7;
	v41 =	vadd.f32 v21, v15;
	v10 =	vld.idx.msk [tilespmem:v35+s3+$0x0], $0xffff  }
0x429: {  	v47 =	vadd.s32 $0x7239, v8;
	v18 =	vld.idx.msk [tilespmem:v36+s12+$0x0], $0xffff  }
0x42a: {  	v42 =	vadd.s32 $0x7239, v5;
	v23 =	vld.idx.msk [tilespmem:v37+s12+$0x0], $0xffff;
	v48 =	vadd.f32 v16, v14;
	[tilespmem:v0+s22+$0x3800 ss:$0x1] =	vst.idx.msk $0xffff, v41  }
0x42b: {  	v43 =	vadd.s32 $0x7239, v6;
	v46 =	vld.idx.msk [tilespmem:v39+s3+$0x0], $0xffff  }
0x42c: {  	v49 =	vadd.s32 $0x7239, v12;
	v44 =	vadd.f32 v17, v13;
	[tilespmem:v0+s24+$0x3800 ss:$0x1] =	vst.idx.msk $0xffff, v48;
	v20 =	vld.idx.msk [tilespmem:v40+s12+$0x0], $0xffff  }
0x42d: {  	v50 =	vadd.s32 $0x7239, v11;
	v13 =	vld.idx.msk [tilespmem:v45+s3+$0x0], $0xffff  }
0x42e: {  	v51 =	vadd.s32 $0x7A3D, v2;
	v19 =	vld.idx.msk [tilespmem:v47+s12+$0x0], $0xffff;
	[tilespmem:v0+s23+$0x3800 ss:$0x1] =	vst.idx.msk $0xffff, v44;
	v52 =	vadd.f32 v18, v10  }
0x42f: {  	v53 =	vadd.s32 $0x743A, v3;
	v15 =	vld.idx.msk [tilespmem:v42+s3+$0x0], $0xffff  }
0x430: {  	v54 =	vadd.f32 v23, v30;
	v55 =	vadd.s32 $0x743A, v4;
	v21 =	vld.idx.msk [tilespmem:v43+s12+$0x0], $0xffff;
	[tilespmem:v0+s25+$0x3800 ss:$0x1] =	vst.idx.msk $0xffff, v52  }
0x431: {  	v61 =	vadd.s32 $0x743A, v7;
	v56 =	vadd.f32 v20, v46;
	v14 =	vld.idx.msk [tilespmem:v49+s3+$0x0], $0xffff  }
0x432: {  	[tilespmem:v0+s21+$0x3A00 ss:$0x1] =	vst.idx.msk $0xffff, v54;
	v62 =	vadd.s32 $0x743A, v8;
	v16 =	vld.idx.msk [tilespmem:v50+s12+$0x0], $0xffff  }
0x433: {  	v57 =	vadd.s32 $0x743A, v5;
	v59 =	vld.idx.msk [tilespmem:v51+s3+$0x0], $0xffff;
	v63 =	vadd.f32 v19, v13;
	[tilespmem:v0+s22+$0x3880 ss:$0x1] =	vst.idx.msk $0xffff, v56  }
0x434: {  	v58 =	vadd.s32 $0x743A, v6;
	v10 =	vld.idx.msk [tilespmem:v53+s3+$0x0], $0xffff  }
0x435: {  	v24 =	vadd.s32 $0x743A, v12;
	v60 =	vadd.f32 v21, v15;
	[tilespmem:v0+s24+$0x3880 ss:$0x1] =	vst.idx.msk $0xffff, v63;
	v22 =	vld.idx.msk [tilespmem:v55+s12+$0x0], $0xffff  }
0x436: {  	v25 =	vadd.s32 $0x743A, v11;
	v15 =	vld.idx.msk [tilespmem:v61+s3+$0x0], $0xffff  }
0x437: {  	v26 =	vadd.s32 $0x7A3D, v1;
	v21 =	vld.idx.msk [tilespmem:v62+s12+$0x0], $0xffff;
	[tilespmem:v0+s23+$0x3880 ss:$0x1] =	vst.idx.msk $0xffff, v60;
	v27 =	vadd.f32 v16, v14  }
0x438: {  	v28 =	vadd.s32 $0x763B, v3;
	v17 =	vld.idx.msk [tilespmem:v57+s3+$0x0], $0xffff  }
0x439: {  	v29 =	vadd.s32 $0x763B, v4;
	v18 =	vld.idx.msk [tilespmem:v58+s12+$0x0], $0xffff;
	[tilespmem:v0+s25+$0x3880 ss:$0x1] =	vst.idx.msk $0xffff, v27  }
0x43a: {  	v34 =	vadd.s32 $0x763B, v7;
	v30 =	vadd.f32 v22, v10;
	v13 =	vld.idx.msk [tilespmem:v24+s3+$0x0], $0xffff  }
0x43b: {  	v35 =	vadd.s32 $0x763B, v8;
	v19 =	vld.idx.msk [tilespmem:v25+s12+$0x0], $0xffff  }
0x43c: {  	v31 =	vadd.s32 $0x763B, v5;
	v23 =	vld.idx.msk [tilespmem:v26+s12+$0x0], $0xffff;
	v36 =	vadd.f32 v21, v15;
	[tilespmem:v0+s22+$0x3900 ss:$0x1] =	vst.idx.msk $0xffff, v30  }
0x43d: {  	v32 =	vadd.s32 $0x763B, v6;
	v14 =	vld.idx.msk [tilespmem:v28+s3+$0x0], $0xffff  }
0x43e: {  	v37 =	vadd.s32 $0x763B, v12;
	v33 =	vadd.f32 v18, v17;
	[tilespmem:v0+s24+$0x3900 ss:$0x1] =	vst.idx.msk $0xffff, v36;
	v16 =	vld.idx.msk [tilespmem:v29+s12+$0x0], $0xffff  }
0x43f: {  	v38 =	vadd.s32 $0x763B, v11;
	v17 =	vld.idx.msk [tilespmem:v34+s3+$0x0], $0xffff  }
0x440: {  	v39 =	vadd.s32 $0x7C3E, v2;
	v18 =	vld.idx.msk [tilespmem:v35+s12+$0x0], $0xffff;
	[tilespmem:v0+s23+$0x3900 ss:$0x1] =	vst.idx.msk $0xffff, v33;
	v40 =	vadd.f32 v19, v13  }
0x441: {  	v41 =	vadd.s32 $0x783C, v3;
	v10 =	vld.idx.msk [tilespmem:v31+s3+$0x0], $0xffff  }
0x442: {  	v42 =	vadd.f32 v23, v59;
	v43 =	vadd.s32 $0x783C, v4;
	v22 =	vld.idx.msk [tilespmem:v32+s12+$0x0], $0xffff;
	[tilespmem:v0+s25+$0x3900 ss:$0x1] =	vst.idx.msk $0xffff, v40  }
0x443: {  	v50 =	vadd.s32 $0x783C, v7;
	v44 =	vadd.f32 v16, v14;
	v15 =	vld.idx.msk [tilespmem:v37+s3+$0x0], $0xffff  }
0x444: {  	v51 =	vadd.s32 $0x783C, v8;
	[tilespmem:v0+s21+$0x3A80 ss:$0x1] =	vst.idx.msk $0xffff, v42;
	v47 =	vld.idx.msk [tilespmem:v38+s12+$0x0], $0xffff  }
0x445: {  	v45 =	vadd.s32 $0x783C, v5;
	v48 =	vld.idx.msk [tilespmem:v39+s3+$0x0], $0xffff;
	v52 =	vadd.f32 v18, v17;
	[tilespmem:v0+s22+$0x3980 ss:$0x1] =	vst.idx.msk $0xffff, v44  }
0x446: {  	v46 =	vadd.s32 $0x783C, v6;
	v13 =	vld.idx.msk [tilespmem:v41+s3+$0x0], $0xffff  }
0x447: {  	v53 =	vadd.s32 $0x783C, v12;
	v49 =	vadd.f32 v22, v10;
	[tilespmem:v0+s24+$0x3980 ss:$0x1] =	vst.idx.msk $0xffff, v52;
	v20 =	vld.idx.msk [tilespmem:v43+s12+$0x0], $0xffff  }
0x448: {  	v54 =	vadd.s32 $0x783C, v11;
	v10 =	vld.idx.msk [tilespmem:v50+s3+$0x0], $0xffff  }
0x449: {  	v55 =	vadd.s32 $0x7C3E, v1;
	v22 =	vld.idx.msk [tilespmem:v51+s12+$0x0], $0xffff;
	[tilespmem:v0+s23+$0x3980 ss:$0x1] =	vst.idx.msk $0xffff, v49;
	v56 =	vadd.f32 v47, v15  }
0x44a: {  	v57 =	vadd.s32 $0x7A3D, v3;
	v14 =	vld.idx.msk [tilespmem:v45+s3+$0x0], $0xffff  }
0x44b: {  	v58 =	vadd.s32 $0x7A3D, v4;
	v16 =	vld.idx.msk [tilespmem:v46+s12+$0x0], $0xffff;
	[tilespmem:v0+s25+$0x3980 ss:$0x1] =	vst.idx.msk $0xffff, v56  }
0x44c: {  	v63 =	vadd.s32 $0x7A3D, v7;
	v59 =	vadd.f32 v20, v13;
	v17 =	vld.idx.msk [tilespmem:v53+s3+$0x0], $0xffff  }
0x44d: {  	v24 =	vadd.s32 $0x7A3D, v8;
	v18 =	vld.idx.msk [tilespmem:v54+s12+$0x0], $0xffff  }
0x44e: {  	v60 =	vadd.s32 $0x7A3D, v5;
	v23 =	vld.idx.msk [tilespmem:v55+s12+$0x0], $0xffff;
	v25 =	vadd.f32 v22, v10;
	[tilespmem:v0+s22+$0x3A00 ss:$0x1] =	vst.idx.msk $0xffff, v59  }
0x44f: {  	v61 =	vadd.s32 $0x7A3D, v6;
	v15 =	vld.idx.msk [tilespmem:v57+s3+$0x0], $0xffff  }
0x450: {  	v26 =	vadd.s32 $0x7A3D, v12;
	v62 =	vadd.f32 v16, v14;
	[tilespmem:v0+s24+$0x3A00 ss:$0x1] =	vst.idx.msk $0xffff, v25;
	v19 =	vld.idx.msk [tilespmem:v58+s12+$0x0], $0xffff  }
0x451: {  	v27 =	vadd.s32 $0x7A3D, v11;
	v14 =	vld.idx.msk [tilespmem:v63+s3+$0x0], $0xffff  }
0x452: {  	v28 =	vadd.s32 $0x7E3F, v2;
	v16 =	vld.idx.msk [tilespmem:v24+s12+$0x0], $0xffff;
	[tilespmem:v0+s23+$0x3A00 ss:$0x1] =	vst.idx.msk $0xffff, v62;
	v29 =	vadd.f32 v18, v17  }
0x453: {  	v30 =	vadd.s32 $0x7C3E, v3;
	v13 =	vld.idx.msk [tilespmem:v60+s3+$0x0], $0xffff  }
0x454: {  	v31 =	vadd.f32 v23, v48;
	v32 =	vadd.s32 $0x7C3E, v4;
	v20 =	vld.idx.msk [tilespmem:v61+s12+$0x0], $0xffff;
	[tilespmem:v0+s25+$0x3A00 ss:$0x1] =	vst.idx.msk $0xffff, v29  }
0x455: {  	v38 =	vadd.s32 $0x7C3E, v7;
	v33 =	vadd.f32 v19, v15;
	v10 =	vld.idx.msk [tilespmem:v26+s3+$0x0], $0xffff  }
0x456: {  	v39 =	vadd.s32 $0x7C3E, v8;
	[tilespmem:v0+s21+$0x3B00 ss:$0x1] =	vst.idx.msk $0xffff, v31;
	v36 =	vld.idx.msk [tilespmem:v27+s12+$0x0], $0xffff  }
0x457: {  	v34 =	vadd.s32 $0x7C3E, v5;
	v2 =	vld.idx.msk [tilespmem:v28+s3+$0x0], $0xffff;
	v40 =	vadd.f32 v16, v14;
	[tilespmem:v0+s22+$0x3A80 ss:$0x1] =	vst.idx.msk $0xffff, v33  }
0x458: {  	v35 =	vadd.s32 $0x7C3E, v6;
	v17 =	vld.idx.msk [tilespmem:v30+s3+$0x0], $0xffff  }
0x459: {  	v41 =	vadd.s32 $0x7C3E, v12;
	v37 =	vadd.f32 v20, v13;
	[tilespmem:v0+s24+$0x3A80 ss:$0x1] =	vst.idx.msk $0xffff, v40;
	v21 =	vld.idx.msk [tilespmem:v32+s12+$0x0], $0xffff  }
0x45a: {  	v42 =	vadd.s32 $0x7C3E, v11;
	v46 =	vld.idx.msk [tilespmem:v38+s3+$0x0], $0xffff  }
0x45b: {  	v43 =	vadd.s32 $0x7E3F, v1;
	v48 =	vld.idx.msk [tilespmem:v39+s12+$0x0], $0xffff;
	[tilespmem:v0+s23+$0x3A80 ss:$0x1] =	vst.idx.msk $0xffff, v37;
	v44 =	vadd.f32 v36, v10  }
0x45c: {  	v45 =	vadd.s32 $0x7E3F, v3;
	v15 =	vld.idx.msk [tilespmem:v34+s3+$0x0], $0xffff  }
0x45d: {  	v47 =	vadd.s32 $0x7E3F, v4;
	v18 =	vld.idx.msk [tilespmem:v35+s12+$0x0], $0xffff;
	[tilespmem:v0+s25+$0x3A80 ss:$0x1] =	vst.idx.msk $0xffff, v44  }
0x45e: {  	v53 =	vadd.s32 $0x7E3F, v7;
	v49 =	vadd.f32 v21, v17;
	v14 =	vld.idx.msk [tilespmem:v41+s3+$0x0], $0xffff  }
0x45f: {  	v54 =	vadd.s32 $0x7E3F, v8;
	v16 =	vld.idx.msk [tilespmem:v42+s12+$0x0], $0xffff  }
0x460: {  	v50 =	vadd.s32 $0x7E3F, v5;
	v1 =	vld.idx.msk [tilespmem:v43+s12+$0x0], $0xffff;
	v55 =	vadd.f32 v48, v46;
	[tilespmem:v0+s22+$0x3B00 ss:$0x1] =	vst.idx.msk $0xffff, v49  }
0x461: {  	v51 =	vadd.s32 $0x7E3F, v6;
	v3 =	vld.idx.msk [tilespmem:v45+s3+$0x0], $0xffff  }
0x462: {  	v56 =	vadd.s32 $0x7E3F, v12;
	v52 =	vadd.f32 v18, v15;
	[tilespmem:v0+s24+$0x3B00 ss:$0x1] =	vst.idx.msk $0xffff, v55;
	v4 =	vld.idx.msk [tilespmem:v47+s12+$0x0], $0xffff  }
0x463: {  	v57 =	vadd.s32 $0x7E3F, v11;
	v7 =	vld.idx.msk [tilespmem:v53+s3+$0x0], $0xffff  }
0x464: {  	v8 =	vld.idx.msk [tilespmem:v54+s12+$0x0], $0xffff;
	[tilespmem:v0+s23+$0x3B00 ss:$0x1] =	vst.idx.msk $0xffff, v52;
	v58 =	vadd.f32 v16, v14  }
0x465: {  	v5 =	vld.idx.msk [tilespmem:v50+s3+$0x0], $0xffff  }
0x466: {  	v6 =	vld.idx.msk [tilespmem:v51+s12+$0x0], $0xffff;
	[tilespmem:v0+s25+$0x3B00 ss:$0x1] =	vst.idx.msk $0xffff, v58  }
0x467: {  	v9 =	vld.idx.msk [tilespmem:v56+s3+$0x0], $0xffff  }
0x468: {  	v59 =	vld.idx.msk [tilespmem:v57+s12+$0x0], $0xffff  }
0x469: {  	v1 =	vadd.f32 v1, v2  }
0x46a: {  	v60 =	vadd.f32 v4, v3  }
0x46b: {  	[tilespmem:v0+s21+$0x3B80 ss:$0x1] =	vst.idx.msk $0xffff, v1;
	v62 =	vadd.f32 v8, v7  }
0x46c: {  	s4 =	sshll.u32 s19, $0xA;
	v61 =	vadd.f32 v6, v5;
	[tilespmem:v0+s22+$0x3B80 ss:$0x1] =	vst.idx.msk $0xffff, v60  }
0x46d: {  	s4 =	sadd.s32 s9, s4;
	[tilespmem:v0+s24+$0x3B80 ss:$0x1] =	vst.idx.msk $0xffff, v62;
	v63 =	vadd.f32 v59, v9  }
0x46e: {  	s4 =	sshrl.u32 s4, $0x3;
	[tilespmem:v0+s23+$0x3B80 ss:$0x1] =	vst.idx.msk $0xffff, v61  }
0x46f: {  	s14 =	sadd.s32 $0x1, s20;
	s4 =	sadd.s32 s2, s4;
	[tilespmem:v0+s25+$0x3B80 ss:$0x1] =	vst.idx.msk $0xffff, v63  }
0x470: {  	[hbm4b:s4+s3] =	stream.linear.scatter [tilespmem:s0], [sflag:s14], $0x400, $0x38;
	[tilespmem:$0x15100] =	vst v63  }
0x471: {  	s22 =	sadd.s32 $0x1000, s4  }
0x472: {  	[hbm4b:s22+s3] =	stream.linear.scatter [tilespmem:s31], [sflag:s14], $0x400, $0x38;
	[tilespmem:$0x15100] =	vst v63  }
0x473: {  	s23 =	sadd.s32 $0x2000, s4  }
0x474: {  	[hbm4b:s23+s3] =	stream.linear.scatter [tilespmem:s29], [sflag:s14], $0x400, $0x38;
	[tilespmem:$0x15100] =	vst v63  }
0x475: {  	s24 =	sadd.s32 $0x3000, s4  }
0x476: {  	[hbm4b:s24+s3] =	stream.linear.scatter [tilespmem:s30], [sflag:s14], $0x400, $0x38;
	[tilespmem:$0x15100] =	vst v63  }
0x477: {  	s19 =	sadd.s32 $0x1, s19;
	s25 =	sadd.s32 $0x4000, s4  }
0x478: {  	[hbm4b:s25+s3] =	stream.linear.scatter [tilespmem:s28], [sflag:s14], $0x400, $0x38;
	[tilespmem:$0x15100] =	vst v63  }
0x479: {  	p1 =	sne.s32 s19, $0x10;
	s29 =	sadd.s32 $0x5000, s4  }
0x47a: {  	[hbm4b:s29+s3] =	stream.linear.scatter [tilespmem:s26], [sflag:s14], $0x400, $0x38;
	[tilespmem:$0x15100] =	vst v63  }
.Ltmp1:
0x47b: {  	_ = 	snop;
	(pc) =	sbr.rel @p1 .LBB2_2-.Ltmp1, $4  }
0x47c: {  	s18 =	sadd.s32 $0x80, s18;
	s30 =	sadd.s32 $0x6000, s4  }
0x47d: {  	[hbm4b:s30+s3] =	stream.linear.scatter [tilespmem:s13], [sflag:s14], $0x400, $0x38;
	[tilespmem:$0x15100] =	vst v63  }
0x47e: {  	s17 =	sadd.s32 $0x80, s17;
	p0 =	por !p0, !p0;
	s31 =	sadd.s32 $0x7000, s4  }
0x47f: {  	[hbm4b:s31+s3] =	stream.linear.scatter [tilespmem:s1], [sflag:s14], $0x400, $0x38;
	[tilespmem:$0x15100] =	vst v63  }
0x480: {  	s16 =	sadd.s32 $0x1, s16  }
0x481: {  	_ =	swait.ge [sflag:s6], $0x2000;
	p0 =	sne.s32 s16, s10  }
.Ltmp2:
0x482: {  	[sflag:s6] =	ssyncset.done $0x0;
	(pc) =	sbr.rel @p0 .LBB2_1-.Ltmp2, $4  }
0x483: {  	[sflag:s6] =	ssyncadd.s32 $0xFFFFE000  }
0x484: {  	_ =	swait.ge [sflag:s15], $0x2000  }
0x485: {  	[sflag:s15] =	ssyncset.done $0x0  }
0x486: {  	[sflag:s15] =	ssyncadd.s32 $0xFFFFE000  }
0x487: {  	_ =	sfence.sel $0x180000  }
0x488: {  	[bflag:$0x0] =	sbarrier.arrive $0xFFFF  }
0x489: {  	_ =	strace $0x90000047  }
0x48a: {  	s0 =	stileid.u32;
	[bflag:$0x2] =	sbarrier.arrive $0xFFFF  }
0x48b: {  	p0 =	sne.s32 s0, $0x0;
	s0 =	rddreg [dreg:$0x4]  }
0x48c: {  	s0 =	sadd.s32 @!p0 $0x100000, s0  }
0x48d: {  	[sflag:s0] =	ssyncadd.tile.s32 @!p0 $0x1;
	_ =	shalt  }
.Lfunc_end2:
_tile_overlayer_lowered:
.L_overlay_start_2:
0x48e: {  	(tag) =	ssettag $0x2  }
0x48f: {  	s0 =	rddreg [dreg:$0x0];
	s2 =	stileid.u32  }
0x490: {  	s1 =	rddreg [dreg:$0x1];
	p0 =	sne.s32 s2, $0x0  }
0x491: {  	s3 =	rddreg [dreg:$0x2];
	[bflag:$0x3] =	sbarrier.arrive $0xFFFF;
	s2 =	simm.s32 @!p0 $0x1C03  }
0x492: {  	[timem:s3], [sflag:s2] =	dma.local @!p0 [hbm:s0], s1  }
0x493: {  	s0 =	simm.s32 @!p0 $0x3  }
0x494: {  	_ =	swait.ge @!p0 [sflag:s0], s1  }
0x495: {  	s1 =	ssub.s32 @!p0 $0x0, s1;
	[sflag:s0] =	ssyncset.done @!p0 $0x0  }
0x496: {  	[sflag:s0] =	ssyncadd.s32 @!p0 s1  }
0x497: {  	[bflag:$0x3] =	sbarrier.arrive $0xFFFF  }
0x498: {  	_ =	shalt  }

</sc_bundles>
